<compile_context>
chip_gen: v7x
topology: tpu7x:2x2x1
jax: 0.10.2.dev20260603
libtpu: 0.0.44.dev20260713+nightly
codegen_flags: <defaults>
</compile_context>

<pallas_src>
import functools

import jax
import jax.numpy as jnp
from jax import lax
from jax.experimental import pallas as pl
from jax.experimental.pallas import tpu as pltpu
from jax.experimental.pallas import tpu_sc as plsc

_H = 512
_W = 512
_B = 16
_BIG = _H + _W
_NJ = _W // 16

_NSC = 4
_NTC = _B - _NSC
_SPI = 32 // _NSC
_ROWS_PER_SUB = _NSC * _H // 32
_CHUNK = 32
_NCH = _ROWS_PER_SUB // _CHUNK


def _lane_allreduce(v, op, lane):
    for sh in (8, 4, 2, 1):
        idx = jnp.bitwise_xor(lane, sh)
        pv = lax.gather(
            v, idx[:, None],
            lax.GatherDimensionNumbers(offset_dims=(),
                                       collapsed_slice_dims=(0,),
                                       start_index_map=(0,)),
            slice_sizes=(1,),
            mode=lax.GatherScatterMode.PROMISE_IN_BOUNDS)
        v = op(v, pv)
    return v


def _lane_pack(vals, lane):
    out = jnp.zeros((16,), vals[0].dtype)
    for i, v in enumerate(vals):
        out = jnp.where(lane == i, v, out)
    return out


def _sc_body(mask_hbm, out_hbm, part_hbm, buf0, buf1, colcnt, tmp8, tb, tmpf,
             sem0, sem1):
    c = lax.axis_index("c")
    s = lax.axis_index("s")
    wid = c * 16 + s
    b = wid // _SPI
    p = wid % _SPI
    row_base = b * _H + p * _ROWS_PER_SUB
    y_base = p * _ROWS_PER_SUB

    zero16 = jnp.zeros((16,), jnp.int32)
    one_i = jnp.int32(1)
    zero_i = jnp.int32(0)
    for j in range(_NJ):
        colcnt[pl.ds(j * 16, 16)] = zero16

    bufs = (buf0, buf1)
    sems = (sem0, sem1)
    cps = [None, None]
    cps[0] = pltpu.async_copy(mask_hbm.at[pl.ds(row_base, _CHUNK)], buf0, sem0)

    big_v = jnp.full((16,), _BIG, jnp.int32)
    neg1_v = jnp.full((16,), -1, jnp.int32)
    carry = (zero16, big_v, neg1_v)

    for ch in range(_NCH):
        cur = ch % 2
        nxt = (ch + 1) % 2
        if ch + 1 < _NCH:
            cps[nxt] = pltpu.async_copy(
                mask_hbm.at[pl.ds(row_base + (ch + 1) * _CHUNK, _CHUNK)],
                bufs[nxt], sems[nxt])
        cps[cur].wait()
        buf = bufs[cur]
        y0 = y_base + ch * _CHUNK

        def row_body(r, carry, buf=buf, y0=y0):
            sum_y, y_min, y_max = carry

            @plsc.parallel_loop(0, _W, step=16, unroll=8, carry=zero16)
            def rowcnt(off, rc):
                v = buf[r, pl.ds(off, 16)]
                sel = jnp.where(v > 0.5, one_i, zero_i)
                plsc.addupdate(colcnt.at[pl.ds(off, 16)], sel)
                return rc + sel

            yv = jnp.broadcast_to(y0 + r, (16,)).astype(jnp.int32)
            any_ = rowcnt > 0
            sum_y = sum_y + yv * rowcnt
            y_min = jnp.minimum(y_min, jnp.where(any_, yv, big_v))
            y_max = jnp.where(any_, yv, y_max)
            return (sum_y, y_min, y_max)

        carry = lax.fori_loop(0, _CHUNK, row_body, carry)

    sum_y_v, y_min_v, y_max_v = carry

    lane = lax.iota(jnp.int32, 16)
    cnt_v = zero16
    sum_x_v = zero16
    x_min_v = big_v
    x_max_v = neg1_v
    for j in range(_NJ):
        cc = colcnt[pl.ds(j * 16, 16)]
        xv = lane + (j * 16)
        cnt_v = cnt_v + cc
        sum_x_v = sum_x_v + xv * cc
        colany = cc > 0
        x_min_v = jnp.minimum(x_min_v, jnp.where(colany, xv, big_v))
        x_max_v = jnp.maximum(x_max_v, jnp.where(colany, xv, neg1_v))

    cnt_r = _lane_allreduce(cnt_v, jnp.add, lane)
    sy_r = _lane_allreduce(sum_y_v, jnp.add, lane)
    sx_r = _lane_allreduce(sum_x_v, jnp.add, lane)
    ymin_r = _lane_allreduce(y_min_v, jnp.minimum, lane)
    ymax_r = _lane_allreduce(y_max_v, jnp.maximum, lane)
    xmin_r = _lane_allreduce(x_min_v, jnp.minimum, lane)
    xmax_r = _lane_allreduce(x_max_v, jnp.maximum, lane)

    tmp8[0, :] = cnt_r
    tmp8[1, :] = sy_r
    tmp8[2, :] = sx_r
    tmp8[3, :] = ymin_r
    tmp8[4, :] = ymax_r
    tmp8[5, :] = xmin_r
    tmp8[6, :] = xmax_r
    tmp8[7, :] = zero16

    pltpu.sync_copy(tmp8, part_hbm.at[wid])
    plsc.subcore_barrier()

    @pl.when(p == 0)
    def _():
        count_v, sy_v, sx_v = cnt_r, sy_r, sx_r
        ymin_v, ymax_v, xmin_v, xmax_v = ymin_r, ymax_r, xmin_r, xmax_r
        pltpu.sync_copy(part_hbm.at[pl.ds(wid + 1, _SPI - 1)], tb)
        for q in range(_SPI - 1):
            count_v = count_v + tb[q, 0, :]
            sy_v = sy_v + tb[q, 1, :]
            sx_v = sx_v + tb[q, 2, :]
            ymin_v = jnp.minimum(ymin_v, tb[q, 3, :])
            ymax_v = jnp.maximum(ymax_v, tb[q, 4, :])
            xmin_v = jnp.minimum(xmin_v, tb[q, 5, :])
            xmax_v = jnp.maximum(xmax_v, tb[q, 6, :])

        height = ymax_v - ymin_v + 1
        width = xmax_v - xmin_v + 1
        size = jnp.maximum(height, width)
        cy_i = lax.shift_right_arithmetic(ymin_v + ymax_v, 1)
        cx_i = lax.shift_right_arithmetic(xmin_v + xmax_v, 1)
        half_sz = lax.shift_right_arithmetic(size, 1)
        y1 = jnp.maximum(0, cy_i - half_sz)
        x1 = jnp.maximum(0, cx_i - half_sz)
        y2 = jnp.minimum(_H, cy_i + half_sz)
        x2 = jnp.minimum(_W, cx_i + half_sz)

        empty = count_v == 0
        denom = jnp.maximum(count_v.astype(jnp.float32), 1.0)
        cy_f = sy_v.astype(jnp.float32) / denom
        cx_f = sx_v.astype(jnp.float32) / denom
        cy_f = jnp.where(empty, jnp.float32(_H // 2), cy_f)
        cx_f = jnp.where(empty, jnp.float32(_W // 2), cx_f)
        size_f = jnp.where(empty, min(_H, _W) // 2, size).astype(jnp.float32)
        y1_f = jnp.where(empty, _H // 4, y1).astype(jnp.float32)
        x1_f = jnp.where(empty, _W // 4, x1).astype(jnp.float32)
        y2_f = jnp.where(empty, 3 * _H // 4, y2).astype(jnp.float32)
        x2_f = jnp.where(empty, 3 * _W // 4, x2).astype(jnp.float32)

        outv = _lane_pack([cy_f, cx_f, size_f, y1_f, x1_f, y2_f, x2_f], lane)
        tmpf[...] = outv
        pltpu.sync_copy(tmpf, out_hbm.at[b])


_sc_kernel = functools.partial(
    pl.kernel,
    mesh=plsc.VectorSubcoreMesh(core_axis_name="c", subcore_axis_name="s"),
    out_type=(
        jax.ShapeDtypeStruct((_NSC, 16), jnp.float32),
        jax.ShapeDtypeStruct((32, 8, 16), jnp.int32),
    ),
    scratch_types=[
        pltpu.VMEM((_CHUNK, _W), jnp.float32),
        pltpu.VMEM((_CHUNK, _W), jnp.float32),
        pltpu.VMEM((_W,), jnp.int32),
        pltpu.VMEM((8, 16), jnp.int32),
        pltpu.VMEM((_SPI - 1, 8, 16), jnp.int32),
        pltpu.VMEM((16,), jnp.float32),
        pltpu.SemaphoreType.DMA,
        pltpu.SemaphoreType.DMA,
    ],
)(_sc_body)


def _tc_body(mask_ref, stats_ref):
    v = mask_ref[0]
    mb = (v > 0.5).astype(jnp.bfloat16)

    ones_w = jnp.ones((_W, 1), jnp.bfloat16)
    rowcount = jax.lax.dot_general(
        mb, ones_w, (((1,), (0,)), ((), ())),
        preferred_element_type=jnp.float32)[:, 0]
    colcount = jnp.sum(mb.astype(jnp.float32), axis=0)

    yidx = lax.iota(jnp.int32, _H).astype(jnp.float32)
    xidx = lax.iota(jnp.int32, _W).astype(jnp.float32)
    count = jnp.sum(rowcount)
    sum_y = jnp.sum(yidx * rowcount)
    sum_x = jnp.sum(xidx * colcount)

    bigf = jnp.float32(_BIG)
    y_min = jnp.min(jnp.where(rowcount > 0.0, yidx, bigf)).astype(jnp.int32)
    y_max = jnp.max(jnp.where(rowcount > 0.0, yidx, -1.0)).astype(jnp.int32)
    x_min = jnp.min(jnp.where(colcount > 0.0, xidx, bigf)).astype(jnp.int32)
    x_max = jnp.max(jnp.where(colcount > 0.0, xidx, -1.0)).astype(jnp.int32)

    denom = jnp.maximum(count, 1.0)
    center_y = sum_y / denom
    center_x = sum_x / denom

    height = y_max - y_min + 1
    width = x_max - x_min + 1
    size = jnp.maximum(height, width)

    cy_i = (y_min + y_max) // 2
    cx_i = (x_min + x_max) // 2
    half = size // 2
    y1 = jnp.maximum(0, cy_i - half)
    x1 = jnp.maximum(0, cx_i - half)
    y2 = jnp.minimum(_H, cy_i + half)
    x2 = jnp.minimum(_W, cx_i + half)

    empty = count == 0.0
    center_y = jnp.where(empty, jnp.float32(_H // 2), center_y)
    center_x = jnp.where(empty, jnp.float32(_W // 2), center_x)
    size_out = jnp.where(empty, jnp.int32(min(_H, _W) // 2), size)
    y1 = jnp.where(empty, jnp.int32(_H // 4), y1)
    x1 = jnp.where(empty, jnp.int32(_W // 4), x1)
    y2 = jnp.where(empty, jnp.int32(3 * _H // 4), y2)
    x2 = jnp.where(empty, jnp.int32(3 * _W // 4), x2)

    stats_ref[0, 0, 0] = center_y
    stats_ref[0, 0, 1] = center_x
    stats_ref[0, 0, 2] = size_out.astype(jnp.float32)
    stats_ref[0, 0, 3] = y1.astype(jnp.float32)
    stats_ref[0, 0, 4] = x1.astype(jnp.float32)
    stats_ref[0, 0, 5] = y2.astype(jnp.float32)
    stats_ref[0, 0, 6] = x2.astype(jnp.float32)
    for k in range(7, 16):
        stats_ref[0, 0, k] = jnp.float32(0)


def _tc_kernel(m3):
    return pl.pallas_call(
        _tc_body,
        grid=(_NTC,),
        in_specs=[pl.BlockSpec((1, _H, _W), lambda b: (b + _NSC, 0, 0))],
        out_specs=[
            pl.BlockSpec((1, 1, 16), lambda b: (b, 0, 0),
                         memory_space=pltpu.SMEM),
        ],
        out_shape=[
            jax.ShapeDtypeStruct((_NTC, 1, 16), jnp.float32),
        ],
        compiler_params=pltpu.CompilerParams(
            dimension_semantics=("arbitrary",),
        ),
    )(m3)


@jax.jit
def kernel(mask):
    B = mask.shape[0]
    m3 = mask.reshape(B, _H, _W)
    m2 = m3.reshape(B * _H, _W)

    sc_stats, _ = _sc_kernel(m2)
    (tc_stats,) = _tc_kernel(m3)

    stats = jnp.concatenate([sc_stats, tc_stats.reshape(_NTC, 16)], axis=0)
    centers = stats[:, :2]
    sizes = stats[:, 2].astype(jnp.int32)
    bboxes = stats[:, 3:7].astype(jnp.int32)
    return centers, sizes, bboxes

# --- scband reference (transcript-rebuilt; emitter-appended) ---
"""Pipeline reference for scband-dynamic-mask-analyzer-70205535421034 (READ-ONLY COPY).

The authoritative reference and input builder live on the scoring server;
editing this copy changes nothing except your own understanding.
"""

import jax, jax.numpy as jnp
import numpy as np

def setup_inputs(seed: int = 0) -> dict:
    key = jax.random.key(seed)
    mask = jax.random.uniform(key, (16, 1, 512, 512), dtype=jnp.float32)
    return {"mask": mask}

def reference(mask):
    # Faithful vectorized translation of DynamicMaskAnalyzer.find_mask_center_and_bbox.
    # The torch version loops over the batch and uses nonzero(); here we use masked
    # reductions which compute the identical centers / bboxes without data-dependent shapes.
    B, _, H, W = mask.shape
    m = mask[:, 0] > 0.5  # [B, H, W] bool
    mf = m.astype(jnp.float32)
    count = mf.sum(axis=(1, 2))  # [B]

    yyf = jnp.arange(H, dtype=jnp.float32)[None, :, None]
    xxf = jnp.arange(W, dtype=jnp.float32)[None, None, :]
    denom = jnp.maximum(count, 1.0)
    center_y = (yyf * mf).sum(axis=(1, 2)) / denom
    center_x = (xxf * mf).sum(axis=(1, 2)) / denom

    yi = jnp.arange(H, dtype=jnp.int32)[None, :, None] * jnp.ones((1, 1, W), dtype=jnp.int32)
    xi = jnp.arange(W, dtype=jnp.int32)[None, None, :] * jnp.ones((1, H, 1), dtype=jnp.int32)
    big = jnp.int32(H + W)
    y_min = jnp.where(m, yi, big).min(axis=(1, 2))
    y_max = jnp.where(m, yi, jnp.int32(-1)).max(axis=(1, 2))
    x_min = jnp.where(m, xi, big).min(axis=(1, 2))
    x_max = jnp.where(m, xi, jnp.int32(-1)).max(axis=(1, 2))

    height = y_max - y_min + 1
    width = x_max - x_min + 1
    size = jnp.maximum(height, width)

    cy_i = (y_min + y_max) // 2
    cx_i = (x_min + x_max) // 2
    half = size // 2
    y1 = jnp.maximum(0, cy_i - half)
    x1 = jnp.maximum(0, cx_i - half)
    y2 = jnp.minimum(H, cy_i + half)
    x2 = jnp.minimum(W, cx_i + half)

    empty = count == 0.0
    centers = jnp.stack([center_y, center_x], axis=1)  # [B, 2] float32
    fallback_center = jnp.array([H // 2, W // 2], dtype=jnp.float32)
    centers = jnp.where(empty[:, None], fallback_center[None, :], centers)

    bbox_sizes = jnp.where(empty, jnp.int32(min(H, W) // 2), size)  # [B]

    bboxes = jnp.stack([y1, x1, y2, x2], axis=1)  # [B, 4]
    fallback_bbox = jnp.array([H // 4, W // 4, 3 * H // 4, 3 * W // 4], dtype=bboxes.dtype)
    bboxes = jnp.where(empty[:, None], fallback_bbox[None, :], bboxes)

    return centers, bbox_sizes, bboxes

if __name__ == "__main__":
    import jax
    _d = setup_inputs()
    print(jax.jit(kernel)(*tuple(_d.values())))

</pallas_src>

<mosaic_0001>
#map = affine_map<(d0, d1) -> (0, 0)>
#map1 = affine_map<(d0, d1) -> (0, 0, 0)>
module attributes {stable_mosaic.version = 14 : i64} {
  func.func @_sc_body(%arg0: i32, %arg1: i32, %arg2: memref<8192x512xf32, #tpu.memory_space<hbm>>, %arg3: memref<4x16xf32, #tpu.memory_space<hbm>>, %arg4: memref<32x8x16xi32, #tpu.memory_space<hbm>>, %arg5: memref<32x512xf32, #tpu.memory_space<vmem>>, %arg6: memref<32x512xf32, #tpu.memory_space<vmem>>, %arg7: memref<512xi32, #tpu.memory_space<vmem>>, %arg8: memref<8x16xi32, #tpu.memory_space<vmem>>, %arg9: memref<7x8x16xi32, #tpu.memory_space<vmem>>, %arg10: memref<16xf32, #tpu.memory_space<vmem>>, %arg11: memref<!tpu.dma_semaphore, #tpu.memory_space<semaphore_mem>>, %arg12: memref<!tpu.dma_semaphore, #tpu.memory_space<semaphore_mem>>) attributes {dimension_semantics = [#tpu.dimension_semantics<core_parallel>, #tpu.dimension_semantics<subcore_parallel>], iteration_bounds = array<i64: 2, 16>, scalar_prefetch = 0 : i64, scratch_operands = 8 : i64, tpu.core_type = #tpu.core_type<sc_vector_subcore>, window_params = [{transform_indices = #map}, {transform_indices = #map}, {transform_indices = #map1}]} {
    %mul3A = arith.constant 16 : i32
    %mul3A_0 = arith.muli %arg0, %mul3A : i32
    %add3A = arith.addi %mul3A_0, %arg1 : i32
    %jit3A = arith.constant 8 : i32
    %div3A = arith.divsi %add3A, %jit3A : i32
    %sign3A = arith.constant 0 : i32
    %sign3A_1 = arith.cmpi sgt, %add3A, %sign3A : i32
    %sign3A_2 = arith.extui %sign3A_1 : i1 to i32
    %sign3A_3 = arith.constant 0 : i32
    %sign3A_4 = arith.cmpi slt, %add3A, %sign3A_3 : i32
    %sign3A_5 = arith.extui %sign3A_4 : i1 to i32
    %sign3A_6 = arith.subi %sign3A_2, %sign3A_5 : i32
    %sign3A_7 = arith.constant 0 : i32
    %sign3A_8 = arith.cmpi sgt, %jit3A, %sign3A_7 : i32
    %sign3A_9 = arith.extui %sign3A_8 : i1 to i32
    %sign3A_10 = arith.constant 0 : i32
    %sign3A_11 = arith.cmpi slt, %jit3A, %sign3A_10 : i32
    %sign3A_12 = arith.extui %sign3A_11 : i1 to i32
    %sign3A_13 = arith.subi %sign3A_9, %sign3A_12 : i32
    %ne3A = arith.cmpi ne, %sign3A_6, %sign3A_13 : i32
    %rem3A = arith.remsi %add3A, %jit3A : i32
    %ne3A_14 = arith.constant 0 : i32
    %ne3A_15 = arith.cmpi ne, %rem3A, %ne3A_14 : i32
    %and3A = arith.andi %ne3A, %ne3A_15 : i1
    %sub3A = arith.constant 1 : i32
    %sub3A_16 = arith.subi %div3A, %sub3A : i32
    %select_n3A = arith.select %and3A, %sub3A_16, %div3A : i32
    %jit3A_17 = arith.constant 8 : i32
    %eq3A = arith.constant 0 : i32
    %eq3A_18 = arith.cmpi eq, %jit3A_17, %eq3A : i32
    %jit3A_19 = arith.constant 1 : i32
    %select_n3A_20 = arith.select %eq3A_18, %jit3A_19, %jit3A_17 : i32
    %rem3A_21 = arith.remsi %add3A, %select_n3A_20 : i32
    %ne3A_22 = arith.constant 0 : i32
    %ne3A_23 = arith.cmpi ne, %rem3A_21, %ne3A_22 : i32
    %lt3A = arith.constant 0 : i32
    %lt3A_24 = arith.cmpi slt, %rem3A_21, %lt3A : i32
    %lt3A_25 = arith.constant 0 : i32
    %lt3A_26 = arith.cmpi slt, %select_n3A_20, %lt3A_25 : i32
    %ne3A_27 = arith.xori %lt3A_24, %lt3A_26 : i1
    %and3A_28 = arith.andi %ne3A_27, %ne3A_23 : i1
    %add3A_29 = arith.addi %rem3A_21, %select_n3A_20 : i32
    %select_n3A_30 = arith.select %and3A_28, %add3A_29, %rem3A_21 : i32
    %mul3A_31 = arith.constant 512 : i32
    %mul3A_32 = arith.muli %select_n3A, %mul3A_31 : i32
    %mul3A_33 = arith.constant 64 : i32
    %mul3A_34 = arith.muli %select_n3A_30, %mul3A_33 : i32
    %add3A_35 = arith.addi %mul3A_32, %mul3A_34 : i32
    %mul3A_36 = arith.constant 64 : i32
    %mul3A_37 = arith.muli %select_n3A_30, %mul3A_36 : i32
    %broadcast_in_dim3A = arith.constant 0 : i32
    %broadcast_in_dim3A_38 = vector.broadcast %broadcast_in_dim3A : i32 to vector<16xi32>
    %swap3A = arith.constant 0 : index
    %swap3A_39 = tpu.vector_load %arg7[%swap3A] {strides = array<i32>} : memref<512xi32, #tpu.memory_space<vmem>>, vector<16xi32>,
    %swap3A_40 = vector.shape_cast %swap3A_39 : vector<16xi32> to vector<16xi32>
    %swap3A_41 = vector.shape_cast %broadcast_in_dim3A_38 : vector<16xi32> to vector<16xi32>
    tpu.vector_store %arg7[%swap3A], %swap3A_41 {strides = array<i32>} : memref<512xi32, #tpu.memory_space<vmem>>, vector<16xi32>,
    %swap3A_42 = arith.constant 16 : index
    %swap3A_43 = tpu.vector_load %arg7[%swap3A_42] {strides = array<i32>} : memref<512xi32, #tpu.memory_space<vmem>>, vector<16xi32>,
    %swap3A_44 = vector.shape_cast %swap3A_43 : vector<16xi32> to vector<16xi32>
    %swap3A_45 = vector.shape_cast %broadcast_in_dim3A_38 : vector<16xi32> to vector<16xi32>
    tpu.vector_store %arg7[%swap3A_42], %swap3A_45 {strides = array<i32>} : memref<512xi32, #tpu.memory_space<vmem>>, vector<16xi32>,
    %swap3A_46 = arith.constant 32 : index
    %swap3A_47 = tpu.vector_load %arg7[%swap3A_46] {strides = array<i32>} : memref<512xi32, #tpu.memory_space<vmem>>, vector<16xi32>,
    %swap3A_48 = vector.shape_cast %swap3A_47 : vector<16xi32> to vector<16xi32>
    %swap3A_49 = vector.shape_cast %broadcast_in_dim3A_38 : vector<16xi32> to vector<16xi32>
    tpu.vector_store %arg7[%swap3A_46], %swap3A_49 {strides = array<i32>} : memref<512xi32, #tpu.memory_space<vmem>>, vector<16xi32>,
    %swap3A_50 = arith.constant 48 : index
    %swap3A_51 = tpu.vector_load %arg7[%swap3A_50] {strides = array<i32>} : memref<512xi32, #tpu.memory_space<vmem>>, vector<16xi32>,
    %swap3A_52 = vector.shape_cast %swap3A_51 : vector<16xi32> to vector<16xi32>
    %swap3A_53 = vector.shape_cast %broadcast_in_dim3A_38 : vector<16xi32> to vector<16xi32>
    tpu.vector_store %arg7[%swap3A_50], %swap3A_53 {strides = array<i32>} : memref<512xi32, #tpu.memory_space<vmem>>, vector<16xi32>,
    %swap3A_54 = arith.constant 64 : index
    %swap3A_55 = tpu.vector_load %arg7[%swap3A_54] {strides = array<i32>} : memref<512xi32, #tpu.memory_space<vmem>>, vector<16xi32>,
    %swap3A_56 = vector.shape_cast %swap3A_55 : vector<16xi32> to vector<16xi32>
    %swap3A_57 = vector.shape_cast %broadcast_in_dim3A_38 : vector<16xi32> to vector<16xi32>
    tpu.vector_store %arg7[%swap3A_54], %swap3A_57 {strides = array<i32>} : memref<512xi32, #tpu.memory_space<vmem>>, vector<16xi32>,
    %swap3A_58 = arith.constant 80 : index
    %swap3A_59 = tpu.vector_load %arg7[%swap3A_58] {strides = array<i32>} : memref<512xi32, #tpu.memory_space<vmem>>, vector<16xi32>,
    %swap3A_60 = vector.shape_cast %swap3A_59 : vector<16xi32> to vector<16xi32>
    %swap3A_61 = vector.shape_cast %broadcast_in_dim3A_38 : vector<16xi32> to vector<16xi32>
    tpu.vector_store %arg7[%swap3A_58], %swap3A_61 {strides = array<i32>} : memref<512xi32, #tpu.memory_space<vmem>>, vector<16xi32>,
    %swap3A_62 = arith.constant 96 : index
    %swap3A_63 = tpu.vector_load %arg7[%swap3A_62] {strides = array<i32>} : memref<512xi32, #tpu.memory_space<vmem>>, vector<16xi32>,
    %swap3A_64 = vector.shape_cast %swap3A_63 : vector<16xi32> to vector<16xi32>
    %swap3A_65 = vector.shape_cast %broadcast_in_dim3A_38 : vector<16xi32> to vector<16xi32>
    tpu.vector_store %arg7[%swap3A_62], %swap3A_65 {strides = array<i32>} : memref<512xi32, #tpu.memory_space<vmem>>, vector<16xi32>,
    %swap3A_66 = arith.constant 112 : index
    %swap3A_67 = tpu.vector_load %arg7[%swap3A_66] {strides = array<i32>} : memref<512xi32, #tpu.memory_space<vmem>>, vector<16xi32>,
    %swap3A_68 = vector.shape_cast %swap3A_67 : vector<16xi32> to vector<16xi32>
    %swap3A_69 = vector.shape_cast %broadcast_in_dim3A_38 : vector<16xi32> to vector<16xi32>
    tpu.vector_store %arg7[%swap3A_66], %swap3A_69 {strides = array<i32>} : memref<512xi32, #tpu.memory_space<vmem>>, vector<16xi32>,
    %swap3A_70 = arith.constant 128 : index
    %swap3A_71 = tpu.vector_load %arg7[%swap3A_70] {strides = array<i32>} : memref<512xi32, #tpu.memory_space<vmem>>, vector<16xi32>,
    %swap3A_72 = vector.shape_cast %swap3A_71 : vector<16xi32> to vector<16xi32>
    %swap3A_73 = vector.shape_cast %broadcast_in_dim3A_38 : vector<16xi32> to vector<16xi32>
    tpu.vector_store %arg7[%swap3A_70], %swap3A_73 {strides = array<i32>} : memref<512xi32, #tpu.memory_space<vmem>>, vector<16xi32>,
    %swap3A_74 = arith.constant 144 : index
    %swap3A_75 = tpu.vector_load %arg7[%swap3A_74] {strides = array<i32>} : memref<512xi32, #tpu.memory_space<vmem>>, vector<16xi32>,
    %swap3A_76 = vector.shape_cast %swap3A_75 : vector<16xi32> to vector<16xi32>
    %swap3A_77 = vector.shape_cast %broadcast_in_dim3A_38 : vector<16xi32> to vector<16xi32>
    tpu.vector_store %arg7[%swap3A_74], %swap3A_77 {strides = array<i32>} : memref<512xi32, #tpu.memory_space<vmem>>, vector<16xi32>,
    %swap3A_78 = arith.constant 160 : index
    %swap3A_79 = tpu.vector_load %arg7[%swap3A_78] {strides = array<i32>} : memref<512xi32, #tpu.memory_space<vmem>>, vector<16xi32>,
    %swap3A_80 = vector.shape_cast %swap3A_79 : vector<16xi32> to vector<16xi32>
    %swap3A_81 = vector.shape_cast %broadcast_in_dim3A_38 : vector<16xi32> to vector<16xi32>
    tpu.vector_store %arg7[%swap3A_78], %swap3A_81 {strides = array<i32>} : memref<512xi32, #tpu.memory_space<vmem>>, vector<16xi32>,
    %swap3A_82 = arith.constant 176 : index
    %swap3A_83 = tpu.vector_load %arg7[%swap3A_82] {strides = array<i32>} : memref<512xi32, #tpu.memory_space<vmem>>, vector<16xi32>,
    %swap3A_84 = vector.shape_cast %swap3A_83 : vector<16xi32> to vector<16xi32>
    %swap3A_85 = vector.shape_cast %broadcast_in_dim3A_38 : vector<16xi32> to vector<16xi32>
    tpu.vector_store %arg7[%swap3A_82], %swap3A_85 {strides = array<i32>} : memref<512xi32, #tpu.memory_space<vmem>>, vector<16xi32>,
    %swap3A_86 = arith.constant 192 : index
    %swap3A_87 = tpu.vector_load %arg7[%swap3A_86] {strides = array<i32>} : memref<512xi32, #tpu.memory_space<vmem>>, vector<16xi32>,
    %swap3A_88 = vector.shape_cast %swap3A_87 : vector<16xi32> to vector<16xi32>
    %swap3A_89 = vector.shape_cast %broadcast_in_dim3A_38 : vector<16xi32> to vector<16xi32>
    tpu.vector_store %arg7[%swap3A_86], %swap3A_89 {strides = array<i32>} : memref<512xi32, #tpu.memory_space<vmem>>, vector<16xi32>,
    %swap3A_90 = arith.constant 208 : index
    %swap3A_91 = tpu.vector_load %arg7[%swap3A_90] {strides = array<i32>} : memref<512xi32, #tpu.memory_space<vmem>>, vector<16xi32>,
    %swap3A_92 = vector.shape_cast %swap3A_91 : vector<16xi32> to vector<16xi32>
    %swap3A_93 = vector.shape_cast %broadcast_in_dim3A_38 : vector<16xi32> to vector<16xi32>
    tpu.vector_store %arg7[%swap3A_90], %swap3A_93 {strides = array<i32>} : memref<512xi32, #tpu.memory_space<vmem>>, vector<16xi32>,
    %swap3A_94 = arith.constant 224 : index
    %swap3A_95 = tpu.vector_load %arg7[%swap3A_94] {strides = array<i32>} : memref<512xi32, #tpu.memory_space<vmem>>, vector<16xi32>,
    %swap3A_96 = vector.shape_cast %swap3A_95 : vector<16xi32> to vector<16xi32>
    %swap3A_97 = vector.shape_cast %broadcast_in_dim3A_38 : vector<16xi32> to vector<16xi32>
    tpu.vector_store %arg7[%swap3A_94], %swap3A_97 {strides = array<i32>} : memref<512xi32, #tpu.memory_space<vmem>>, vector<16xi32>,
    %swap3A_98 = arith.constant 240 : index
    %swap3A_99 = tpu.vector_load %arg7[%swap3A_98] {strides = array<i32>} : memref<512xi32, #tpu.memory_space<vmem>>, vector<16xi32>,
    %swap3A_100 = vector.shape_cast %swap3A_99 : vector<16xi32> to vector<16xi32>
    %swap3A_101 = vector.shape_cast %broadcast_in_dim3A_38 : vector<16xi32> to vector<16xi32>
    tpu.vector_store %arg7[%swap3A_98], %swap3A_101 {strides = array<i32>} : memref<512xi32, #tpu.memory_space<vmem>>, vector<16xi32>,
    %swap3A_102 = arith.constant 256 : index
    %swap3A_103 = tpu.vector_load %arg7[%swap3A_102] {strides = array<i32>} : memref<512xi32, #tpu.memory_space<vmem>>, vector<16xi32>,
    %swap3A_104 = vector.shape_cast %swap3A_103 : vector<16xi32> to vector<16xi32>
    %swap3A_105 = vector.shape_cast %broadcast_in_dim3A_38 : vector<16xi32> to vector<16xi32>
    tpu.vector_store %arg7[%swap3A_102], %swap3A_105 {strides = array<i32>} : memref<512xi32, #tpu.memory_space<vmem>>, vector<16xi32>,
    %swap3A_106 = arith.constant 272 : index
    %swap3A_107 = tpu.vector_load %arg7[%swap3A_106] {strides = array<i32>} : memref<512xi32, #tpu.memory_space<vmem>>, vector<16xi32>,
    %swap3A_108 = vector.shape_cast %swap3A_107 : vector<16xi32> to vector<16xi32>
    %swap3A_109 = vector.shape_cast %broadcast_in_dim3A_38 : vector<16xi32> to vector<16xi32>
    tpu.vector_store %arg7[%swap3A_106], %swap3A_109 {strides = array<i32>} : memref<512xi32, #tpu.memory_space<vmem>>, vector<16xi32>,
    %swap3A_110 = arith.constant 288 : index
    %swap3A_111 = tpu.vector_load %arg7[%swap3A_110] {strides = array<i32>} : memref<512xi32, #tpu.memory_space<vmem>>, vector<16xi32>,
    %swap3A_112 = vector.shape_cast %swap3A_111 : vector<16xi32> to vector<16xi32>
    %swap3A_113 = vector.shape_cast %broadcast_in_dim3A_38 : vector<16xi32> to vector<16xi32>
    tpu.vector_store %arg7[%swap3A_110], %swap3A_113 {strides = array<i32>} : memref<512xi32, #tpu.memory_space<vmem>>, vector<16xi32>,
    %swap3A_114 = arith.constant 304 : index
    %swap3A_115 = tpu.vector_load %arg7[%swap3A_114] {strides = array<i32>} : memref<512xi32, #tpu.memory_space<vmem>>, vector<16xi32>,
    %swap3A_116 = vector.shape_cast %swap3A_115 : vector<16xi32> to vector<16xi32>
    %swap3A_117 = vector.shape_cast %broadcast_in_dim3A_38 : vector<16xi32> to vector<16xi32>
    tpu.vector_store %arg7[%swap3A_114], %swap3A_117 {strides = array<i32>} : memref<512xi32, #tpu.memory_space<vmem>>, vector<16xi32>,
    %swap3A_118 = arith.constant 320 : index
    %swap3A_119 = tpu.vector_load %arg7[%swap3A_118] {strides = array<i32>} : memref<512xi32, #tpu.memory_space<vmem>>, vector<16xi32>,
    %swap3A_120 = vector.shape_cast %swap3A_119 : vector<16xi32> to vector<16xi32>
    %swap3A_121 = vector.shape_cast %broadcast_in_dim3A_38 : vector<16xi32> to vector<16xi32>
    tpu.vector_store %arg7[%swap3A_118], %swap3A_121 {strides = array<i32>} : memref<512xi32, #tpu.memory_space<vmem>>, vector<16xi32>,
    %swap3A_122 = arith.constant 336 : index
    %swap3A_123 = tpu.vector_load %arg7[%swap3A_122] {strides = array<i32>} : memref<512xi32, #tpu.memory_space<vmem>>, vector<16xi32>,
    %swap3A_124 = vector.shape_cast %swap3A_123 : vector<16xi32> to vector<16xi32>
    %swap3A_125 = vector.shape_cast %broadcast_in_dim3A_38 : vector<16xi32> to vector<16xi32>
    tpu.vector_store %arg7[%swap3A_122], %swap3A_125 {strides = array<i32>} : memref<512xi32, #tpu.memory_space<vmem>>, vector<16xi32>,
    %swap3A_126 = arith.constant 352 : index
    %swap3A_127 = tpu.vector_load %arg7[%swap3A_126] {strides = array<i32>} : memref<512xi32, #tpu.memory_space<vmem>>, vector<16xi32>,
    %swap3A_128 = vector.shape_cast %swap3A_127 : vector<16xi32> to vector<16xi32>
    %swap3A_129 = vector.shape_cast %broadcast_in_dim3A_38 : vector<16xi32> to vector<16xi32>
    tpu.vector_store %arg7[%swap3A_126], %swap3A_129 {strides = array<i32>} : memref<512xi32, #tpu.memory_space<vmem>>, vector<16xi32>,
    %swap3A_130 = arith.constant 368 : index
    %swap3A_131 = tpu.vector_load %arg7[%swap3A_130] {strides = array<i32>} : memref<512xi32, #tpu.memory_space<vmem>>, vector<16xi32>,
    %swap3A_132 = vector.shape_cast %swap3A_131 : vector<16xi32> to vector<16xi32>
    %swap3A_133 = vector.shape_cast %broadcast_in_dim3A_38 : vector<16xi32> to vector<16xi32>
    tpu.vector_store %arg7[%swap3A_130], %swap3A_133 {strides = array<i32>} : memref<512xi32, #tpu.memory_space<vmem>>, vector<16xi32>,
    %swap3A_134 = arith.constant 384 : index
    %swap3A_135 = tpu.vector_load %arg7[%swap3A_134] {strides = array<i32>} : memref<512xi32, #tpu.memory_space<vmem>>, vector<16xi32>,
    %swap3A_136 = vector.shape_cast %swap3A_135 : vector<16xi32> to vector<16xi32>
    %swap3A_137 = vector.shape_cast %broadcast_in_dim3A_38 : vector<16xi32> to vector<16xi32>
    tpu.vector_store %arg7[%swap3A_134], %swap3A_137 {strides = array<i32>} : memref<512xi32, #tpu.memory_space<vmem>>, vector<16xi32>,
    %swap3A_138 = arith.constant 400 : index
    %swap3A_139 = tpu.vector_load %arg7[%swap3A_138] {strides = array<i32>} : memref<512xi32, #tpu.memory_space<vmem>>, vector<16xi32>,
    %swap3A_140 = vector.shape_cast %swap3A_139 : vector<16xi32> to vector<16xi32>
    %swap3A_141 = vector.shape_cast %broadcast_in_dim3A_38 : vector<16xi32> to vector<16xi32>
    tpu.vector_store %arg7[%swap3A_138], %swap3A_141 {strides = array<i32>} : memref<512xi32, #tpu.memory_space<vmem>>, vector<16xi32>,
    %swap3A_142 = arith.constant 416 : index
    %swap3A_143 = tpu.vector_load %arg7[%swap3A_142] {strides = array<i32>} : memref<512xi32, #tpu.memory_space<vmem>>, vector<16xi32>,
    %swap3A_144 = vector.shape_cast %swap3A_143 : vector<16xi32> to vector<16xi32>
    %swap3A_145 = vector.shape_cast %broadcast_in_dim3A_38 : vector<16xi32> to vector<16xi32>
    tpu.vector_store %arg7[%swap3A_142], %swap3A_145 {strides = array<i32>} : memref<512xi32, #tpu.memory_space<vmem>>, vector<16xi32>,
    %swap3A_146 = arith.constant 432 : index
    %swap3A_147 = tpu.vector_load %arg7[%swap3A_146] {strides = array<i32>} : memref<512xi32, #tpu.memory_space<vmem>>, vector<16xi32>,
    %swap3A_148 = vector.shape_cast %swap3A_147 : vector<16xi32> to vector<16xi32>
    %swap3A_149 = vector.shape_cast %broadcast_in_dim3A_38 : vector<16xi32> to vector<16xi32>
    tpu.vector_store %arg7[%swap3A_146], %swap3A_149 {strides = array<i32>} : memref<512xi32, #tpu.memory_space<vmem>>, vector<16xi32>,
    %swap3A_150 = arith.constant 448 : index
    %swap3A_151 = tpu.vector_load %arg7[%swap3A_150] {strides = array<i32>} : memref<512xi32, #tpu.memory_space<vmem>>, vector<16xi32>,
    %swap3A_152 = vector.shape_cast %swap3A_151 : vector<16xi32> to vector<16xi32>
    %swap3A_153 = vector.shape_cast %broadcast_in_dim3A_38 : vector<16xi32> to vector<16xi32>
    tpu.vector_store %arg7[%swap3A_150], %swap3A_153 {strides = array<i32>} : memref<512xi32, #tpu.memory_space<vmem>>, vector<16xi32>,
    %swap3A_154 = arith.constant 464 : index
    %swap3A_155 = tpu.vector_load %arg7[%swap3A_154] {strides = array<i32>} : memref<512xi32, #tpu.memory_space<vmem>>, vector<16xi32>,
    %swap3A_156 = vector.shape_cast %swap3A_155 : vector<16xi32> to vector<16xi32>
    %swap3A_157 = vector.shape_cast %broadcast_in_dim3A_38 : vector<16xi32> to vector<16xi32>
    tpu.vector_store %arg7[%swap3A_154], %swap3A_157 {strides = array<i32>} : memref<512xi32, #tpu.memory_space<vmem>>, vector<16xi32>,
    %swap3A_158 = arith.constant 480 : index
    %swap3A_159 = tpu.vector_load %arg7[%swap3A_158] {strides = array<i32>} : memref<512xi32, #tpu.memory_space<vmem>>, vector<16xi32>,
    %swap3A_160 = vector.shape_cast %swap3A_159 : vector<16xi32> to vector<16xi32>
    %swap3A_161 = vector.shape_cast %broadcast_in_dim3A_38 : vector<16xi32> to vector<16xi32>
    tpu.vector_store %arg7[%swap3A_158], %swap3A_161 {strides = array<i32>} : memref<512xi32, #tpu.memory_space<vmem>>, vector<16xi32>,
    %swap3A_162 = arith.constant 496 : index
    %swap3A_163 = tpu.vector_load %arg7[%swap3A_162] {strides = array<i32>} : memref<512xi32, #tpu.memory_space<vmem>>, vector<16xi32>,
    %swap3A_164 = vector.shape_cast %swap3A_163 : vector<16xi32> to vector<16xi32>
    %swap3A_165 = vector.shape_cast %broadcast_in_dim3A_38 : vector<16xi32> to vector<16xi32>
    tpu.vector_store %arg7[%swap3A_162], %swap3A_165 {strides = array<i32>} : memref<512xi32, #tpu.memory_space<vmem>>, vector<16xi32>,
    %dma_start3A = arith.constant 0 : i32
    %dma_start3A_166 = tpu.memref_slice %arg2[%add3A_35, %dma_start3A] : memref<8192x512xf32, #tpu.memory_space<hbm>> -> memref<32x512xf32, #tpu.memory_space<hbm>>
    %dma_start3A_167 = arith.constant 0 : i32
    %dma_start3A_168 = tpu.memref_slice %arg2[%add3A_35, %dma_start3A_167] : memref<8192x512xf32, #tpu.memory_space<hbm>> -> memref<32x512xf32, #tpu.memory_space<hbm>>
    tpu.enqueue_dma source(%dma_start3A_168 : memref<32x512xf32, #tpu.memory_space<hbm>>) target(%arg5 : memref<32x512xf32, #tpu.memory_space<vmem>>) target_semaphore(%arg11 : memref<!tpu.dma_semaphore, #tpu.memory_space<semaphore_mem>>)
    %broadcast_in_dim3A_169 = arith.constant 1024 : i32
    %broadcast_in_dim3A_170 = vector.broadcast %broadcast_in_dim3A_169 : i32 to vector<16xi32>
    %broadcast_in_dim3A_171 = arith.constant -1 : i32
    %broadcast_in_dim3A_172 = vector.broadcast %broadcast_in_dim3A_171 : i32 to vector<16xi32>
    %add3A_173 = arith.constant 32 : i32
    %add3A_174 = arith.addi %add3A_35, %add3A_173 : i32
    %dma_start3A_175 = arith.constant 0 : i32
    %dma_start3A_176 = tpu.memref_slice %arg2[%add3A_174, %dma_start3A_175] : memref<8192x512xf32, #tpu.memory_space<hbm>> -> memref<32x512xf32, #tpu.memory_space<hbm>>
    %dma_start3A_177 = arith.constant 0 : i32
    %dma_start3A_178 = tpu.memref_slice %arg2[%add3A_174, %dma_start3A_177] : memref<8192x512xf32, #tpu.memory_space<hbm>> -> memref<32x512xf32, #tpu.memory_space<hbm>>
    tpu.enqueue_dma source(%dma_start3A_178 : memref<32x512xf32, #tpu.memory_space<hbm>>) target(%arg6 : memref<32x512xf32, #tpu.memory_space<vmem>>) target_semaphore(%arg12 : memref<!tpu.dma_semaphore, #tpu.memory_space<semaphore_mem>>)
    %dma_wait3A = arith.constant 0 : i32
    %dma_wait3A_179 = tpu.memref_slice %arg2[%add3A_35, %dma_wait3A] : memref<8192x512xf32, #tpu.memory_space<hbm>> -> memref<32x512xf32, #tpu.memory_space<hbm>>
    %dma_wait3A_180 = arith.constant 0 : i32
    %dma_wait3A_181 = tpu.memref_slice %arg2[%add3A_35, %dma_wait3A_180] : memref<8192x512xf32, #tpu.memory_space<hbm>> -> memref<32x512xf32, #tpu.memory_space<hbm>>
    tpu.wait_dma2 semaphore(%arg11 : memref<!tpu.dma_semaphore, #tpu.memory_space<semaphore_mem>>) src(%dma_wait3A_181 : memref<32x512xf32, #tpu.memory_space<hbm>>) dst(%arg5 : memref<32x512xf32, #tpu.memory_space<vmem>>)
    %add3A_182 = arith.constant 0 : i32
    %add3A_183 = arith.addi %mul3A_37, %add3A_182 : i32
    %scan3A = arith.constant 1 : i32
    %scan3A_184 = arith.constant 0 : i32
    %scan3A_185 = arith.constant 0 : i32
    %scan3A_186 = arith.constant 32 : i32
    %scan3A_187 = arith.addi %scan3A_185, %scan3A_186 : i32
    %scan3A_188 = arith.constant 1 : i32
    %scan3A_189:3 = scf.for %scan3A_958 = %scan3A_185 to %scan3A_187 step %scan3A_188 iter_args(%scan3A_959 = %broadcast_in_dim3A_38, %scan3A_960 = %broadcast_in_dim3A_170, %scan3A_961 = %broadcast_in_dim3A_172) -> (vector<16xi32>, vector<16xi32>, vector<16xi32>)  : i32 {
      %parallel_loop3A = arith.constant 0 : i32
      %parallel_loop3A_962 = arith.constant 512 : i32
      %parallel_loop3A_963 = arith.constant 16 : i32
      %parallel_loop3A_964 = scf.for %parallel_loop3A_975 = %parallel_loop3A to %parallel_loop3A_962 step %parallel_loop3A_963 iter_args(%parallel_loop3A_976 = %broadcast_in_dim3A_38) -> (vector<16xi32>)  : i32 {
        %parallel_loop3A_977 = arith.index_cast %scan3A_958 : i32 to index
        %parallel_loop3A_978 = arith.index_cast %parallel_loop3A_975 : i32 to index
        %parallel_loop3A_979 = tpu.vector_load %arg5[%parallel_loop3A_977, %parallel_loop3A_978] {strides = array<i32>} : memref<32x512xf32, #tpu.memory_space<vmem>>, vector<1x16xf32>,
        %parallel_loop3A_980 = vector.shape_cast %parallel_loop3A_979 : vector<1x16xf32> to vector<16xf32>
        %parallel_loop3A_981 = arith.constant 5.000000e-01 : f32
        %parallel_loop3A_982 = vector.broadcast %parallel_loop3A_981 : f32 to vector<16xf32>
        %parallel_loop3A_983 = arith.cmpf ogt, %parallel_loop3A_980, %parallel_loop3A_982 : vector<16xf32>
        %parallel_loop3A_984 = vector.broadcast %scan3A : i32 to vector<16xi32>
        %parallel_loop3A_985 = vector.broadcast %scan3A_184 : i32 to vector<16xi32>
        %parallel_loop3A_986 = arith.select %parallel_loop3A_983, %parallel_loop3A_984, %parallel_loop3A_985 : vector<16xi1>, vector<16xi32>
        %parallel_loop3A_987 = arith.index_cast %parallel_loop3A_975 : i32 to index
        %parallel_loop3A_988 = tpu.vector_load %arg7[%parallel_loop3A_987] {strides = array<i32>} : memref<512xi32, #tpu.memory_space<vmem>>, vector<16xi32>,
        %parallel_loop3A_989 = vector.shape_cast %parallel_loop3A_988 : vector<16xi32> to vector<16xi32>
        %parallel_loop3A_990 = vector.shape_cast %parallel_loop3A_986 : vector<16xi32> to vector<16xi32>
        tpu.vector_store %arg7[%parallel_loop3A_987], %parallel_loop3A_990 {add = true, strides = array<i32>} : memref<512xi32, #tpu.memory_space<vmem>>, vector<16xi32>,
        %parallel_loop3A_991 = arith.addi %parallel_loop3A_976, %parallel_loop3A_986 : vector<16xi32>
        scf.yield %parallel_loop3A_991 : vector<16xi32>
      } {sc.loop_unroll_factor = 8 : i64, sc.parallel_access}
      %add3A_965 = arith.addi %add3A_183, %scan3A_958 : i32
      %broadcast_in_dim3A_966 = vector.broadcast %add3A_965 : i32 to vector<16xi32>
      %gt3A_967 = arith.constant 0 : i32
      %gt3A_968 = vector.broadcast %gt3A_967 : i32 to vector<16xi32>
      %gt3A_969 = arith.cmpi sgt, %parallel_loop3A_964, %gt3A_968 : vector<16xi32>
      %mul3A_970 = arith.muli %broadcast_in_dim3A_966, %parallel_loop3A_964 : vector<16xi32>
      %add3A_971 = arith.addi %scan3A_959, %mul3A_970 : vector<16xi32>
      %select_n3A_972 = arith.select %gt3A_969, %broadcast_in_dim3A_966, %broadcast_in_dim3A_170 : vector<16xi1>, vector<16xi32>
      %min3A_973 = arith.minsi %scan3A_960, %select_n3A_972 : vector<16xi32>
      %select_n3A_974 = arith.select %gt3A_969, %broadcast_in_dim3A_966, %scan3A_961 : vector<16xi1>, vector<16xi32>
      scf.yield %add3A_971, %min3A_973, %select_n3A_974 : vector<16xi32>, vector<16xi32>, vector<16xi32>
    }
    %scan3A_190 = arith.constant 32 : i32
    %dma_wait3A_191 = arith.constant 0 : i32
    %dma_wait3A_192 = tpu.memref_slice %arg2[%add3A_174, %dma_wait3A_191] : memref<8192x512xf32, #tpu.memory_space<hbm>> -> memref<32x512xf32, #tpu.memory_space<hbm>>
    %dma_wait3A_193 = arith.constant 0 : i32
    %dma_wait3A_194 = tpu.memref_slice %arg2[%add3A_174, %dma_wait3A_193] : memref<8192x512xf32, #tpu.memory_space<hbm>> -> memref<32x512xf32, #tpu.memory_space<hbm>>
    tpu.wait_dma2 semaphore(%arg12 : memref<!tpu.dma_semaphore, #tpu.memory_space<semaphore_mem>>) src(%dma_wait3A_194 : memref<32x512xf32, #tpu.memory_space<hbm>>) dst(%arg6 : memref<32x512xf32, #tpu.memory_space<vmem>>)
    %add3A_195 = arith.constant 32 : i32
    %add3A_196 = arith.addi %mul3A_37, %add3A_195 : i32
    %scan3A_197 = arith.constant 1 : i32
    %scan3A_198 = arith.constant 0 : i32
    %scan3A_199 = arith.constant 0 : i32
    %scan3A_200 = arith.constant 32 : i32
    %scan3A_201 = arith.addi %scan3A_199, %scan3A_200 : i32
    %scan3A_202 = arith.constant 1 : i32
    %scan3A_203:3 = scf.for %scan3A_958 = %scan3A_199 to %scan3A_201 step %scan3A_202 iter_args(%scan3A_959 = %scan3A_189#0, %scan3A_960 = %scan3A_189#1, %scan3A_961 = %scan3A_189#2) -> (vector<16xi32>, vector<16xi32>, vector<16xi32>)  : i32 {
      %parallel_loop3A = arith.constant 0 : i32
      %parallel_loop3A_962 = arith.constant 512 : i32
      %parallel_loop3A_963 = arith.constant 16 : i32
      %parallel_loop3A_964 = scf.for %parallel_loop3A_975 = %parallel_loop3A to %parallel_loop3A_962 step %parallel_loop3A_963 iter_args(%parallel_loop3A_976 = %broadcast_in_dim3A_38) -> (vector<16xi32>)  : i32 {
        %parallel_loop3A_977 = arith.index_cast %scan3A_958 : i32 to index
        %parallel_loop3A_978 = arith.index_cast %parallel_loop3A_975 : i32 to index
        %parallel_loop3A_979 = tpu.vector_load %arg6[%parallel_loop3A_977, %parallel_loop3A_978] {strides = array<i32>} : memref<32x512xf32, #tpu.memory_space<vmem>>, vector<1x16xf32>,
        %parallel_loop3A_980 = vector.shape_cast %parallel_loop3A_979 : vector<1x16xf32> to vector<16xf32>
        %parallel_loop3A_981 = arith.constant 5.000000e-01 : f32
        %parallel_loop3A_982 = vector.broadcast %parallel_loop3A_981 : f32 to vector<16xf32>
        %parallel_loop3A_983 = arith.cmpf ogt, %parallel_loop3A_980, %parallel_loop3A_982 : vector<16xf32>
        %parallel_loop3A_984 = vector.broadcast %scan3A_197 : i32 to vector<16xi32>
        %parallel_loop3A_985 = vector.broadcast %scan3A_198 : i32 to vector<16xi32>
        %parallel_loop3A_986 = arith.select %parallel_loop3A_983, %parallel_loop3A_984, %parallel_loop3A_985 : vector<16xi1>, vector<16xi32>
        %parallel_loop3A_987 = arith.index_cast %parallel_loop3A_975 : i32 to index
        %parallel_loop3A_988 = tpu.vector_load %arg7[%parallel_loop3A_987] {strides = array<i32>} : memref<512xi32, #tpu.memory_space<vmem>>, vector<16xi32>,
        %parallel_loop3A_989 = vector.shape_cast %parallel_loop3A_988 : vector<16xi32> to vector<16xi32>
        %parallel_loop3A_990 = vector.shape_cast %parallel_loop3A_986 : vector<16xi32> to vector<16xi32>
        tpu.vector_store %arg7[%parallel_loop3A_987], %parallel_loop3A_990 {add = true, strides = array<i32>} : memref<512xi32, #tpu.memory_space<vmem>>, vector<16xi32>,
        %parallel_loop3A_991 = arith.addi %parallel_loop3A_976, %parallel_loop3A_986 : vector<16xi32>
        scf.yield %parallel_loop3A_991 : vector<16xi32>
      } {sc.loop_unroll_factor = 8 : i64, sc.parallel_access}
      %add3A_965 = arith.addi %add3A_196, %scan3A_958 : i32
      %broadcast_in_dim3A_966 = vector.broadcast %add3A_965 : i32 to vector<16xi32>
      %gt3A_967 = arith.constant 0 : i32
      %gt3A_968 = vector.broadcast %gt3A_967 : i32 to vector<16xi32>
      %gt3A_969 = arith.cmpi sgt, %parallel_loop3A_964, %gt3A_968 : vector<16xi32>
      %mul3A_970 = arith.muli %broadcast_in_dim3A_966, %parallel_loop3A_964 : vector<16xi32>
      %add3A_971 = arith.addi %scan3A_959, %mul3A_970 : vector<16xi32>
      %select_n3A_972 = arith.select %gt3A_969, %broadcast_in_dim3A_966, %broadcast_in_dim3A_170 : vector<16xi1>, vector<16xi32>
      %min3A_973 = arith.minsi %scan3A_960, %select_n3A_972 : vector<16xi32>
      %select_n3A_974 = arith.select %gt3A_969, %broadcast_in_dim3A_966, %scan3A_961 : vector<16xi1>, vector<16xi32>
      scf.yield %add3A_971, %min3A_973, %select_n3A_974 : vector<16xi32>, vector<16xi32>, vector<16xi32>
    }
    %scan3A_204 = arith.constant 32 : i32
    %iota3A = tpu.iota {dimensions = array<i32: 0>} : vector<16xi32>
    %get3A = arith.constant 0 : index
    %get3A_205 = tpu.vector_load %arg7[%get3A] {strides = array<i32>} : memref<512xi32, #tpu.memory_space<vmem>>, vector<16xi32>,
    %get3A_206 = vector.shape_cast %get3A_205 : vector<16xi32> to vector<16xi32>
    %add3A_207 = arith.constant 0 : i32
    %add3A_208 = vector.broadcast %add3A_207 : i32 to vector<16xi32>
    %add3A_209 = arith.addi %iota3A, %add3A_208 : vector<16xi32>
    %add3A_210 = arith.addi %broadcast_in_dim3A_38, %get3A_206 : vector<16xi32>
    %mul3A_211 = arith.muli %add3A_209, %get3A_206 : vector<16xi32>
    %add3A_212 = arith.addi %broadcast_in_dim3A_38, %mul3A_211 : vector<16xi32>
    %gt3A = arith.constant 0 : i32
    %gt3A_213 = vector.broadcast %gt3A : i32 to vector<16xi32>
    %gt3A_214 = arith.cmpi sgt, %get3A_206, %gt3A_213 : vector<16xi32>
    %select_n3A_215 = arith.select %gt3A_214, %add3A_209, %broadcast_in_dim3A_170 : vector<16xi1>, vector<16xi32>
    %min3A = arith.minsi %broadcast_in_dim3A_170, %select_n3A_215 : vector<16xi32>
    %select_n3A_216 = arith.select %gt3A_214, %add3A_209, %broadcast_in_dim3A_172 : vector<16xi1>, vector<16xi32>
    %max3A = arith.maxsi %broadcast_in_dim3A_172, %select_n3A_216 : vector<16xi32>
    %get3A_217 = arith.constant 16 : index
    %get3A_218 = tpu.vector_load %arg7[%get3A_217] {strides = array<i32>} : memref<512xi32, #tpu.memory_space<vmem>>, vector<16xi32>,
    %get3A_219 = vector.shape_cast %get3A_218 : vector<16xi32> to vector<16xi32>
    %add3A_220 = arith.constant 16 : i32
    %add3A_221 = vector.broadcast %add3A_220 : i32 to vector<16xi32>
    %add3A_222 = arith.addi %iota3A, %add3A_221 : vector<16xi32>
    %add3A_223 = arith.addi %add3A_210, %get3A_219 : vector<16xi32>
    %mul3A_224 = arith.muli %add3A_222, %get3A_219 : vector<16xi32>
    %add3A_225 = arith.addi %add3A_212, %mul3A_224 : vector<16xi32>
    %gt3A_226 = arith.constant 0 : i32
    %gt3A_227 = vector.broadcast %gt3A_226 : i32 to vector<16xi32>
    %gt3A_228 = arith.cmpi sgt, %get3A_219, %gt3A_227 : vector<16xi32>
    %select_n3A_229 = arith.select %gt3A_228, %add3A_222, %broadcast_in_dim3A_170 : vector<16xi1>, vector<16xi32>
    %min3A_230 = arith.minsi %min3A, %select_n3A_229 : vector<16xi32>
    %select_n3A_231 = arith.select %gt3A_228, %add3A_222, %broadcast_in_dim3A_172 : vector<16xi1>, vector<16xi32>
    %max3A_232 = arith.maxsi %max3A, %select_n3A_231 : vector<16xi32>
    %get3A_233 = arith.constant 32 : index
    %get3A_234 = tpu.vector_load %arg7[%get3A_233] {strides = array<i32>} : memref<512xi32, #tpu.memory_space<vmem>>, vector<16xi32>,
    %get3A_235 = vector.shape_cast %get3A_234 : vector<16xi32> to vector<16xi32>
    %add3A_236 = arith.constant 32 : i32
    %add3A_237 = vector.broadcast %add3A_236 : i32 to vector<16xi32>
    %add3A_238 = arith.addi %iota3A, %add3A_237 : vector<16xi32>
    %add3A_239 = arith.addi %add3A_223, %get3A_235 : vector<16xi32>
    %mul3A_240 = arith.muli %add3A_238, %get3A_235 : vector<16xi32>
    %add3A_241 = arith.addi %add3A_225, %mul3A_240 : vector<16xi32>
    %gt3A_242 = arith.constant 0 : i32
    %gt3A_243 = vector.broadcast %gt3A_242 : i32 to vector<16xi32>
    %gt3A_244 = arith.cmpi sgt, %get3A_235, %gt3A_243 : vector<16xi32>
    %select_n3A_245 = arith.select %gt3A_244, %add3A_238, %broadcast_in_dim3A_170 : vector<16xi1>, vector<16xi32>
    %min3A_246 = arith.minsi %min3A_230, %select_n3A_245 : vector<16xi32>
    %select_n3A_247 = arith.select %gt3A_244, %add3A_238, %broadcast_in_dim3A_172 : vector<16xi1>, vector<16xi32>
    %max3A_248 = arith.maxsi %max3A_232, %select_n3A_247 : vector<16xi32>
    %get3A_249 = arith.constant 48 : index
    %get3A_250 = tpu.vector_load %arg7[%get3A_249] {strides = array<i32>} : memref<512xi32, #tpu.memory_space<vmem>>, vector<16xi32>,
    %get3A_251 = vector.shape_cast %get3A_250 : vector<16xi32> to vector<16xi32>
    %add3A_252 = arith.constant 48 : i32
    %add3A_253 = vector.broadcast %add3A_252 : i32 to vector<16xi32>
    %add3A_254 = arith.addi %iota3A, %add3A_253 : vector<16xi32>
    %add3A_255 = arith.addi %add3A_239, %get3A_251 : vector<16xi32>
    %mul3A_256 = arith.muli %add3A_254, %get3A_251 : vector<16xi32>
    %add3A_257 = arith.addi %add3A_241, %mul3A_256 : vector<16xi32>
    %gt3A_258 = arith.constant 0 : i32
    %gt3A_259 = vector.broadcast %gt3A_258 : i32 to vector<16xi32>
    %gt3A_260 = arith.cmpi sgt, %get3A_251, %gt3A_259 : vector<16xi32>
    %select_n3A_261 = arith.select %gt3A_260, %add3A_254, %broadcast_in_dim3A_170 : vector<16xi1>, vector<16xi32>
    %min3A_262 = arith.minsi %min3A_246, %select_n3A_261 : vector<16xi32>
    %select_n3A_263 = arith.select %gt3A_260, %add3A_254, %broadcast_in_dim3A_172 : vector<16xi1>, vector<16xi32>
    %max3A_264 = arith.maxsi %max3A_248, %select_n3A_263 : vector<16xi32>
    %get3A_265 = arith.constant 64 : index
    %get3A_266 = tpu.vector_load %arg7[%get3A_265] {strides = array<i32>} : memref<512xi32, #tpu.memory_space<vmem>>, vector<16xi32>,
    %get3A_267 = vector.shape_cast %get3A_266 : vector<16xi32> to vector<16xi32>
    %add3A_268 = arith.constant 64 : i32
    %add3A_269 = vector.broadcast %add3A_268 : i32 to vector<16xi32>
    %add3A_270 = arith.addi %iota3A, %add3A_269 : vector<16xi32>
    %add3A_271 = arith.addi %add3A_255, %get3A_267 : vector<16xi32>
    %mul3A_272 = arith.muli %add3A_270, %get3A_267 : vector<16xi32>
    %add3A_273 = arith.addi %add3A_257, %mul3A_272 : vector<16xi32>
    %gt3A_274 = arith.constant 0 : i32
    %gt3A_275 = vector.broadcast %gt3A_274 : i32 to vector<16xi32>
    %gt3A_276 = arith.cmpi sgt, %get3A_267, %gt3A_275 : vector<16xi32>
    %select_n3A_277 = arith.select %gt3A_276, %add3A_270, %broadcast_in_dim3A_170 : vector<16xi1>, vector<16xi32>
    %min3A_278 = arith.minsi %min3A_262, %select_n3A_277 : vector<16xi32>
    %select_n3A_279 = arith.select %gt3A_276, %add3A_270, %broadcast_in_dim3A_172 : vector<16xi1>, vector<16xi32>
    %max3A_280 = arith.maxsi %max3A_264, %select_n3A_279 : vector<16xi32>
    %get3A_281 = arith.constant 80 : index
    %get3A_282 = tpu.vector_load %arg7[%get3A_281] {strides = array<i32>} : memref<512xi32, #tpu.memory_space<vmem>>, vector<16xi32>,
    %get3A_283 = vector.shape_cast %get3A_282 : vector<16xi32> to vector<16xi32>
    %add3A_284 = arith.constant 80 : i32
    %add3A_285 = vector.broadcast %add3A_284 : i32 to vector<16xi32>
    %add3A_286 = arith.addi %iota3A, %add3A_285 : vector<16xi32>
    %add3A_287 = arith.addi %add3A_271, %get3A_283 : vector<16xi32>
    %mul3A_288 = arith.muli %add3A_286, %get3A_283 : vector<16xi32>
    %add3A_289 = arith.addi %add3A_273, %mul3A_288 : vector<16xi32>
    %gt3A_290 = arith.constant 0 : i32
    %gt3A_291 = vector.broadcast %gt3A_290 : i32 to vector<16xi32>
    %gt3A_292 = arith.cmpi sgt, %get3A_283, %gt3A_291 : vector<16xi32>
    %select_n3A_293 = arith.select %gt3A_292, %add3A_286, %broadcast_in_dim3A_170 : vector<16xi1>, vector<16xi32>
    %min3A_294 = arith.minsi %min3A_278, %select_n3A_293 : vector<16xi32>
    %select_n3A_295 = arith.select %gt3A_292, %add3A_286, %broadcast_in_dim3A_172 : vector<16xi1>, vector<16xi32>
    %max3A_296 = arith.maxsi %max3A_280, %select_n3A_295 : vector<16xi32>
    %get3A_297 = arith.constant 96 : index
    %get3A_298 = tpu.vector_load %arg7[%get3A_297] {strides = array<i32>} : memref<512xi32, #tpu.memory_space<vmem>>, vector<16xi32>,
    %get3A_299 = vector.shape_cast %get3A_298 : vector<16xi32> to vector<16xi32>
    %add3A_300 = arith.constant 96 : i32
    %add3A_301 = vector.broadcast %add3A_300 : i32 to vector<16xi32>
    %add3A_302 = arith.addi %iota3A, %add3A_301 : vector<16xi32>
    %add3A_303 = arith.addi %add3A_287, %get3A_299 : vector<16xi32>
    %mul3A_304 = arith.muli %add3A_302, %get3A_299 : vector<16xi32>
    %add3A_305 = arith.addi %add3A_289, %mul3A_304 : vector<16xi32>
    %gt3A_306 = arith.constant 0 : i32
    %gt3A_307 = vector.broadcast %gt3A_306 : i32 to vector<16xi32>
    %gt3A_308 = arith.cmpi sgt, %get3A_299, %gt3A_307 : vector<16xi32>
    %select_n3A_309 = arith.select %gt3A_308, %add3A_302, %broadcast_in_dim3A_170 : vector<16xi1>, vector<16xi32>
    %min3A_310 = arith.minsi %min3A_294, %select_n3A_309 : vector<16xi32>
    %select_n3A_311 = arith.select %gt3A_308, %add3A_302, %broadcast_in_dim3A_172 : vector<16xi1>, vector<16xi32>
    %max3A_312 = arith.maxsi %max3A_296, %select_n3A_311 : vector<16xi32>
    %get3A_313 = arith.constant 112 : index
    %get3A_314 = tpu.vector_load %arg7[%get3A_313] {strides = array<i32>} : memref<512xi32, #tpu.memory_space<vmem>>, vector<16xi32>,
    %get3A_315 = vector.shape_cast %get3A_314 : vector<16xi32> to vector<16xi32>
    %add3A_316 = arith.constant 112 : i32
    %add3A_317 = vector.broadcast %add3A_316 : i32 to vector<16xi32>
    %add3A_318 = arith.addi %iota3A, %add3A_317 : vector<16xi32>
    %add3A_319 = arith.addi %add3A_303, %get3A_315 : vector<16xi32>
    %mul3A_320 = arith.muli %add3A_318, %get3A_315 : vector<16xi32>
    %add3A_321 = arith.addi %add3A_305, %mul3A_320 : vector<16xi32>
    %gt3A_322 = arith.constant 0 : i32
    %gt3A_323 = vector.broadcast %gt3A_322 : i32 to vector<16xi32>
    %gt3A_324 = arith.cmpi sgt, %get3A_315, %gt3A_323 : vector<16xi32>
    %select_n3A_325 = arith.select %gt3A_324, %add3A_318, %broadcast_in_dim3A_170 : vector<16xi1>, vector<16xi32>
    %min3A_326 = arith.minsi %min3A_310, %select_n3A_325 : vector<16xi32>
    %select_n3A_327 = arith.select %gt3A_324, %add3A_318, %broadcast_in_dim3A_172 : vector<16xi1>, vector<16xi32>
    %max3A_328 = arith.maxsi %max3A_312, %select_n3A_327 : vector<16xi32>
    %get3A_329 = arith.constant 128 : index
    %get3A_330 = tpu.vector_load %arg7[%get3A_329] {strides = array<i32>} : memref<512xi32, #tpu.memory_space<vmem>>, vector<16xi32>,
    %get3A_331 = vector.shape_cast %get3A_330 : vector<16xi32> to vector<16xi32>
    %add3A_332 = arith.constant 128 : i32
    %add3A_333 = vector.broadcast %add3A_332 : i32 to vector<16xi32>
    %add3A_334 = arith.addi %iota3A, %add3A_333 : vector<16xi32>
    %add3A_335 = arith.addi %add3A_319, %get3A_331 : vector<16xi32>
    %mul3A_336 = arith.muli %add3A_334, %get3A_331 : vector<16xi32>
    %add3A_337 = arith.addi %add3A_321, %mul3A_336 : vector<16xi32>
    %gt3A_338 = arith.constant 0 : i32
    %gt3A_339 = vector.broadcast %gt3A_338 : i32 to vector<16xi32>
    %gt3A_340 = arith.cmpi sgt, %get3A_331, %gt3A_339 : vector<16xi32>
    %select_n3A_341 = arith.select %gt3A_340, %add3A_334, %broadcast_in_dim3A_170 : vector<16xi1>, vector<16xi32>
    %min3A_342 = arith.minsi %min3A_326, %select_n3A_341 : vector<16xi32>
    %select_n3A_343 = arith.select %gt3A_340, %add3A_334, %broadcast_in_dim3A_172 : vector<16xi1>, vector<16xi32>
    %max3A_344 = arith.maxsi %max3A_328, %select_n3A_343 : vector<16xi32>
    %get3A_345 = arith.constant 144 : index
    %get3A_346 = tpu.vector_load %arg7[%get3A_345] {strides = array<i32>} : memref<512xi32, #tpu.memory_space<vmem>>, vector<16xi32>,
    %get3A_347 = vector.shape_cast %get3A_346 : vector<16xi32> to vector<16xi32>
    %add3A_348 = arith.constant 144 : i32
    %add3A_349 = vector.broadcast %add3A_348 : i32 to vector<16xi32>
    %add3A_350 = arith.addi %iota3A, %add3A_349 : vector<16xi32>
    %add3A_351 = arith.addi %add3A_335, %get3A_347 : vector<16xi32>
    %mul3A_352 = arith.muli %add3A_350, %get3A_347 : vector<16xi32>
    %add3A_353 = arith.addi %add3A_337, %mul3A_352 : vector<16xi32>
    %gt3A_354 = arith.constant 0 : i32
    %gt3A_355 = vector.broadcast %gt3A_354 : i32 to vector<16xi32>
    %gt3A_356 = arith.cmpi sgt, %get3A_347, %gt3A_355 : vector<16xi32>
    %select_n3A_357 = arith.select %gt3A_356, %add3A_350, %broadcast_in_dim3A_170 : vector<16xi1>, vector<16xi32>
    %min3A_358 = arith.minsi %min3A_342, %select_n3A_357 : vector<16xi32>
    %select_n3A_359 = arith.select %gt3A_356, %add3A_350, %broadcast_in_dim3A_172 : vector<16xi1>, vector<16xi32>
    %max3A_360 = arith.maxsi %max3A_344, %select_n3A_359 : vector<16xi32>
    %get3A_361 = arith.constant 160 : index
    %get3A_362 = tpu.vector_load %arg7[%get3A_361] {strides = array<i32>} : memref<512xi32, #tpu.memory_space<vmem>>, vector<16xi32>,
    %get3A_363 = vector.shape_cast %get3A_362 : vector<16xi32> to vector<16xi32>
    %add3A_364 = arith.constant 160 : i32
    %add3A_365 = vector.broadcast %add3A_364 : i32 to vector<16xi32>
    %add3A_366 = arith.addi %iota3A, %add3A_365 : vector<16xi32>
    %add3A_367 = arith.addi %add3A_351, %get3A_363 : vector<16xi32>
    %mul3A_368 = arith.muli %add3A_366, %get3A_363 : vector<16xi32>
    %add3A_369 = arith.addi %add3A_353, %mul3A_368 : vector<16xi32>
    %gt3A_370 = arith.constant 0 : i32
    %gt3A_371 = vector.broadcast %gt3A_370 : i32 to vector<16xi32>
    %gt3A_372 = arith.cmpi sgt, %get3A_363, %gt3A_371 : vector<16xi32>
    %select_n3A_373 = arith.select %gt3A_372, %add3A_366, %broadcast_in_dim3A_170 : vector<16xi1>, vector<16xi32>
    %min3A_374 = arith.minsi %min3A_358, %select_n3A_373 : vector<16xi32>
    %select_n3A_375 = arith.select %gt3A_372, %add3A_366, %broadcast_in_dim3A_172 : vector<16xi1>, vector<16xi32>
    %max3A_376 = arith.maxsi %max3A_360, %select_n3A_375 : vector<16xi32>
    %get3A_377 = arith.constant 176 : index
    %get3A_378 = tpu.vector_load %arg7[%get3A_377] {strides = array<i32>} : memref<512xi32, #tpu.memory_space<vmem>>, vector<16xi32>,
    %get3A_379 = vector.shape_cast %get3A_378 : vector<16xi32> to vector<16xi32>
    %add3A_380 = arith.constant 176 : i32
    %add3A_381 = vector.broadcast %add3A_380 : i32 to vector<16xi32>
    %add3A_382 = arith.addi %iota3A, %add3A_381 : vector<16xi32>
    %add3A_383 = arith.addi %add3A_367, %get3A_379 : vector<16xi32>
    %mul3A_384 = arith.muli %add3A_382, %get3A_379 : vector<16xi32>
    %add3A_385 = arith.addi %add3A_369, %mul3A_384 : vector<16xi32>
    %gt3A_386 = arith.constant 0 : i32
    %gt3A_387 = vector.broadcast %gt3A_386 : i32 to vector<16xi32>
    %gt3A_388 = arith.cmpi sgt, %get3A_379, %gt3A_387 : vector<16xi32>
    %select_n3A_389 = arith.select %gt3A_388, %add3A_382, %broadcast_in_dim3A_170 : vector<16xi1>, vector<16xi32>
    %min3A_390 = arith.minsi %min3A_374, %select_n3A_389 : vector<16xi32>
    %select_n3A_391 = arith.select %gt3A_388, %add3A_382, %broadcast_in_dim3A_172 : vector<16xi1>, vector<16xi32>
    %max3A_392 = arith.maxsi %max3A_376, %select_n3A_391 : vector<16xi32>
    %get3A_393 = arith.constant 192 : index
    %get3A_394 = tpu.vector_load %arg7[%get3A_393] {strides = array<i32>} : memref<512xi32, #tpu.memory_space<vmem>>, vector<16xi32>,
    %get3A_395 = vector.shape_cast %get3A_394 : vector<16xi32> to vector<16xi32>
    %add3A_396 = arith.constant 192 : i32
    %add3A_397 = vector.broadcast %add3A_396 : i32 to vector<16xi32>
    %add3A_398 = arith.addi %iota3A, %add3A_397 : vector<16xi32>
    %add3A_399 = arith.addi %add3A_383, %get3A_395 : vector<16xi32>
    %mul3A_400 = arith.muli %add3A_398, %get3A_395 : vector<16xi32>
    %add3A_401 = arith.addi %add3A_385, %mul3A_400 : vector<16xi32>
    %gt3A_402 = arith.constant 0 : i32
    %gt3A_403 = vector.broadcast %gt3A_402 : i32 to vector<16xi32>
    %gt3A_404 = arith.cmpi sgt, %get3A_395, %gt3A_403 : vector<16xi32>
    %select_n3A_405 = arith.select %gt3A_404, %add3A_398, %broadcast_in_dim3A_170 : vector<16xi1>, vector<16xi32>
    %min3A_406 = arith.minsi %min3A_390, %select_n3A_405 : vector<16xi32>
    %select_n3A_407 = arith.select %gt3A_404, %add3A_398, %broadcast_in_dim3A_172 : vector<16xi1>, vector<16xi32>
    %max3A_408 = arith.maxsi %max3A_392, %select_n3A_407 : vector<16xi32>
    %get3A_409 = arith.constant 208 : index
    %get3A_410 = tpu.vector_load %arg7[%get3A_409] {strides = array<i32>} : memref<512xi32, #tpu.memory_space<vmem>>, vector<16xi32>,
    %get3A_411 = vector.shape_cast %get3A_410 : vector<16xi32> to vector<16xi32>
    %add3A_412 = arith.constant 208 : i32
    %add3A_413 = vector.broadcast %add3A_412 : i32 to vector<16xi32>
    %add3A_414 = arith.addi %iota3A, %add3A_413 : vector<16xi32>
    %add3A_415 = arith.addi %add3A_399, %get3A_411 : vector<16xi32>
    %mul3A_416 = arith.muli %add3A_414, %get3A_411 : vector<16xi32>
    %add3A_417 = arith.addi %add3A_401, %mul3A_416 : vector<16xi32>
    %gt3A_418 = arith.constant 0 : i32
    %gt3A_419 = vector.broadcast %gt3A_418 : i32 to vector<16xi32>
    %gt3A_420 = arith.cmpi sgt, %get3A_411, %gt3A_419 : vector<16xi32>
    %select_n3A_421 = arith.select %gt3A_420, %add3A_414, %broadcast_in_dim3A_170 : vector<16xi1>, vector<16xi32>
    %min3A_422 = arith.minsi %min3A_406, %select_n3A_421 : vector<16xi32>
    %select_n3A_423 = arith.select %gt3A_420, %add3A_414, %broadcast_in_dim3A_172 : vector<16xi1>, vector<16xi32>
    %max3A_424 = arith.maxsi %max3A_408, %select_n3A_423 : vector<16xi32>
    %get3A_425 = arith.constant 224 : index
    %get3A_426 = tpu.vector_load %arg7[%get3A_425] {strides = array<i32>} : memref<512xi32, #tpu.memory_space<vmem>>, vector<16xi32>,
    %get3A_427 = vector.shape_cast %get3A_426 : vector<16xi32> to vector<16xi32>
    %add3A_428 = arith.constant 224 : i32
    %add3A_429 = vector.broadcast %add3A_428 : i32 to vector<16xi32>
    %add3A_430 = arith.addi %iota3A, %add3A_429 : vector<16xi32>
    %add3A_431 = arith.addi %add3A_415, %get3A_427 : vector<16xi32>
    %mul3A_432 = arith.muli %add3A_430, %get3A_427 : vector<16xi32>
    %add3A_433 = arith.addi %add3A_417, %mul3A_432 : vector<16xi32>
    %gt3A_434 = arith.constant 0 : i32
    %gt3A_435 = vector.broadcast %gt3A_434 : i32 to vector<16xi32>
    %gt3A_436 = arith.cmpi sgt, %get3A_427, %gt3A_435 : vector<16xi32>
    %select_n3A_437 = arith.select %gt3A_436, %add3A_430, %broadcast_in_dim3A_170 : vector<16xi1>, vector<16xi32>
    %min3A_438 = arith.minsi %min3A_422, %select_n3A_437 : vector<16xi32>
    %select_n3A_439 = arith.select %gt3A_436, %add3A_430, %broadcast_in_dim3A_172 : vector<16xi1>, vector<16xi32>
    %max3A_440 = arith.maxsi %max3A_424, %select_n3A_439 : vector<16xi32>
    %get3A_441 = arith.constant 240 : index
    %get3A_442 = tpu.vector_load %arg7[%get3A_441] {strides = array<i32>} : memref<512xi32, #tpu.memory_space<vmem>>, vector<16xi32>,
    %get3A_443 = vector.shape_cast %get3A_442 : vector<16xi32> to vector<16xi32>
    %add3A_444 = arith.constant 240 : i32
    %add3A_445 = vector.broadcast %add3A_444 : i32 to vector<16xi32>
    %add3A_446 = arith.addi %iota3A, %add3A_445 : vector<16xi32>
    %add3A_447 = arith.addi %add3A_431, %get3A_443 : vector<16xi32>
    %mul3A_448 = arith.muli %add3A_446, %get3A_443 : vector<16xi32>
    %add3A_449 = arith.addi %add3A_433, %mul3A_448 : vector<16xi32>
    %gt3A_450 = arith.constant 0 : i32
    %gt3A_451 = vector.broadcast %gt3A_450 : i32 to vector<16xi32>
    %gt3A_452 = arith.cmpi sgt, %get3A_443, %gt3A_451 : vector<16xi32>
    %select_n3A_453 = arith.select %gt3A_452, %add3A_446, %broadcast_in_dim3A_170 : vector<16xi1>, vector<16xi32>
    %min3A_454 = arith.minsi %min3A_438, %select_n3A_453 : vector<16xi32>
    %select_n3A_455 = arith.select %gt3A_452, %add3A_446, %broadcast_in_dim3A_172 : vector<16xi1>, vector<16xi32>
    %max3A_456 = arith.maxsi %max3A_440, %select_n3A_455 : vector<16xi32>
    %get3A_457 = arith.constant 256 : index
    %get3A_458 = tpu.vector_load %arg7[%get3A_457] {strides = array<i32>} : memref<512xi32, #tpu.memory_space<vmem>>, vector<16xi32>,
    %get3A_459 = vector.shape_cast %get3A_458 : vector<16xi32> to vector<16xi32>
    %add3A_460 = arith.constant 256 : i32
    %add3A_461 = vector.broadcast %add3A_460 : i32 to vector<16xi32>
    %add3A_462 = arith.addi %iota3A, %add3A_461 : vector<16xi32>
    %add3A_463 = arith.addi %add3A_447, %get3A_459 : vector<16xi32>
    %mul3A_464 = arith.muli %add3A_462, %get3A_459 : vector<16xi32>
    %add3A_465 = arith.addi %add3A_449, %mul3A_464 : vector<16xi32>
    %gt3A_466 = arith.constant 0 : i32
    %gt3A_467 = vector.broadcast %gt3A_466 : i32 to vector<16xi32>
    %gt3A_468 = arith.cmpi sgt, %get3A_459, %gt3A_467 : vector<16xi32>
    %select_n3A_469 = arith.select %gt3A_468, %add3A_462, %broadcast_in_dim3A_170 : vector<16xi1>, vector<16xi32>
    %min3A_470 = arith.minsi %min3A_454, %select_n3A_469 : vector<16xi32>
    %select_n3A_471 = arith.select %gt3A_468, %add3A_462, %broadcast_in_dim3A_172 : vector<16xi1>, vector<16xi32>
    %max3A_472 = arith.maxsi %max3A_456, %select_n3A_471 : vector<16xi32>
    %get3A_473 = arith.constant 272 : index
    %get3A_474 = tpu.vector_load %arg7[%get3A_473] {strides = array<i32>} : memref<512xi32, #tpu.memory_space<vmem>>, vector<16xi32>,
    %get3A_475 = vector.shape_cast %get3A_474 : vector<16xi32> to vector<16xi32>
    %add3A_476 = arith.constant 272 : i32
    %add3A_477 = vector.broadcast %add3A_476 : i32 to vector<16xi32>
    %add3A_478 = arith.addi %iota3A, %add3A_477 : vector<16xi32>
    %add3A_479 = arith.addi %add3A_463, %get3A_475 : vector<16xi32>
    %mul3A_480 = arith.muli %add3A_478, %get3A_475 : vector<16xi32>
    %add3A_481 = arith.addi %add3A_465, %mul3A_480 : vector<16xi32>
    %gt3A_482 = arith.constant 0 : i32
    %gt3A_483 = vector.broadcast %gt3A_482 : i32 to vector<16xi32>
    %gt3A_484 = arith.cmpi sgt, %get3A_475, %gt3A_483 : vector<16xi32>
    %select_n3A_485 = arith.select %gt3A_484, %add3A_478, %broadcast_in_dim3A_170 : vector<16xi1>, vector<16xi32>
    %min3A_486 = arith.minsi %min3A_470, %select_n3A_485 : vector<16xi32>
    %select_n3A_487 = arith.select %gt3A_484, %add3A_478, %broadcast_in_dim3A_172 : vector<16xi1>, vector<16xi32>
    %max3A_488 = arith.maxsi %max3A_472, %select_n3A_487 : vector<16xi32>
    %get3A_489 = arith.constant 288 : index
    %get3A_490 = tpu.vector_load %arg7[%get3A_489] {strides = array<i32>} : memref<512xi32, #tpu.memory_space<vmem>>, vector<16xi32>,
    %get3A_491 = vector.shape_cast %get3A_490 : vector<16xi32> to vector<16xi32>
    %add3A_492 = arith.constant 288 : i32
    %add3A_493 = vector.broadcast %add3A_492 : i32 to vector<16xi32>
    %add3A_494 = arith.addi %iota3A, %add3A_493 : vector<16xi32>
    %add3A_495 = arith.addi %add3A_479, %get3A_491 : vector<16xi32>
    %mul3A_496 = arith.muli %add3A_494, %get3A_491 : vector<16xi32>
    %add3A_497 = arith.addi %add3A_481, %mul3A_496 : vector<16xi32>
    %gt3A_498 = arith.constant 0 : i32
    %gt3A_499 = vector.broadcast %gt3A_498 : i32 to vector<16xi32>
    %gt3A_500 = arith.cmpi sgt, %get3A_491, %gt3A_499 : vector<16xi32>
    %select_n3A_501 = arith.select %gt3A_500, %add3A_494, %broadcast_in_dim3A_170 : vector<16xi1>, vector<16xi32>
    %min3A_502 = arith.minsi %min3A_486, %select_n3A_501 : vector<16xi32>
    %select_n3A_503 = arith.select %gt3A_500, %add3A_494, %broadcast_in_dim3A_172 : vector<16xi1>, vector<16xi32>
    %max3A_504 = arith.maxsi %max3A_488, %select_n3A_503 : vector<16xi32>
    %get3A_505 = arith.constant 304 : index
    %get3A_506 = tpu.vector_load %arg7[%get3A_505] {strides = array<i32>} : memref<512xi32, #tpu.memory_space<vmem>>, vector<16xi32>,
    %get3A_507 = vector.shape_cast %get3A_506 : vector<16xi32> to vector<16xi32>
    %add3A_508 = arith.constant 304 : i32
    %add3A_509 = vector.broadcast %add3A_508 : i32 to vector<16xi32>
    %add3A_510 = arith.addi %iota3A, %add3A_509 : vector<16xi32>
    %add3A_511 = arith.addi %add3A_495, %get3A_507 : vector<16xi32>
    %mul3A_512 = arith.muli %add3A_510, %get3A_507 : vector<16xi32>
    %add3A_513 = arith.addi %add3A_497, %mul3A_512 : vector<16xi32>
    %gt3A_514 = arith.constant 0 : i32
    %gt3A_515 = vector.broadcast %gt3A_514 : i32 to vector<16xi32>
    %gt3A_516 = arith.cmpi sgt, %get3A_507, %gt3A_515 : vector<16xi32>
    %select_n3A_517 = arith.select %gt3A_516, %add3A_510, %broadcast_in_dim3A_170 : vector<16xi1>, vector<16xi32>
    %min3A_518 = arith.minsi %min3A_502, %select_n3A_517 : vector<16xi32>
    %select_n3A_519 = arith.select %gt3A_516, %add3A_510, %broadcast_in_dim3A_172 : vector<16xi1>, vector<16xi32>
    %max3A_520 = arith.maxsi %max3A_504, %select_n3A_519 : vector<16xi32>
    %get3A_521 = arith.constant 320 : index
    %get3A_522 = tpu.vector_load %arg7[%get3A_521] {strides = array<i32>} : memref<512xi32, #tpu.memory_space<vmem>>, vector<16xi32>,
    %get3A_523 = vector.shape_cast %get3A_522 : vector<16xi32> to vector<16xi32>
    %add3A_524 = arith.constant 320 : i32
    %add3A_525 = vector.broadcast %add3A_524 : i32 to vector<16xi32>
    %add3A_526 = arith.addi %iota3A, %add3A_525 : vector<16xi32>
    %add3A_527 = arith.addi %add3A_511, %get3A_523 : vector<16xi32>
    %mul3A_528 = arith.muli %add3A_526, %get3A_523 : vector<16xi32>
    %add3A_529 = arith.addi %add3A_513, %mul3A_528 : vector<16xi32>
    %gt3A_530 = arith.constant 0 : i32
    %gt3A_531 = vector.broadcast %gt3A_530 : i32 to vector<16xi32>
    %gt3A_532 = arith.cmpi sgt, %get3A_523, %gt3A_531 : vector<16xi32>
    %select_n3A_533 = arith.select %gt3A_532, %add3A_526, %broadcast_in_dim3A_170 : vector<16xi1>, vector<16xi32>
    %min3A_534 = arith.minsi %min3A_518, %select_n3A_533 : vector<16xi32>
    %select_n3A_535 = arith.select %gt3A_532, %add3A_526, %broadcast_in_dim3A_172 : vector<16xi1>, vector<16xi32>
    %max3A_536 = arith.maxsi %max3A_520, %select_n3A_535 : vector<16xi32>
    %get3A_537 = arith.constant 336 : index
    %get3A_538 = tpu.vector_load %arg7[%get3A_537] {strides = array<i32>} : memref<512xi32, #tpu.memory_space<vmem>>, vector<16xi32>,
    %get3A_539 = vector.shape_cast %get3A_538 : vector<16xi32> to vector<16xi32>
    %add3A_540 = arith.constant 336 : i32
    %add3A_541 = vector.broadcast %add3A_540 : i32 to vector<16xi32>
    %add3A_542 = arith.addi %iota3A, %add3A_541 : vector<16xi32>
    %add3A_543 = arith.addi %add3A_527, %get3A_539 : vector<16xi32>
    %mul3A_544 = arith.muli %add3A_542, %get3A_539 : vector<16xi32>
    %add3A_545 = arith.addi %add3A_529, %mul3A_544 : vector<16xi32>
    %gt3A_546 = arith.constant 0 : i32
    %gt3A_547 = vector.broadcast %gt3A_546 : i32 to vector<16xi32>
    %gt3A_548 = arith.cmpi sgt, %get3A_539, %gt3A_547 : vector<16xi32>
    %select_n3A_549 = arith.select %gt3A_548, %add3A_542, %broadcast_in_dim3A_170 : vector<16xi1>, vector<16xi32>
    %min3A_550 = arith.minsi %min3A_534, %select_n3A_549 : vector<16xi32>
    %select_n3A_551 = arith.select %gt3A_548, %add3A_542, %broadcast_in_dim3A_172 : vector<16xi1>, vector<16xi32>
    %max3A_552 = arith.maxsi %max3A_536, %select_n3A_551 : vector<16xi32>
    %get3A_553 = arith.constant 352 : index
    %get3A_554 = tpu.vector_load %arg7[%get3A_553] {strides = array<i32>} : memref<512xi32, #tpu.memory_space<vmem>>, vector<16xi32>,
    %get3A_555 = vector.shape_cast %get3A_554 : vector<16xi32> to vector<16xi32>
    %add3A_556 = arith.constant 352 : i32
    %add3A_557 = vector.broadcast %add3A_556 : i32 to vector<16xi32>
    %add3A_558 = arith.addi %iota3A, %add3A_557 : vector<16xi32>
    %add3A_559 = arith.addi %add3A_543, %get3A_555 : vector<16xi32>
    %mul3A_560 = arith.muli %add3A_558, %get3A_555 : vector<16xi32>
    %add3A_561 = arith.addi %add3A_545, %mul3A_560 : vector<16xi32>
    %gt3A_562 = arith.constant 0 : i32
    %gt3A_563 = vector.broadcast %gt3A_562 : i32 to vector<16xi32>
    %gt3A_564 = arith.cmpi sgt, %get3A_555, %gt3A_563 : vector<16xi32>
    %select_n3A_565 = arith.select %gt3A_564, %add3A_558, %broadcast_in_dim3A_170 : vector<16xi1>, vector<16xi32>
    %min3A_566 = arith.minsi %min3A_550, %select_n3A_565 : vector<16xi32>
    %select_n3A_567 = arith.select %gt3A_564, %add3A_558, %broadcast_in_dim3A_172 : vector<16xi1>, vector<16xi32>
    %max3A_568 = arith.maxsi %max3A_552, %select_n3A_567 : vector<16xi32>
    %get3A_569 = arith.constant 368 : index
    %get3A_570 = tpu.vector_load %arg7[%get3A_569] {strides = array<i32>} : memref<512xi32, #tpu.memory_space<vmem>>, vector<16xi32>,
    %get3A_571 = vector.shape_cast %get3A_570 : vector<16xi32> to vector<16xi32>
    %add3A_572 = arith.constant 368 : i32
    %add3A_573 = vector.broadcast %add3A_572 : i32 to vector<16xi32>
    %add3A_574 = arith.addi %iota3A, %add3A_573 : vector<16xi32>
    %add3A_575 = arith.addi %add3A_559, %get3A_571 : vector<16xi32>
    %mul3A_576 = arith.muli %add3A_574, %get3A_571 : vector<16xi32>
    %add3A_577 = arith.addi %add3A_561, %mul3A_576 : vector<16xi32>
    %gt3A_578 = arith.constant 0 : i32
    %gt3A_579 = vector.broadcast %gt3A_578 : i32 to vector<16xi32>
    %gt3A_580 = arith.cmpi sgt, %get3A_571, %gt3A_579 : vector<16xi32>
    %select_n3A_581 = arith.select %gt3A_580, %add3A_574, %broadcast_in_dim3A_170 : vector<16xi1>, vector<16xi32>
    %min3A_582 = arith.minsi %min3A_566, %select_n3A_581 : vector<16xi32>
    %select_n3A_583 = arith.select %gt3A_580, %add3A_574, %broadcast_in_dim3A_172 : vector<16xi1>, vector<16xi32>
    %max3A_584 = arith.maxsi %max3A_568, %select_n3A_583 : vector<16xi32>
    %get3A_585 = arith.constant 384 : index
    %get3A_586 = tpu.vector_load %arg7[%get3A_585] {strides = array<i32>} : memref<512xi32, #tpu.memory_space<vmem>>, vector<16xi32>,
    %get3A_587 = vector.shape_cast %get3A_586 : vector<16xi32> to vector<16xi32>
    %add3A_588 = arith.constant 384 : i32
    %add3A_589 = vector.broadcast %add3A_588 : i32 to vector<16xi32>
    %add3A_590 = arith.addi %iota3A, %add3A_589 : vector<16xi32>
    %add3A_591 = arith.addi %add3A_575, %get3A_587 : vector<16xi32>
    %mul3A_592 = arith.muli %add3A_590, %get3A_587 : vector<16xi32>
    %add3A_593 = arith.addi %add3A_577, %mul3A_592 : vector<16xi32>
    %gt3A_594 = arith.constant 0 : i32
    %gt3A_595 = vector.broadcast %gt3A_594 : i32 to vector<16xi32>
    %gt3A_596 = arith.cmpi sgt, %get3A_587, %gt3A_595 : vector<16xi32>
    %select_n3A_597 = arith.select %gt3A_596, %add3A_590, %broadcast_in_dim3A_170 : vector<16xi1>, vector<16xi32>
    %min3A_598 = arith.minsi %min3A_582, %select_n3A_597 : vector<16xi32>
    %select_n3A_599 = arith.select %gt3A_596, %add3A_590, %broadcast_in_dim3A_172 : vector<16xi1>, vector<16xi32>
    %max3A_600 = arith.maxsi %max3A_584, %select_n3A_599 : vector<16xi32>
    %get3A_601 = arith.constant 400 : index
    %get3A_602 = tpu.vector_load %arg7[%get3A_601] {strides = array<i32>} : memref<512xi32, #tpu.memory_space<vmem>>, vector<16xi32>,
    %get3A_603 = vector.shape_cast %get3A_602 : vector<16xi32> to vector<16xi32>
    %add3A_604 = arith.constant 400 : i32
    %add3A_605 = vector.broadcast %add3A_604 : i32 to vector<16xi32>
    %add3A_606 = arith.addi %iota3A, %add3A_605 : vector<16xi32>
    %add3A_607 = arith.addi %add3A_591, %get3A_603 : vector<16xi32>
    %mul3A_608 = arith.muli %add3A_606, %get3A_603 : vector<16xi32>
    %add3A_609 = arith.addi %add3A_593, %mul3A_608 : vector<16xi32>
    %gt3A_610 = arith.constant 0 : i32
    %gt3A_611 = vector.broadcast %gt3A_610 : i32 to vector<16xi32>
    %gt3A_612 = arith.cmpi sgt, %get3A_603, %gt3A_611 : vector<16xi32>
    %select_n3A_613 = arith.select %gt3A_612, %add3A_606, %broadcast_in_dim3A_170 : vector<16xi1>, vector<16xi32>
    %min3A_614 = arith.minsi %min3A_598, %select_n3A_613 : vector<16xi32>
    %select_n3A_615 = arith.select %gt3A_612, %add3A_606, %broadcast_in_dim3A_172 : vector<16xi1>, vector<16xi32>
    %max3A_616 = arith.maxsi %max3A_600, %select_n3A_615 : vector<16xi32>
    %get3A_617 = arith.constant 416 : index
    %get3A_618 = tpu.vector_load %arg7[%get3A_617] {strides = array<i32>} : memref<512xi32, #tpu.memory_space<vmem>>, vector<16xi32>,
    %get3A_619 = vector.shape_cast %get3A_618 : vector<16xi32> to vector<16xi32>
    %add3A_620 = arith.constant 416 : i32
    %add3A_621 = vector.broadcast %add3A_620 : i32 to vector<16xi32>
    %add3A_622 = arith.addi %iota3A, %add3A_621 : vector<16xi32>
    %add3A_623 = arith.addi %add3A_607, %get3A_619 : vector<16xi32>
    %mul3A_624 = arith.muli %add3A_622, %get3A_619 : vector<16xi32>
    %add3A_625 = arith.addi %add3A_609, %mul3A_624 : vector<16xi32>
    %gt3A_626 = arith.constant 0 : i32
    %gt3A_627 = vector.broadcast %gt3A_626 : i32 to vector<16xi32>
    %gt3A_628 = arith.cmpi sgt, %get3A_619, %gt3A_627 : vector<16xi32>
    %select_n3A_629 = arith.select %gt3A_628, %add3A_622, %broadcast_in_dim3A_170 : vector<16xi1>, vector<16xi32>
    %min3A_630 = arith.minsi %min3A_614, %select_n3A_629 : vector<16xi32>
    %select_n3A_631 = arith.select %gt3A_628, %add3A_622, %broadcast_in_dim3A_172 : vector<16xi1>, vector<16xi32>
    %max3A_632 = arith.maxsi %max3A_616, %select_n3A_631 : vector<16xi32>
    %get3A_633 = arith.constant 432 : index
    %get3A_634 = tpu.vector_load %arg7[%get3A_633] {strides = array<i32>} : memref<512xi32, #tpu.memory_space<vmem>>, vector<16xi32>,
    %get3A_635 = vector.shape_cast %get3A_634 : vector<16xi32> to vector<16xi32>
    %add3A_636 = arith.constant 432 : i32
    %add3A_637 = vector.broadcast %add3A_636 : i32 to vector<16xi32>
    %add3A_638 = arith.addi %iota3A, %add3A_637 : vector<16xi32>
    %add3A_639 = arith.addi %add3A_623, %get3A_635 : vector<16xi32>
    %mul3A_640 = arith.muli %add3A_638, %get3A_635 : vector<16xi32>
    %add3A_641 = arith.addi %add3A_625, %mul3A_640 : vector<16xi32>
    %gt3A_642 = arith.constant 0 : i32
    %gt3A_643 = vector.broadcast %gt3A_642 : i32 to vector<16xi32>
    %gt3A_644 = arith.cmpi sgt, %get3A_635, %gt3A_643 : vector<16xi32>
    %select_n3A_645 = arith.select %gt3A_644, %add3A_638, %broadcast_in_dim3A_170 : vector<16xi1>, vector<16xi32>
    %min3A_646 = arith.minsi %min3A_630, %select_n3A_645 : vector<16xi32>
    %select_n3A_647 = arith.select %gt3A_644, %add3A_638, %broadcast_in_dim3A_172 : vector<16xi1>, vector<16xi32>
    %max3A_648 = arith.maxsi %max3A_632, %select_n3A_647 : vector<16xi32>
    %get3A_649 = arith.constant 448 : index
    %get3A_650 = tpu.vector_load %arg7[%get3A_649] {strides = array<i32>} : memref<512xi32, #tpu.memory_space<vmem>>, vector<16xi32>,
    %get3A_651 = vector.shape_cast %get3A_650 : vector<16xi32> to vector<16xi32>
    %add3A_652 = arith.constant 448 : i32
    %add3A_653 = vector.broadcast %add3A_652 : i32 to vector<16xi32>
    %add3A_654 = arith.addi %iota3A, %add3A_653 : vector<16xi32>
    %add3A_655 = arith.addi %add3A_639, %get3A_651 : vector<16xi32>
    %mul3A_656 = arith.muli %add3A_654, %get3A_651 : vector<16xi32>
    %add3A_657 = arith.addi %add3A_641, %mul3A_656 : vector<16xi32>
    %gt3A_658 = arith.constant 0 : i32
    %gt3A_659 = vector.broadcast %gt3A_658 : i32 to vector<16xi32>
    %gt3A_660 = arith.cmpi sgt, %get3A_651, %gt3A_659 : vector<16xi32>
    %select_n3A_661 = arith.select %gt3A_660, %add3A_654, %broadcast_in_dim3A_170 : vector<16xi1>, vector<16xi32>
    %min3A_662 = arith.minsi %min3A_646, %select_n3A_661 : vector<16xi32>
    %select_n3A_663 = arith.select %gt3A_660, %add3A_654, %broadcast_in_dim3A_172 : vector<16xi1>, vector<16xi32>
    %max3A_664 = arith.maxsi %max3A_648, %select_n3A_663 : vector<16xi32>
    %get3A_665 = arith.constant 464 : index
    %get3A_666 = tpu.vector_load %arg7[%get3A_665] {strides = array<i32>} : memref<512xi32, #tpu.memory_space<vmem>>, vector<16xi32>,
    %get3A_667 = vector.shape_cast %get3A_666 : vector<16xi32> to vector<16xi32>
    %add3A_668 = arith.constant 464 : i32
    %add3A_669 = vector.broadcast %add3A_668 : i32 to vector<16xi32>
    %add3A_670 = arith.addi %iota3A, %add3A_669 : vector<16xi32>
    %add3A_671 = arith.addi %add3A_655, %get3A_667 : vector<16xi32>
    %mul3A_672 = arith.muli %add3A_670, %get3A_667 : vector<16xi32>
    %add3A_673 = arith.addi %add3A_657, %mul3A_672 : vector<16xi32>
    %gt3A_674 = arith.constant 0 : i32
    %gt3A_675 = vector.broadcast %gt3A_674 : i32 to vector<16xi32>
    %gt3A_676 = arith.cmpi sgt, %get3A_667, %gt3A_675 : vector<16xi32>
    %select_n3A_677 = arith.select %gt3A_676, %add3A_670, %broadcast_in_dim3A_170 : vector<16xi1>, vector<16xi32>
    %min3A_678 = arith.minsi %min3A_662, %select_n3A_677 : vector<16xi32>
    %select_n3A_679 = arith.select %gt3A_676, %add3A_670, %broadcast_in_dim3A_172 : vector<16xi1>, vector<16xi32>
    %max3A_680 = arith.maxsi %max3A_664, %select_n3A_679 : vector<16xi32>
    %get3A_681 = arith.constant 480 : index
    %get3A_682 = tpu.vector_load %arg7[%get3A_681] {strides = array<i32>} : memref<512xi32, #tpu.memory_space<vmem>>, vector<16xi32>,
    %get3A_683 = vector.shape_cast %get3A_682 : vector<16xi32> to vector<16xi32>
    %add3A_684 = arith.constant 480 : i32
    %add3A_685 = vector.broadcast %add3A_684 : i32 to vector<16xi32>
    %add3A_686 = arith.addi %iota3A, %add3A_685 : vector<16xi32>
    %add3A_687 = arith.addi %add3A_671, %get3A_683 : vector<16xi32>
    %mul3A_688 = arith.muli %add3A_686, %get3A_683 : vector<16xi32>
    %add3A_689 = arith.addi %add3A_673, %mul3A_688 : vector<16xi32>
    %gt3A_690 = arith.constant 0 : i32
    %gt3A_691 = vector.broadcast %gt3A_690 : i32 to vector<16xi32>
    %gt3A_692 = arith.cmpi sgt, %get3A_683, %gt3A_691 : vector<16xi32>
    %select_n3A_693 = arith.select %gt3A_692, %add3A_686, %broadcast_in_dim3A_170 : vector<16xi1>, vector<16xi32>
    %min3A_694 = arith.minsi %min3A_678, %select_n3A_693 : vector<16xi32>
    %select_n3A_695 = arith.select %gt3A_692, %add3A_686, %broadcast_in_dim3A_172 : vector<16xi1>, vector<16xi32>
    %max3A_696 = arith.maxsi %max3A_680, %select_n3A_695 : vector<16xi32>
    %get3A_697 = arith.constant 496 : index
    %get3A_698 = tpu.vector_load %arg7[%get3A_697] {strides = array<i32>} : memref<512xi32, #tpu.memory_space<vmem>>, vector<16xi32>,
    %get3A_699 = vector.shape_cast %get3A_698 : vector<16xi32> to vector<16xi32>
    %add3A_700 = arith.constant 496 : i32
    %add3A_701 = vector.broadcast %add3A_700 : i32 to vector<16xi32>
    %add3A_702 = arith.addi %iota3A, %add3A_701 : vector<16xi32>
    %add3A_703 = arith.addi %add3A_687, %get3A_699 : vector<16xi32>
    %mul3A_704 = arith.muli %add3A_702, %get3A_699 : vector<16xi32>
    %add3A_705 = arith.addi %add3A_689, %mul3A_704 : vector<16xi32>
    %gt3A_706 = arith.constant 0 : i32
    %gt3A_707 = vector.broadcast %gt3A_706 : i32 to vector<16xi32>
    %gt3A_708 = arith.cmpi sgt, %get3A_699, %gt3A_707 : vector<16xi32>
    %select_n3A_709 = arith.select %gt3A_708, %add3A_702, %broadcast_in_dim3A_170 : vector<16xi1>, vector<16xi32>
    %min3A_710 = arith.minsi %min3A_694, %select_n3A_709 : vector<16xi32>
    %select_n3A_711 = arith.select %gt3A_708, %add3A_702, %broadcast_in_dim3A_172 : vector<16xi1>, vector<16xi32>
    %max3A_712 = arith.maxsi %max3A_696, %select_n3A_711 : vector<16xi32>
    %xor3A = arith.constant 8 : i32
    %xor3A_713 = vector.broadcast %xor3A : i32 to vector<16xi32>
    %xor3A_714 = arith.xori %iota3A, %xor3A_713 : vector<16xi32>
    %broadcast_in_dim3A_715 = vector.shape_cast %xor3A_714 : vector<16xi32> to vector<16x1xi32>
    %gather3A = vector.shape_cast %broadcast_in_dim3A_715 : vector<16x1xi32> to vector<16xi32>
    %gather3A_716 = tpu.dynamic_gather %add3A_703[%gather3A] in [0] : vector<16xi32>, vector<16xi32> -> vector<16xi32>
    %add3A_717 = arith.addi %add3A_703, %gather3A_716 : vector<16xi32>
    %xor3A_718 = arith.constant 4 : i32
    %xor3A_719 = vector.broadcast %xor3A_718 : i32 to vector<16xi32>
    %xor3A_720 = arith.xori %iota3A, %xor3A_719 : vector<16xi32>
    %broadcast_in_dim3A_721 = vector.shape_cast %xor3A_720 : vector<16xi32> to vector<16x1xi32>
    %gather3A_722 = vector.shape_cast %broadcast_in_dim3A_721 : vector<16x1xi32> to vector<16xi32>
    %gather3A_723 = tpu.dynamic_gather %add3A_717[%gather3A_722] in [0] : vector<16xi32>, vector<16xi32> -> vector<16xi32>
    %add3A_724 = arith.addi %add3A_717, %gather3A_723 : vector<16xi32>
    %xor3A_725 = arith.constant 2 : i32
    %xor3A_726 = vector.broadcast %xor3A_725 : i32 to vector<16xi32>
    %xor3A_727 = arith.xori %iota3A, %xor3A_726 : vector<16xi32>
    %broadcast_in_dim3A_728 = vector.shape_cast %xor3A_727 : vector<16xi32> to vector<16x1xi32>
    %gather3A_729 = vector.shape_cast %broadcast_in_dim3A_728 : vector<16x1xi32> to vector<16xi32>
    %gather3A_730 = tpu.dynamic_gather %add3A_724[%gather3A_729] in [0] : vector<16xi32>, vector<16xi32> -> vector<16xi32>
    %add3A_731 = arith.addi %add3A_724, %gather3A_730 : vector<16xi32>
    %xor3A_732 = arith.constant 1 : i32
    %xor3A_733 = vector.broadcast %xor3A_732 : i32 to vector<16xi32>
    %xor3A_734 = arith.xori %iota3A, %xor3A_733 : vector<16xi32>
    %broadcast_in_dim3A_735 = vector.shape_cast %xor3A_734 : vector<16xi32> to vector<16x1xi32>
    %gather3A_736 = vector.shape_cast %broadcast_in_dim3A_735 : vector<16x1xi32> to vector<16xi32>
    %gather3A_737 = tpu.dynamic_gather %add3A_731[%gather3A_736] in [0] : vector<16xi32>, vector<16xi32> -> vector<16xi32>
    %add3A_738 = arith.addi %add3A_731, %gather3A_737 : vector<16xi32>
    %xor3A_739 = arith.constant 8 : i32
    %xor3A_740 = vector.broadcast %xor3A_739 : i32 to vector<16xi32>
    %xor3A_741 = arith.xori %iota3A, %xor3A_740 : vector<16xi32>
    %broadcast_in_dim3A_742 = vector.shape_cast %xor3A_741 : vector<16xi32> to vector<16x1xi32>
    %gather3A_743 = vector.shape_cast %broadcast_in_dim3A_742 : vector<16x1xi32> to vector<16xi32>
    %gather3A_744 = tpu.dynamic_gather %scan3A_203#0[%gather3A_743] in [0] : vector<16xi32>, vector<16xi32> -> vector<16xi32>
    %add3A_745 = arith.addi %scan3A_203#0, %gather3A_744 : vector<16xi32>
    %xor3A_746 = arith.constant 4 : i32
    %xor3A_747 = vector.broadcast %xor3A_746 : i32 to vector<16xi32>
    %xor3A_748 = arith.xori %iota3A, %xor3A_747 : vector<16xi32>
    %broadcast_in_dim3A_749 = vector.shape_cast %xor3A_748 : vector<16xi32> to vector<16x1xi32>
    %gather3A_750 = vector.shape_cast %broadcast_in_dim3A_749 : vector<16x1xi32> to vector<16xi32>
    %gather3A_751 = tpu.dynamic_gather %add3A_745[%gather3A_750] in [0] : vector<16xi32>, vector<16xi32> -> vector<16xi32>
    %add3A_752 = arith.addi %add3A_745, %gather3A_751 : vector<16xi32>
    %xor3A_753 = arith.constant 2 : i32
    %xor3A_754 = vector.broadcast %xor3A_753 : i32 to vector<16xi32>
    %xor3A_755 = arith.xori %iota3A, %xor3A_754 : vector<16xi32>
    %broadcast_in_dim3A_756 = vector.shape_cast %xor3A_755 : vector<16xi32> to vector<16x1xi32>
    %gather3A_757 = vector.shape_cast %broadcast_in_dim3A_756 : vector<16x1xi32> to vector<16xi32>
    %gather3A_758 = tpu.dynamic_gather %add3A_752[%gather3A_757] in [0] : vector<16xi32>, vector<16xi32> -> vector<16xi32>
    %add3A_759 = arith.addi %add3A_752, %gather3A_758 : vector<16xi32>
    %xor3A_760 = arith.constant 1 : i32
    %xor3A_761 = vector.broadcast %xor3A_760 : i32 to vector<16xi32>
    %xor3A_762 = arith.xori %iota3A, %xor3A_761 : vector<16xi32>
    %broadcast_in_dim3A_763 = vector.shape_cast %xor3A_762 : vector<16xi32> to vector<16x1xi32>
    %gather3A_764 = vector.shape_cast %broadcast_in_dim3A_763 : vector<16x1xi32> to vector<16xi32>
    %gather3A_765 = tpu.dynamic_gather %add3A_759[%gather3A_764] in [0] : vector<16xi32>, vector<16xi32> -> vector<16xi32>
    %add3A_766 = arith.addi %add3A_759, %gather3A_765 : vector<16xi32>
    %xor3A_767 = arith.constant 8 : i32
    %xor3A_768 = vector.broadcast %xor3A_767 : i32 to vector<16xi32>
    %xor3A_769 = arith.xori %iota3A, %xor3A_768 : vector<16xi32>
    %broadcast_in_dim3A_770 = vector.shape_cast %xor3A_769 : vector<16xi32> to vector<16x1xi32>
    %gather3A_771 = vector.shape_cast %broadcast_in_dim3A_770 : vector<16x1xi32> to vector<16xi32>
    %gather3A_772 = tpu.dynamic_gather %add3A_705[%gather3A_771] in [0] : vector<16xi32>, vector<16xi32> -> vector<16xi32>
    %add3A_773 = arith.addi %add3A_705, %gather3A_772 : vector<16xi32>
    %xor3A_774 = arith.constant 4 : i32
    %xor3A_775 = vector.broadcast %xor3A_774 : i32 to vector<16xi32>
    %xor3A_776 = arith.xori %iota3A, %xor3A_775 : vector<16xi32>
    %broadcast_in_dim3A_777 = vector.shape_cast %xor3A_776 : vector<16xi32> to vector<16x1xi32>
    %gather3A_778 = vector.shape_cast %broadcast_in_dim3A_777 : vector<16x1xi32> to vector<16xi32>
    %gather3A_779 = tpu.dynamic_gather %add3A_773[%gather3A_778] in [0] : vector<16xi32>, vector<16xi32> -> vector<16xi32>
    %add3A_780 = arith.addi %add3A_773, %gather3A_779 : vector<16xi32>
    %xor3A_781 = arith.constant 2 : i32
    %xor3A_782 = vector.broadcast %xor3A_781 : i32 to vector<16xi32>
    %xor3A_783 = arith.xori %iota3A, %xor3A_782 : vector<16xi32>
    %broadcast_in_dim3A_784 = vector.shape_cast %xor3A_783 : vector<16xi32> to vector<16x1xi32>
    %gather3A_785 = vector.shape_cast %broadcast_in_dim3A_784 : vector<16x1xi32> to vector<16xi32>
    %gather3A_786 = tpu.dynamic_gather %add3A_780[%gather3A_785] in [0] : vector<16xi32>, vector<16xi32> -> vector<16xi32>
    %add3A_787 = arith.addi %add3A_780, %gather3A_786 : vector<16xi32>
    %xor3A_788 = arith.constant 1 : i32
    %xor3A_789 = vector.broadcast %xor3A_788 : i32 to vector<16xi32>
    %xor3A_790 = arith.xori %iota3A, %xor3A_789 : vector<16xi32>
    %broadcast_in_dim3A_791 = vector.shape_cast %xor3A_790 : vector<16xi32> to vector<16x1xi32>
    %gather3A_792 = vector.shape_cast %broadcast_in_dim3A_791 : vector<16x1xi32> to vector<16xi32>
    %gather3A_793 = tpu.dynamic_gather %add3A_787[%gather3A_792] in [0] : vector<16xi32>, vector<16xi32> -> vector<16xi32>
    %add3A_794 = arith.addi %add3A_787, %gather3A_793 : vector<16xi32>
    %xor3A_795 = arith.constant 8 : i32
    %xor3A_796 = vector.broadcast %xor3A_795 : i32 to vector<16xi32>
    %xor3A_797 = arith.xori %iota3A, %xor3A_796 : vector<16xi32>
    %broadcast_in_dim3A_798 = vector.shape_cast %xor3A_797 : vector<16xi32> to vector<16x1xi32>
    %gather3A_799 = vector.shape_cast %broadcast_in_dim3A_798 : vector<16x1xi32> to vector<16xi32>
    %gather3A_800 = tpu.dynamic_gather %scan3A_203#1[%gather3A_799] in [0] : vector<16xi32>, vector<16xi32> -> vector<16xi32>
    %min3A_801 = arith.minsi %scan3A_203#1, %gather3A_800 : vector<16xi32>
    %xor3A_802 = arith.constant 4 : i32
    %xor3A_803 = vector.broadcast %xor3A_802 : i32 to vector<16xi32>
    %xor3A_804 = arith.xori %iota3A, %xor3A_803 : vector<16xi32>
    %broadcast_in_dim3A_805 = vector.shape_cast %xor3A_804 : vector<16xi32> to vector<16x1xi32>
    %gather3A_806 = vector.shape_cast %broadcast_in_dim3A_805 : vector<16x1xi32> to vector<16xi32>
    %gather3A_807 = tpu.dynamic_gather %min3A_801[%gather3A_806] in [0] : vector<16xi32>, vector<16xi32> -> vector<16xi32>
    %min3A_808 = arith.minsi %min3A_801, %gather3A_807 : vector<16xi32>
    %xor3A_809 = arith.constant 2 : i32
    %xor3A_810 = vector.broadcast %xor3A_809 : i32 to vector<16xi32>
    %xor3A_811 = arith.xori %iota3A, %xor3A_810 : vector<16xi32>
    %broadcast_in_dim3A_812 = vector.shape_cast %xor3A_811 : vector<16xi32> to vector<16x1xi32>
    %gather3A_813 = vector.shape_cast %broadcast_in_dim3A_812 : vector<16x1xi32> to vector<16xi32>
    %gather3A_814 = tpu.dynamic_gather %min3A_808[%gather3A_813] in [0] : vector<16xi32>, vector<16xi32> -> vector<16xi32>
    %min3A_815 = arith.minsi %min3A_808, %gather3A_814 : vector<16xi32>
    %xor3A_816 = arith.constant 1 : i32
    %xor3A_817 = vector.broadcast %xor3A_816 : i32 to vector<16xi32>
    %xor3A_818 = arith.xori %iota3A, %xor3A_817 : vector<16xi32>
    %broadcast_in_dim3A_819 = vector.shape_cast %xor3A_818 : vector<16xi32> to vector<16x1xi32>
    %gather3A_820 = vector.shape_cast %broadcast_in_dim3A_819 : vector<16x1xi32> to vector<16xi32>
    %gather3A_821 = tpu.dynamic_gather %min3A_815[%gather3A_820] in [0] : vector<16xi32>, vector<16xi32> -> vector<16xi32>
    %min3A_822 = arith.minsi %min3A_815, %gather3A_821 : vector<16xi32>
    %xor3A_823 = arith.constant 8 : i32
    %xor3A_824 = vector.broadcast %xor3A_823 : i32 to vector<16xi32>
    %xor3A_825 = arith.xori %iota3A, %xor3A_824 : vector<16xi32>
    %broadcast_in_dim3A_826 = vector.shape_cast %xor3A_825 : vector<16xi32> to vector<16x1xi32>
    %gather3A_827 = vector.shape_cast %broadcast_in_dim3A_826 : vector<16x1xi32> to vector<16xi32>
    %gather3A_828 = tpu.dynamic_gather %scan3A_203#2[%gather3A_827] in [0] : vector<16xi32>, vector<16xi32> -> vector<16xi32>
    %max3A_829 = arith.maxsi %scan3A_203#2, %gather3A_828 : vector<16xi32>
    %xor3A_830 = arith.constant 4 : i32
    %xor3A_831 = vector.broadcast %xor3A_830 : i32 to vector<16xi32>
    %xor3A_832 = arith.xori %iota3A, %xor3A_831 : vector<16xi32>
    %broadcast_in_dim3A_833 = vector.shape_cast %xor3A_832 : vector<16xi32> to vector<16x1xi32>
    %gather3A_834 = vector.shape_cast %broadcast_in_dim3A_833 : vector<16x1xi32> to vector<16xi32>
    %gather3A_835 = tpu.dynamic_gather %max3A_829[%gather3A_834] in [0] : vector<16xi32>, vector<16xi32> -> vector<16xi32>
    %max3A_836 = arith.maxsi %max3A_829, %gather3A_835 : vector<16xi32>
    %xor3A_837 = arith.constant 2 : i32
    %xor3A_838 = vector.broadcast %xor3A_837 : i32 to vector<16xi32>
    %xor3A_839 = arith.xori %iota3A, %xor3A_838 : vector<16xi32>
    %broadcast_in_dim3A_840 = vector.shape_cast %xor3A_839 : vector<16xi32> to vector<16x1xi32>
    %gather3A_841 = vector.shape_cast %broadcast_in_dim3A_840 : vector<16x1xi32> to vector<16xi32>
    %gather3A_842 = tpu.dynamic_gather %max3A_836[%gather3A_841] in [0] : vector<16xi32>, vector<16xi32> -> vector<16xi32>
    %max3A_843 = arith.maxsi %max3A_836, %gather3A_842 : vector<16xi32>
    %xor3A_844 = arith.constant 1 : i32
    %xor3A_845 = vector.broadcast %xor3A_844 : i32 to vector<16xi32>
    %xor3A_846 = arith.xori %iota3A, %xor3A_845 : vector<16xi32>
    %broadcast_in_dim3A_847 = vector.shape_cast %xor3A_846 : vector<16xi32> to vector<16x1xi32>
    %gather3A_848 = vector.shape_cast %broadcast_in_dim3A_847 : vector<16x1xi32> to vector<16xi32>
    %gather3A_849 = tpu.dynamic_gather %max3A_843[%gather3A_848] in [0] : vector<16xi32>, vector<16xi32> -> vector<16xi32>
    %max3A_850 = arith.maxsi %max3A_843, %gather3A_849 : vector<16xi32>
    %xor3A_851 = arith.constant 8 : i32
    %xor3A_852 = vector.broadcast %xor3A_851 : i32 to vector<16xi32>
    %xor3A_853 = arith.xori %iota3A, %xor3A_852 : vector<16xi32>
    %broadcast_in_dim3A_854 = vector.shape_cast %xor3A_853 : vector<16xi32> to vector<16x1xi32>
    %gather3A_855 = vector.shape_cast %broadcast_in_dim3A_854 : vector<16x1xi32> to vector<16xi32>
    %gather3A_856 = tpu.dynamic_gather %min3A_710[%gather3A_855] in [0] : vector<16xi32>, vector<16xi32> -> vector<16xi32>
    %min3A_857 = arith.minsi %min3A_710, %gather3A_856 : vector<16xi32>
    %xor3A_858 = arith.constant 4 : i32
    %xor3A_859 = vector.broadcast %xor3A_858 : i32 to vector<16xi32>
    %xor3A_860 = arith.xori %iota3A, %xor3A_859 : vector<16xi32>
    %broadcast_in_dim3A_861 = vector.shape_cast %xor3A_860 : vector<16xi32> to vector<16x1xi32>
    %gather3A_862 = vector.shape_cast %broadcast_in_dim3A_861 : vector<16x1xi32> to vector<16xi32>
    %gather3A_863 = tpu.dynamic_gather %min3A_857[%gather3A_862] in [0] : vector<16xi32>, vector<16xi32> -> vector<16xi32>
    %min3A_864 = arith.minsi %min3A_857, %gather3A_863 : vector<16xi32>
    %xor3A_865 = arith.constant 2 : i32
    %xor3A_866 = vector.broadcast %xor3A_865 : i32 to vector<16xi32>
    %xor3A_867 = arith.xori %iota3A, %xor3A_866 : vector<16xi32>
    %broadcast_in_dim3A_868 = vector.shape_cast %xor3A_867 : vector<16xi32> to vector<16x1xi32>
    %gather3A_869 = vector.shape_cast %broadcast_in_dim3A_868 : vector<16x1xi32> to vector<16xi32>
    %gather3A_870 = tpu.dynamic_gather %min3A_864[%gather3A_869] in [0] : vector<16xi32>, vector<16xi32> -> vector<16xi32>
    %min3A_871 = arith.minsi %min3A_864, %gather3A_870 : vector<16xi32>
    %xor3A_872 = arith.constant 1 : i32
    %xor3A_873 = vector.broadcast %xor3A_872 : i32 to vector<16xi32>
    %xor3A_874 = arith.xori %iota3A, %xor3A_873 : vector<16xi32>
    %broadcast_in_dim3A_875 = vector.shape_cast %xor3A_874 : vector<16xi32> to vector<16x1xi32>
    %gather3A_876 = vector.shape_cast %broadcast_in_dim3A_875 : vector<16x1xi32> to vector<16xi32>
    %gather3A_877 = tpu.dynamic_gather %min3A_871[%gather3A_876] in [0] : vector<16xi32>, vector<16xi32> -> vector<16xi32>
    %min3A_878 = arith.minsi %min3A_871, %gather3A_877 : vector<16xi32>
    %xor3A_879 = arith.constant 8 : i32
    %xor3A_880 = vector.broadcast %xor3A_879 : i32 to vector<16xi32>
    %xor3A_881 = arith.xori %iota3A, %xor3A_880 : vector<16xi32>
    %broadcast_in_dim3A_882 = vector.shape_cast %xor3A_881 : vector<16xi32> to vector<16x1xi32>
    %gather3A_883 = vector.shape_cast %broadcast_in_dim3A_882 : vector<16x1xi32> to vector<16xi32>
    %gather3A_884 = tpu.dynamic_gather %max3A_712[%gather3A_883] in [0] : vector<16xi32>, vector<16xi32> -> vector<16xi32>
    %max3A_885 = arith.maxsi %max3A_712, %gather3A_884 : vector<16xi32>
    %xor3A_886 = arith.constant 4 : i32
    %xor3A_887 = vector.broadcast %xor3A_886 : i32 to vector<16xi32>
    %xor3A_888 = arith.xori %iota3A, %xor3A_887 : vector<16xi32>
    %broadcast_in_dim3A_889 = vector.shape_cast %xor3A_888 : vector<16xi32> to vector<16x1xi32>
    %gather3A_890 = vector.shape_cast %broadcast_in_dim3A_889 : vector<16x1xi32> to vector<16xi32>
    %gather3A_891 = tpu.dynamic_gather %max3A_885[%gather3A_890] in [0] : vector<16xi32>, vector<16xi32> -> vector<16xi32>
    %max3A_892 = arith.maxsi %max3A_885, %gather3A_891 : vector<16xi32>
    %xor3A_893 = arith.constant 2 : i32
    %xor3A_894 = vector.broadcast %xor3A_893 : i32 to vector<16xi32>
    %xor3A_895 = arith.xori %iota3A, %xor3A_894 : vector<16xi32>
    %broadcast_in_dim3A_896 = vector.shape_cast %xor3A_895 : vector<16xi32> to vector<16x1xi32>
    %gather3A_897 = vector.shape_cast %broadcast_in_dim3A_896 : vector<16x1xi32> to vector<16xi32>
    %gather3A_898 = tpu.dynamic_gather %max3A_892[%gather3A_897] in [0] : vector<16xi32>, vector<16xi32> -> vector<16xi32>
    %max3A_899 = arith.maxsi %max3A_892, %gather3A_898 : vector<16xi32>
    %xor3A_900 = arith.constant 1 : i32
    %xor3A_901 = vector.broadcast %xor3A_900 : i32 to vector<16xi32>
    %xor3A_902 = arith.xori %iota3A, %xor3A_901 : vector<16xi32>
    %broadcast_in_dim3A_903 = vector.shape_cast %xor3A_902 : vector<16xi32> to vector<16x1xi32>
    %gather3A_904 = vector.shape_cast %broadcast_in_dim3A_903 : vector<16x1xi32> to vector<16xi32>
    %gather3A_905 = tpu.dynamic_gather %max3A_899[%gather3A_904] in [0] : vector<16xi32>, vector<16xi32> -> vector<16xi32>
    %max3A_906 = arith.maxsi %max3A_899, %gather3A_905 : vector<16xi32>
    %swap3A_907 = arith.constant 0 : i32
    %swap3A_908 = arith.index_cast %swap3A_907 : i32 to index
    %swap3A_909 = arith.constant 0 : index
    %swap3A_910 = tpu.vector_load %arg8[%swap3A_908, %swap3A_909] {strides = array<i32>} : memref<8x16xi32, #tpu.memory_space<vmem>>, vector<1x16xi32>,
    %swap3A_911 = vector.shape_cast %swap3A_910 : vector<1x16xi32> to vector<16xi32>
    %swap3A_912 = vector.shape_cast %add3A_738 : vector<16xi32> to vector<1x16xi32>
    tpu.vector_store %arg8[%swap3A_908, %swap3A_909], %swap3A_912 {strides = array<i32>} : memref<8x16xi32, #tpu.memory_space<vmem>>, vector<1x16xi32>,
    %swap3A_913 = arith.constant 1 : i32
    %swap3A_914 = arith.index_cast %swap3A_913 : i32 to index
    %swap3A_915 = arith.constant 0 : index
    %swap3A_916 = tpu.vector_load %arg8[%swap3A_914, %swap3A_915] {strides = array<i32>} : memref<8x16xi32, #tpu.memory_space<vmem>>, vector<1x16xi32>,
    %swap3A_917 = vector.shape_cast %swap3A_916 : vector<1x16xi32> to vector<16xi32>
    %swap3A_918 = vector.shape_cast %add3A_766 : vector<16xi32> to vector<1x16xi32>
    tpu.vector_store %arg8[%swap3A_914, %swap3A_915], %swap3A_918 {strides = array<i32>} : memref<8x16xi32, #tpu.memory_space<vmem>>, vector<1x16xi32>,
    %swap3A_919 = arith.constant 2 : i32
    %swap3A_920 = arith.index_cast %swap3A_919 : i32 to index
    %swap3A_921 = arith.constant 0 : index
    %swap3A_922 = tpu.vector_load %arg8[%swap3A_920, %swap3A_921] {strides = array<i32>} : memref<8x16xi32, #tpu.memory_space<vmem>>, vector<1x16xi32>,
    %swap3A_923 = vector.shape_cast %swap3A_922 : vector<1x16xi32> to vector<16xi32>
    %swap3A_924 = vector.shape_cast %add3A_794 : vector<16xi32> to vector<1x16xi32>
    tpu.vector_store %arg8[%swap3A_920, %swap3A_921], %swap3A_924 {strides = array<i32>} : memref<8x16xi32, #tpu.memory_space<vmem>>, vector<1x16xi32>,
    %swap3A_925 = arith.constant 3 : i32
    %swap3A_926 = arith.index_cast %swap3A_925 : i32 to index
    %swap3A_927 = arith.constant 0 : index
    %swap3A_928 = tpu.vector_load %arg8[%swap3A_926, %swap3A_927] {strides = array<i32>} : memref<8x16xi32, #tpu.memory_space<vmem>>, vector<1x16xi32>,
    %swap3A_929 = vector.shape_cast %swap3A_928 : vector<1x16xi32> to vector<16xi32>
    %swap3A_930 = vector.shape_cast %min3A_822 : vector<16xi32> to vector<1x16xi32>
    tpu.vector_store %arg8[%swap3A_926, %swap3A_927], %swap3A_930 {strides = array<i32>} : memref<8x16xi32, #tpu.memory_space<vmem>>, vector<1x16xi32>,
    %swap3A_931 = arith.constant 4 : i32
    %swap3A_932 = arith.index_cast %swap3A_931 : i32 to index
    %swap3A_933 = arith.constant 0 : index
    %swap3A_934 = tpu.vector_load %arg8[%swap3A_932, %swap3A_933] {strides = array<i32>} : memref<8x16xi32, #tpu.memory_space<vmem>>, vector<1x16xi32>,
    %swap3A_935 = vector.shape_cast %swap3A_934 : vector<1x16xi32> to vector<16xi32>
    %swap3A_936 = vector.shape_cast %max3A_850 : vector<16xi32> to vector<1x16xi32>
    tpu.vector_store %arg8[%swap3A_932, %swap3A_933], %swap3A_936 {strides = array<i32>} : memref<8x16xi32, #tpu.memory_space<vmem>>, vector<1x16xi32>,
    %swap3A_937 = arith.constant 5 : i32
    %swap3A_938 = arith.index_cast %swap3A_937 : i32 to index
    %swap3A_939 = arith.constant 0 : index
    %swap3A_940 = tpu.vector_load %arg8[%swap3A_938, %swap3A_939] {strides = array<i32>} : memref<8x16xi32, #tpu.memory_space<vmem>>, vector<1x16xi32>,
    %swap3A_941 = vector.shape_cast %swap3A_940 : vector<1x16xi32> to vector<16xi32>
    %swap3A_942 = vector.shape_cast %min3A_878 : vector<16xi32> to vector<1x16xi32>
    tpu.vector_store %arg8[%swap3A_938, %swap3A_939], %swap3A_942 {strides = array<i32>} : memref<8x16xi32, #tpu.memory_space<vmem>>, vector<1x16xi32>,
    %swap3A_943 = arith.constant 6 : i32
    %swap3A_944 = arith.index_cast %swap3A_943 : i32 to index
    %swap3A_945 = arith.constant 0 : index
    %swap3A_946 = tpu.vector_load %arg8[%swap3A_944, %swap3A_945] {strides = array<i32>} : memref<8x16xi32, #tpu.memory_space<vmem>>, vector<1x16xi32>,
    %swap3A_947 = vector.shape_cast %swap3A_946 : vector<1x16xi32> to vector<16xi32>
    %swap3A_948 = vector.shape_cast %max3A_906 : vector<16xi32> to vector<1x16xi32>
    tpu.vector_store %arg8[%swap3A_944, %swap3A_945], %swap3A_948 {strides = array<i32>} : memref<8x16xi32, #tpu.memory_space<vmem>>, vector<1x16xi32>,
    %swap3A_949 = arith.constant 7 : i32
    %swap3A_950 = arith.index_cast %swap3A_949 : i32 to index
    %swap3A_951 = arith.constant 0 : index
    %swap3A_952 = tpu.vector_load %arg8[%swap3A_950, %swap3A_951] {strides = array<i32>} : memref<8x16xi32, #tpu.memory_space<vmem>>, vector<1x16xi32>,
    %swap3A_953 = vector.shape_cast %swap3A_952 : vector<1x16xi32> to vector<16xi32>
    %swap3A_954 = vector.shape_cast %broadcast_in_dim3A_38 : vector<16xi32> to vector<1x16xi32>
    tpu.vector_store %arg8[%swap3A_950, %swap3A_951], %swap3A_954 {strides = array<i32>} : memref<8x16xi32, #tpu.memory_space<vmem>>, vector<1x16xi32>,
    "tpu.region"() ({
      %run_scoped3A = tpu.sem_alloc : memref<!tpu.dma_semaphore, #tpu.memory_space<semaphore_mem>>
      %dma_start3A_958 = arith.constant 0 : i32
      %dma_start3A_959 = arith.constant 0 : i32
      %dma_start3A_960 = tpu.memref_slice %arg4[%add3A, %dma_start3A_958, %dma_start3A_959] : memref<32x8x16xi32, #tpu.memory_space<hbm>> -> memref<1x8x16xi32, #tpu.memory_space<hbm>>
      %dma_start3A_961 = tpu.memref_squeeze %dma_start3A_960 : memref<1x8x16xi32, #tpu.memory_space<hbm>> -> memref<8x16xi32, #tpu.memory_space<hbm>>
      %dma_start3A_962 = arith.constant 0 : i32
      %dma_start3A_963 = arith.constant 0 : i32
      %dma_start3A_964 = tpu.memref_slice %arg4[%add3A, %dma_start3A_962, %dma_start3A_963] : memref<32x8x16xi32, #tpu.memory_space<hbm>> -> memref<1x8x16xi32, #tpu.memory_space<hbm>>
      %dma_start3A_965 = tpu.memref_squeeze %dma_start3A_964 : memref<1x8x16xi32, #tpu.memory_space<hbm>> -> memref<8x16xi32, #tpu.memory_space<hbm>>
      tpu.enqueue_dma source(%arg8 : memref<8x16xi32, #tpu.memory_space<vmem>>) target(%dma_start3A_965 : memref<8x16xi32, #tpu.memory_space<hbm>>) target_semaphore(%run_scoped3A : memref<!tpu.dma_semaphore, #tpu.memory_space<semaphore_mem>>)
      %dma_wait3A_966 = arith.constant 0 : i32
      %dma_wait3A_967 = arith.constant 0 : i32
      %dma_wait3A_968 = tpu.memref_slice %arg4[%add3A, %dma_wait3A_966, %dma_wait3A_967] : memref<32x8x16xi32, #tpu.memory_space<hbm>> -> memref<1x8x16xi32, #tpu.memory_space<hbm>>
      %dma_wait3A_969 = tpu.memref_squeeze %dma_wait3A_968 : memref<1x8x16xi32, #tpu.memory_space<hbm>> -> memref<8x16xi32, #tpu.memory_space<hbm>>
      %dma_wait3A_970 = arith.constant 0 : i32
      %dma_wait3A_971 = arith.constant 0 : i32
      %dma_wait3A_972 = tpu.memref_slice %arg4[%add3A, %dma_wait3A_970, %dma_wait3A_971] : memref<32x8x16xi32, #tpu.memory_space<hbm>> -> memref<1x8x16xi32, #tpu.memory_space<hbm>>
      %dma_wait3A_973 = tpu.memref_squeeze %dma_wait3A_972 : memref<1x8x16xi32, #tpu.memory_space<hbm>> -> memref<8x16xi32, #tpu.memory_space<hbm>>
      tpu.wait_dma2 semaphore(%run_scoped3A : memref<!tpu.dma_semaphore, #tpu.memory_space<semaphore_mem>>) src(%arg8 : memref<8x16xi32, #tpu.memory_space<vmem>>) dst(%dma_wait3A_973 : memref<8x16xi32, #tpu.memory_space<hbm>>)
      tpu.yield
    }) : () -> ()
    %barrier3A = arith.constant 0 : index
    tpu.barrier barrier_id(%barrier3A)
    %eq3A_955 = arith.constant 0 : i32
    %eq3A_956 = arith.cmpi eq, %select_n3A_30, %eq3A_955 : i32
    %convert_element_type3A = arith.extui %eq3A_956 : i1 to i32
    %cond3A = arith.constant 0 : i32
    %cond3A_957 = arith.cmpi ne, %convert_element_type3A, %cond3A : i32
    scf.if %cond3A_957 {
      %add3A_958 = arith.constant 1 : i32
      %add3A_959 = arith.addi %add3A, %add3A_958 : i32
      "tpu.region"() ({
        %run_scoped3A = tpu.sem_alloc : memref<!tpu.dma_semaphore, #tpu.memory_space<semaphore_mem>>
        %dma_start3A_1458 = arith.constant 0 : i32
        %dma_start3A_1459 = arith.constant 0 : i32
        %dma_start3A_1460 = tpu.memref_slice %arg4[%add3A_959, %dma_start3A_1458, %dma_start3A_1459] : memref<32x8x16xi32, #tpu.memory_space<hbm>> -> memref<7x8x16xi32, #tpu.memory_space<hbm>>
        %dma_start3A_1461 = arith.constant 0 : i32
        %dma_start3A_1462 = arith.constant 0 : i32
        %dma_start3A_1463 = tpu.memref_slice %arg4[%add3A_959, %dma_start3A_1461, %dma_start3A_1462] : memref<32x8x16xi32, #tpu.memory_space<hbm>> -> memref<7x8x16xi32, #tpu.memory_space<hbm>>
        tpu.enqueue_dma source(%dma_start3A_1463 : memref<7x8x16xi32, #tpu.memory_space<hbm>>) target(%arg9 : memref<7x8x16xi32, #tpu.memory_space<vmem>>) target_semaphore(%run_scoped3A : memref<!tpu.dma_semaphore, #tpu.memory_space<semaphore_mem>>)
        %dma_wait3A_1464 = arith.constant 0 : i32
        %dma_wait3A_1465 = arith.constant 0 : i32
        %dma_wait3A_1466 = tpu.memref_slice %arg4[%add3A_959, %dma_wait3A_1464, %dma_wait3A_1465] : memref<32x8x16xi32, #tpu.memory_space<hbm>> -> memref<7x8x16xi32, #tpu.memory_space<hbm>>
        %dma_wait3A_1467 = arith.constant 0 : i32
        %dma_wait3A_1468 = arith.constant 0 : i32
        %dma_wait3A_1469 = tpu.memref_slice %arg4[%add3A_959, %dma_wait3A_1467, %dma_wait3A_1468] : memref<32x8x16xi32, #tpu.memory_space<hbm>> -> memref<7x8x16xi32, #tpu.memory_space<hbm>>
        tpu.wait_dma2 semaphore(%run_scoped3A : memref<!tpu.dma_semaphore, #tpu.memory_space<semaphore_mem>>) src(%dma_wait3A_1469 : memref<7x8x16xi32, #tpu.memory_space<hbm>>) dst(%arg9 : memref<7x8x16xi32, #tpu.memory_space<vmem>>)
        tpu.yield
      }) : () -> ()
      %get3A_960 = arith.constant 0 : i32
      %get3A_961 = arith.constant 0 : i32
      %get3A_962 = arith.index_cast %get3A_960 : i32 to index
      %get3A_963 = arith.index_cast %get3A_961 : i32 to index
      %get3A_964 = arith.constant 0 : index
      %get3A_965 = tpu.vector_load %arg9[%get3A_962, %get3A_963, %get3A_964] {strides = array<i32>} : memref<7x8x16xi32, #tpu.memory_space<vmem>>, vector<1x1x16xi32>,
      %get3A_966 = vector.shape_cast %get3A_965 : vector<1x1x16xi32> to vector<16xi32>
      %add3A_967 = arith.addi %add3A_738, %get3A_966 : vector<16xi32>
      %get3A_968 = arith.constant 0 : i32
      %get3A_969 = arith.constant 1 : i32
      %get3A_970 = arith.index_cast %get3A_968 : i32 to index
      %get3A_971 = arith.index_cast %get3A_969 : i32 to index
      %get3A_972 = arith.constant 0 : index
      %get3A_973 = tpu.vector_load %arg9[%get3A_970, %get3A_971, %get3A_972] {strides = array<i32>} : memref<7x8x16xi32, #tpu.memory_space<vmem>>, vector<1x1x16xi32>,
      %get3A_974 = vector.shape_cast %get3A_973 : vector<1x1x16xi32> to vector<16xi32>
      %add3A_975 = arith.addi %add3A_766, %get3A_974 : vector<16xi32>
      %get3A_976 = arith.constant 0 : i32
      %get3A_977 = arith.constant 2 : i32
      %get3A_978 = arith.index_cast %get3A_976 : i32 to index
      %get3A_979 = arith.index_cast %get3A_977 : i32 to index
      %get3A_980 = arith.constant 0 : index
      %get3A_981 = tpu.vector_load %arg9[%get3A_978, %get3A_979, %get3A_980] {strides = array<i32>} : memref<7x8x16xi32, #tpu.memory_space<vmem>>, vector<1x1x16xi32>,
      %get3A_982 = vector.shape_cast %get3A_981 : vector<1x1x16xi32> to vector<16xi32>
      %add3A_983 = arith.addi %add3A_794, %get3A_982 : vector<16xi32>
      %get3A_984 = arith.constant 0 : i32
      %get3A_985 = arith.constant 3 : i32
      %get3A_986 = arith.index_cast %get3A_984 : i32 to index
      %get3A_987 = arith.index_cast %get3A_985 : i32 to index
      %get3A_988 = arith.constant 0 : index
      %get3A_989 = tpu.vector_load %arg9[%get3A_986, %get3A_987, %get3A_988] {strides = array<i32>} : memref<7x8x16xi32, #tpu.memory_space<vmem>>, vector<1x1x16xi32>,
      %get3A_990 = vector.shape_cast %get3A_989 : vector<1x1x16xi32> to vector<16xi32>
      %min3A_991 = arith.minsi %min3A_822, %get3A_990 : vector<16xi32>
      %get3A_992 = arith.constant 0 : i32
      %get3A_993 = arith.constant 4 : i32
      %get3A_994 = arith.index_cast %get3A_992 : i32 to index
      %get3A_995 = arith.index_cast %get3A_993 : i32 to index
      %get3A_996 = arith.constant 0 : index
      %get3A_997 = tpu.vector_load %arg9[%get3A_994, %get3A_995, %get3A_996] {strides = array<i32>} : memref<7x8x16xi32, #tpu.memory_space<vmem>>, vector<1x1x16xi32>,
      %get3A_998 = vector.shape_cast %get3A_997 : vector<1x1x16xi32> to vector<16xi32>
      %max3A_999 = arith.maxsi %max3A_850, %get3A_998 : vector<16xi32>
      %get3A_1000 = arith.constant 0 : i32
      %get3A_1001 = arith.constant 5 : i32
      %get3A_1002 = arith.index_cast %get3A_1000 : i32 to index
      %get3A_1003 = arith.index_cast %get3A_1001 : i32 to index
      %get3A_1004 = arith.constant 0 : index
      %get3A_1005 = tpu.vector_load %arg9[%get3A_1002, %get3A_1003, %get3A_1004] {strides = array<i32>} : memref<7x8x16xi32, #tpu.memory_space<vmem>>, vector<1x1x16xi32>,
      %get3A_1006 = vector.shape_cast %get3A_1005 : vector<1x1x16xi32> to vector<16xi32>
      %min3A_1007 = arith.minsi %min3A_878, %get3A_1006 : vector<16xi32>
      %get3A_1008 = arith.constant 0 : i32
      %get3A_1009 = arith.constant 6 : i32
      %get3A_1010 = arith.index_cast %get3A_1008 : i32 to index
      %get3A_1011 = arith.index_cast %get3A_1009 : i32 to index
      %get3A_1012 = arith.constant 0 : index
      %get3A_1013 = tpu.vector_load %arg9[%get3A_1010, %get3A_1011, %get3A_1012] {strides = array<i32>} : memref<7x8x16xi32, #tpu.memory_space<vmem>>, vector<1x1x16xi32>,
      %get3A_1014 = vector.shape_cast %get3A_1013 : vector<1x1x16xi32> to vector<16xi32>
      %max3A_1015 = arith.maxsi %max3A_906, %get3A_1014 : vector<16xi32>
      %get3A_1016 = arith.constant 1 : i32
      %get3A_1017 = arith.constant 0 : i32
      %get3A_1018 = arith.index_cast %get3A_1016 : i32 to index
      %get3A_1019 = arith.index_cast %get3A_1017 : i32 to index
      %get3A_1020 = arith.constant 0 : index
      %get3A_1021 = tpu.vector_load %arg9[%get3A_1018, %get3A_1019, %get3A_1020] {strides = array<i32>} : memref<7x8x16xi32, #tpu.memory_space<vmem>>, vector<1x1x16xi32>,
      %get3A_1022 = vector.shape_cast %get3A_1021 : vector<1x1x16xi32> to vector<16xi32>
      %add3A_1023 = arith.addi %add3A_967, %get3A_1022 : vector<16xi32>
      %get3A_1024 = arith.constant 1 : i32
      %get3A_1025 = arith.constant 1 : i32
      %get3A_1026 = arith.index_cast %get3A_1024 : i32 to index
      %get3A_1027 = arith.index_cast %get3A_1025 : i32 to index
      %get3A_1028 = arith.constant 0 : index
      %get3A_1029 = tpu.vector_load %arg9[%get3A_1026, %get3A_1027, %get3A_1028] {strides = array<i32>} : memref<7x8x16xi32, #tpu.memory_space<vmem>>, vector<1x1x16xi32>,
      %get3A_1030 = vector.shape_cast %get3A_1029 : vector<1x1x16xi32> to vector<16xi32>
      %add3A_1031 = arith.addi %add3A_975, %get3A_1030 : vector<16xi32>
      %get3A_1032 = arith.constant 1 : i32
      %get3A_1033 = arith.constant 2 : i32
      %get3A_1034 = arith.index_cast %get3A_1032 : i32 to index
      %get3A_1035 = arith.index_cast %get3A_1033 : i32 to index
      %get3A_1036 = arith.constant 0 : index
      %get3A_1037 = tpu.vector_load %arg9[%get3A_1034, %get3A_1035, %get3A_1036] {strides = array<i32>} : memref<7x8x16xi32, #tpu.memory_space<vmem>>, vector<1x1x16xi32>,
      %get3A_1038 = vector.shape_cast %get3A_1037 : vector<1x1x16xi32> to vector<16xi32>
      %add3A_1039 = arith.addi %add3A_983, %get3A_1038 : vector<16xi32>
      %get3A_1040 = arith.constant 1 : i32
      %get3A_1041 = arith.constant 3 : i32
      %get3A_1042 = arith.index_cast %get3A_1040 : i32 to index
      %get3A_1043 = arith.index_cast %get3A_1041 : i32 to index
      %get3A_1044 = arith.constant 0 : index
      %get3A_1045 = tpu.vector_load %arg9[%get3A_1042, %get3A_1043, %get3A_1044] {strides = array<i32>} : memref<7x8x16xi32, #tpu.memory_space<vmem>>, vector<1x1x16xi32>,
      %get3A_1046 = vector.shape_cast %get3A_1045 : vector<1x1x16xi32> to vector<16xi32>
      %min3A_1047 = arith.minsi %min3A_991, %get3A_1046 : vector<16xi32>
      %get3A_1048 = arith.constant 1 : i32
      %get3A_1049 = arith.constant 4 : i32
      %get3A_1050 = arith.index_cast %get3A_1048 : i32 to index
      %get3A_1051 = arith.index_cast %get3A_1049 : i32 to index
      %get3A_1052 = arith.constant 0 : index
      %get3A_1053 = tpu.vector_load %arg9[%get3A_1050, %get3A_1051, %get3A_1052] {strides = array<i32>} : memref<7x8x16xi32, #tpu.memory_space<vmem>>, vector<1x1x16xi32>,
      %get3A_1054 = vector.shape_cast %get3A_1053 : vector<1x1x16xi32> to vector<16xi32>
      %max3A_1055 = arith.maxsi %max3A_999, %get3A_1054 : vector<16xi32>
      %get3A_1056 = arith.constant 1 : i32
      %get3A_1057 = arith.constant 5 : i32
      %get3A_1058 = arith.index_cast %get3A_1056 : i32 to index
      %get3A_1059 = arith.index_cast %get3A_1057 : i32 to index
      %get3A_1060 = arith.constant 0 : index
      %get3A_1061 = tpu.vector_load %arg9[%get3A_1058, %get3A_1059, %get3A_1060] {strides = array<i32>} : memref<7x8x16xi32, #tpu.memory_space<vmem>>, vector<1x1x16xi32>,
      %get3A_1062 = vector.shape_cast %get3A_1061 : vector<1x1x16xi32> to vector<16xi32>
      %min3A_1063 = arith.minsi %min3A_1007, %get3A_1062 : vector<16xi32>
      %get3A_1064 = arith.constant 1 : i32
      %get3A_1065 = arith.constant 6 : i32
      %get3A_1066 = arith.index_cast %get3A_1064 : i32 to index
      %get3A_1067 = arith.index_cast %get3A_1065 : i32 to index
      %get3A_1068 = arith.constant 0 : index
      %get3A_1069 = tpu.vector_load %arg9[%get3A_1066, %get3A_1067, %get3A_1068] {strides = array<i32>} : memref<7x8x16xi32, #tpu.memory_space<vmem>>, vector<1x1x16xi32>,
      %get3A_1070 = vector.shape_cast %get3A_1069 : vector<1x1x16xi32> to vector<16xi32>
      %max3A_1071 = arith.maxsi %max3A_1015, %get3A_1070 : vector<16xi32>
      %get3A_1072 = arith.constant 2 : i32
      %get3A_1073 = arith.constant 0 : i32
      %get3A_1074 = arith.index_cast %get3A_1072 : i32 to index
      %get3A_1075 = arith.index_cast %get3A_1073 : i32 to index
      %get3A_1076 = arith.constant 0 : index
      %get3A_1077 = tpu.vector_load %arg9[%get3A_1074, %get3A_1075, %get3A_1076] {strides = array<i32>} : memref<7x8x16xi32, #tpu.memory_space<vmem>>, vector<1x1x16xi32>,
      %get3A_1078 = vector.shape_cast %get3A_1077 : vector<1x1x16xi32> to vector<16xi32>
      %add3A_1079 = arith.addi %add3A_1023, %get3A_1078 : vector<16xi32>
      %get3A_1080 = arith.constant 2 : i32
      %get3A_1081 = arith.constant 1 : i32
      %get3A_1082 = arith.index_cast %get3A_1080 : i32 to index
      %get3A_1083 = arith.index_cast %get3A_1081 : i32 to index
      %get3A_1084 = arith.constant 0 : index
      %get3A_1085 = tpu.vector_load %arg9[%get3A_1082, %get3A_1083, %get3A_1084] {strides = array<i32>} : memref<7x8x16xi32, #tpu.memory_space<vmem>>, vector<1x1x16xi32>,
      %get3A_1086 = vector.shape_cast %get3A_1085 : vector<1x1x16xi32> to vector<16xi32>
      %add3A_1087 = arith.addi %add3A_1031, %get3A_1086 : vector<16xi32>
      %get3A_1088 = arith.constant 2 : i32
      %get3A_1089 = arith.constant 2 : i32
      %get3A_1090 = arith.index_cast %get3A_1088 : i32 to index
      %get3A_1091 = arith.index_cast %get3A_1089 : i32 to index
      %get3A_1092 = arith.constant 0 : index
      %get3A_1093 = tpu.vector_load %arg9[%get3A_1090, %get3A_1091, %get3A_1092] {strides = array<i32>} : memref<7x8x16xi32, #tpu.memory_space<vmem>>, vector<1x1x16xi32>,
      %get3A_1094 = vector.shape_cast %get3A_1093 : vector<1x1x16xi32> to vector<16xi32>
      %add3A_1095 = arith.addi %add3A_1039, %get3A_1094 : vector<16xi32>
      %get3A_1096 = arith.constant 2 : i32
      %get3A_1097 = arith.constant 3 : i32
      %get3A_1098 = arith.index_cast %get3A_1096 : i32 to index
      %get3A_1099 = arith.index_cast %get3A_1097 : i32 to index
      %get3A_1100 = arith.constant 0 : index
      %get3A_1101 = tpu.vector_load %arg9[%get3A_1098, %get3A_1099, %get3A_1100] {strides = array<i32>} : memref<7x8x16xi32, #tpu.memory_space<vmem>>, vector<1x1x16xi32>,
      %get3A_1102 = vector.shape_cast %get3A_1101 : vector<1x1x16xi32> to vector<16xi32>
      %min3A_1103 = arith.minsi %min3A_1047, %get3A_1102 : vector<16xi32>
      %get3A_1104 = arith.constant 2 : i32
      %get3A_1105 = arith.constant 4 : i32
      %get3A_1106 = arith.index_cast %get3A_1104 : i32 to index
      %get3A_1107 = arith.index_cast %get3A_1105 : i32 to index
      %get3A_1108 = arith.constant 0 : index
      %get3A_1109 = tpu.vector_load %arg9[%get3A_1106, %get3A_1107, %get3A_1108] {strides = array<i32>} : memref<7x8x16xi32, #tpu.memory_space<vmem>>, vector<1x1x16xi32>,
      %get3A_1110 = vector.shape_cast %get3A_1109 : vector<1x1x16xi32> to vector<16xi32>
      %max3A_1111 = arith.maxsi %max3A_1055, %get3A_1110 : vector<16xi32>
      %get3A_1112 = arith.constant 2 : i32
      %get3A_1113 = arith.constant 5 : i32
      %get3A_1114 = arith.index_cast %get3A_1112 : i32 to index
      %get3A_1115 = arith.index_cast %get3A_1113 : i32 to index
      %get3A_1116 = arith.constant 0 : index
      %get3A_1117 = tpu.vector_load %arg9[%get3A_1114, %get3A_1115, %get3A_1116] {strides = array<i32>} : memref<7x8x16xi32, #tpu.memory_space<vmem>>, vector<1x1x16xi32>,
      %get3A_1118 = vector.shape_cast %get3A_1117 : vector<1x1x16xi32> to vector<16xi32>
      %min3A_1119 = arith.minsi %min3A_1063, %get3A_1118 : vector<16xi32>
      %get3A_1120 = arith.constant 2 : i32
      %get3A_1121 = arith.constant 6 : i32
      %get3A_1122 = arith.index_cast %get3A_1120 : i32 to index
      %get3A_1123 = arith.index_cast %get3A_1121 : i32 to index
      %get3A_1124 = arith.constant 0 : index
      %get3A_1125 = tpu.vector_load %arg9[%get3A_1122, %get3A_1123, %get3A_1124] {strides = array<i32>} : memref<7x8x16xi32, #tpu.memory_space<vmem>>, vector<1x1x16xi32>,
      %get3A_1126 = vector.shape_cast %get3A_1125 : vector<1x1x16xi32> to vector<16xi32>
      %max3A_1127 = arith.maxsi %max3A_1071, %get3A_1126 : vector<16xi32>
      %get3A_1128 = arith.constant 3 : i32
      %get3A_1129 = arith.constant 0 : i32
      %get3A_1130 = arith.index_cast %get3A_1128 : i32 to index
      %get3A_1131 = arith.index_cast %get3A_1129 : i32 to index
      %get3A_1132 = arith.constant 0 : index
      %get3A_1133 = tpu.vector_load %arg9[%get3A_1130, %get3A_1131, %get3A_1132] {strides = array<i32>} : memref<7x8x16xi32, #tpu.memory_space<vmem>>, vector<1x1x16xi32>,
      %get3A_1134 = vector.shape_cast %get3A_1133 : vector<1x1x16xi32> to vector<16xi32>
      %add3A_1135 = arith.addi %add3A_1079, %get3A_1134 : vector<16xi32>
      %get3A_1136 = arith.constant 3 : i32
      %get3A_1137 = arith.constant 1 : i32
      %get3A_1138 = arith.index_cast %get3A_1136 : i32 to index
      %get3A_1139 = arith.index_cast %get3A_1137 : i32 to index
      %get3A_1140 = arith.constant 0 : index
      %get3A_1141 = tpu.vector_load %arg9[%get3A_1138, %get3A_1139, %get3A_1140] {strides = array<i32>} : memref<7x8x16xi32, #tpu.memory_space<vmem>>, vector<1x1x16xi32>,
      %get3A_1142 = vector.shape_cast %get3A_1141 : vector<1x1x16xi32> to vector<16xi32>
      %add3A_1143 = arith.addi %add3A_1087, %get3A_1142 : vector<16xi32>
      %get3A_1144 = arith.constant 3 : i32
      %get3A_1145 = arith.constant 2 : i32
      %get3A_1146 = arith.index_cast %get3A_1144 : i32 to index
      %get3A_1147 = arith.index_cast %get3A_1145 : i32 to index
      %get3A_1148 = arith.constant 0 : index
      %get3A_1149 = tpu.vector_load %arg9[%get3A_1146, %get3A_1147, %get3A_1148] {strides = array<i32>} : memref<7x8x16xi32, #tpu.memory_space<vmem>>, vector<1x1x16xi32>,
      %get3A_1150 = vector.shape_cast %get3A_1149 : vector<1x1x16xi32> to vector<16xi32>
      %add3A_1151 = arith.addi %add3A_1095, %get3A_1150 : vector<16xi32>
      %get3A_1152 = arith.constant 3 : i32
      %get3A_1153 = arith.constant 3 : i32
      %get3A_1154 = arith.index_cast %get3A_1152 : i32 to index
      %get3A_1155 = arith.index_cast %get3A_1153 : i32 to index
      %get3A_1156 = arith.constant 0 : index
      %get3A_1157 = tpu.vector_load %arg9[%get3A_1154, %get3A_1155, %get3A_1156] {strides = array<i32>} : memref<7x8x16xi32, #tpu.memory_space<vmem>>, vector<1x1x16xi32>,
      %get3A_1158 = vector.shape_cast %get3A_1157 : vector<1x1x16xi32> to vector<16xi32>
      %min3A_1159 = arith.minsi %min3A_1103, %get3A_1158 : vector<16xi32>
      %get3A_1160 = arith.constant 3 : i32
      %get3A_1161 = arith.constant 4 : i32
      %get3A_1162 = arith.index_cast %get3A_1160 : i32 to index
      %get3A_1163 = arith.index_cast %get3A_1161 : i32 to index
      %get3A_1164 = arith.constant 0 : index
      %get3A_1165 = tpu.vector_load %arg9[%get3A_1162, %get3A_1163, %get3A_1164] {strides = array<i32>} : memref<7x8x16xi32, #tpu.memory_space<vmem>>, vector<1x1x16xi32>,
      %get3A_1166 = vector.shape_cast %get3A_1165 : vector<1x1x16xi32> to vector<16xi32>
      %max3A_1167 = arith.maxsi %max3A_1111, %get3A_1166 : vector<16xi32>
      %get3A_1168 = arith.constant 3 : i32
      %get3A_1169 = arith.constant 5 : i32
      %get3A_1170 = arith.index_cast %get3A_1168 : i32 to index
      %get3A_1171 = arith.index_cast %get3A_1169 : i32 to index
      %get3A_1172 = arith.constant 0 : index
      %get3A_1173 = tpu.vector_load %arg9[%get3A_1170, %get3A_1171, %get3A_1172] {strides = array<i32>} : memref<7x8x16xi32, #tpu.memory_space<vmem>>, vector<1x1x16xi32>,
      %get3A_1174 = vector.shape_cast %get3A_1173 : vector<1x1x16xi32> to vector<16xi32>
      %min3A_1175 = arith.minsi %min3A_1119, %get3A_1174 : vector<16xi32>
      %get3A_1176 = arith.constant 3 : i32
      %get3A_1177 = arith.constant 6 : i32
      %get3A_1178 = arith.index_cast %get3A_1176 : i32 to index
      %get3A_1179 = arith.index_cast %get3A_1177 : i32 to index
      %get3A_1180 = arith.constant 0 : index
      %get3A_1181 = tpu.vector_load %arg9[%get3A_1178, %get3A_1179, %get3A_1180] {strides = array<i32>} : memref<7x8x16xi32, #tpu.memory_space<vmem>>, vector<1x1x16xi32>,
      %get3A_1182 = vector.shape_cast %get3A_1181 : vector<1x1x16xi32> to vector<16xi32>
      %max3A_1183 = arith.maxsi %max3A_1127, %get3A_1182 : vector<16xi32>
      %get3A_1184 = arith.constant 4 : i32
      %get3A_1185 = arith.constant 0 : i32
      %get3A_1186 = arith.index_cast %get3A_1184 : i32 to index
      %get3A_1187 = arith.index_cast %get3A_1185 : i32 to index
      %get3A_1188 = arith.constant 0 : index
      %get3A_1189 = tpu.vector_load %arg9[%get3A_1186, %get3A_1187, %get3A_1188] {strides = array<i32>} : memref<7x8x16xi32, #tpu.memory_space<vmem>>, vector<1x1x16xi32>,
      %get3A_1190 = vector.shape_cast %get3A_1189 : vector<1x1x16xi32> to vector<16xi32>
      %add3A_1191 = arith.addi %add3A_1135, %get3A_1190 : vector<16xi32>
      %get3A_1192 = arith.constant 4 : i32
      %get3A_1193 = arith.constant 1 : i32
      %get3A_1194 = arith.index_cast %get3A_1192 : i32 to index
      %get3A_1195 = arith.index_cast %get3A_1193 : i32 to index
      %get3A_1196 = arith.constant 0 : index
      %get3A_1197 = tpu.vector_load %arg9[%get3A_1194, %get3A_1195, %get3A_1196] {strides = array<i32>} : memref<7x8x16xi32, #tpu.memory_space<vmem>>, vector<1x1x16xi32>,
      %get3A_1198 = vector.shape_cast %get3A_1197 : vector<1x1x16xi32> to vector<16xi32>
      %add3A_1199 = arith.addi %add3A_1143, %get3A_1198 : vector<16xi32>
      %get3A_1200 = arith.constant 4 : i32
      %get3A_1201 = arith.constant 2 : i32
      %get3A_1202 = arith.index_cast %get3A_1200 : i32 to index
      %get3A_1203 = arith.index_cast %get3A_1201 : i32 to index
      %get3A_1204 = arith.constant 0 : index
      %get3A_1205 = tpu.vector_load %arg9[%get3A_1202, %get3A_1203, %get3A_1204] {strides = array<i32>} : memref<7x8x16xi32, #tpu.memory_space<vmem>>, vector<1x1x16xi32>,
      %get3A_1206 = vector.shape_cast %get3A_1205 : vector<1x1x16xi32> to vector<16xi32>
      %add3A_1207 = arith.addi %add3A_1151, %get3A_1206 : vector<16xi32>
      %get3A_1208 = arith.constant 4 : i32
      %get3A_1209 = arith.constant 3 : i32
      %get3A_1210 = arith.index_cast %get3A_1208 : i32 to index
      %get3A_1211 = arith.index_cast %get3A_1209 : i32 to index
      %get3A_1212 = arith.constant 0 : index
      %get3A_1213 = tpu.vector_load %arg9[%get3A_1210, %get3A_1211, %get3A_1212] {strides = array<i32>} : memref<7x8x16xi32, #tpu.memory_space<vmem>>, vector<1x1x16xi32>,
      %get3A_1214 = vector.shape_cast %get3A_1213 : vector<1x1x16xi32> to vector<16xi32>
      %min3A_1215 = arith.minsi %min3A_1159, %get3A_1214 : vector<16xi32>
      %get3A_1216 = arith.constant 4 : i32
      %get3A_1217 = arith.constant 4 : i32
      %get3A_1218 = arith.index_cast %get3A_1216 : i32 to index
      %get3A_1219 = arith.index_cast %get3A_1217 : i32 to index
      %get3A_1220 = arith.constant 0 : index
      %get3A_1221 = tpu.vector_load %arg9[%get3A_1218, %get3A_1219, %get3A_1220] {strides = array<i32>} : memref<7x8x16xi32, #tpu.memory_space<vmem>>, vector<1x1x16xi32>,
      %get3A_1222 = vector.shape_cast %get3A_1221 : vector<1x1x16xi32> to vector<16xi32>
      %max3A_1223 = arith.maxsi %max3A_1167, %get3A_1222 : vector<16xi32>
      %get3A_1224 = arith.constant 4 : i32
      %get3A_1225 = arith.constant 5 : i32
      %get3A_1226 = arith.index_cast %get3A_1224 : i32 to index
      %get3A_1227 = arith.index_cast %get3A_1225 : i32 to index
      %get3A_1228 = arith.constant 0 : index
      %get3A_1229 = tpu.vector_load %arg9[%get3A_1226, %get3A_1227, %get3A_1228] {strides = array<i32>} : memref<7x8x16xi32, #tpu.memory_space<vmem>>, vector<1x1x16xi32>,
      %get3A_1230 = vector.shape_cast %get3A_1229 : vector<1x1x16xi32> to vector<16xi32>
      %min3A_1231 = arith.minsi %min3A_1175, %get3A_1230 : vector<16xi32>
      %get3A_1232 = arith.constant 4 : i32
      %get3A_1233 = arith.constant 6 : i32
      %get3A_1234 = arith.index_cast %get3A_1232 : i32 to index
      %get3A_1235 = arith.index_cast %get3A_1233 : i32 to index
      %get3A_1236 = arith.constant 0 : index
      %get3A_1237 = tpu.vector_load %arg9[%get3A_1234, %get3A_1235, %get3A_1236] {strides = array<i32>} : memref<7x8x16xi32, #tpu.memory_space<vmem>>, vector<1x1x16xi32>,
      %get3A_1238 = vector.shape_cast %get3A_1237 : vector<1x1x16xi32> to vector<16xi32>
      %max3A_1239 = arith.maxsi %max3A_1183, %get3A_1238 : vector<16xi32>
      %get3A_1240 = arith.constant 5 : i32
      %get3A_1241 = arith.constant 0 : i32
      %get3A_1242 = arith.index_cast %get3A_1240 : i32 to index
      %get3A_1243 = arith.index_cast %get3A_1241 : i32 to index
      %get3A_1244 = arith.constant 0 : index
      %get3A_1245 = tpu.vector_load %arg9[%get3A_1242, %get3A_1243, %get3A_1244] {strides = array<i32>} : memref<7x8x16xi32, #tpu.memory_space<vmem>>, vector<1x1x16xi32>,
      %get3A_1246 = vector.shape_cast %get3A_1245 : vector<1x1x16xi32> to vector<16xi32>
      %add3A_1247 = arith.addi %add3A_1191, %get3A_1246 : vector<16xi32>
      %get3A_1248 = arith.constant 5 : i32
      %get3A_1249 = arith.constant 1 : i32
      %get3A_1250 = arith.index_cast %get3A_1248 : i32 to index
      %get3A_1251 = arith.index_cast %get3A_1249 : i32 to index
      %get3A_1252 = arith.constant 0 : index
      %get3A_1253 = tpu.vector_load %arg9[%get3A_1250, %get3A_1251, %get3A_1252] {strides = array<i32>} : memref<7x8x16xi32, #tpu.memory_space<vmem>>, vector<1x1x16xi32>,
      %get3A_1254 = vector.shape_cast %get3A_1253 : vector<1x1x16xi32> to vector<16xi32>
      %add3A_1255 = arith.addi %add3A_1199, %get3A_1254 : vector<16xi32>
      %get3A_1256 = arith.constant 5 : i32
      %get3A_1257 = arith.constant 2 : i32
      %get3A_1258 = arith.index_cast %get3A_1256 : i32 to index
      %get3A_1259 = arith.index_cast %get3A_1257 : i32 to index
      %get3A_1260 = arith.constant 0 : index
      %get3A_1261 = tpu.vector_load %arg9[%get3A_1258, %get3A_1259, %get3A_1260] {strides = array<i32>} : memref<7x8x16xi32, #tpu.memory_space<vmem>>, vector<1x1x16xi32>,
      %get3A_1262 = vector.shape_cast %get3A_1261 : vector<1x1x16xi32> to vector<16xi32>
      %add3A_1263 = arith.addi %add3A_1207, %get3A_1262 : vector<16xi32>
      %get3A_1264 = arith.constant 5 : i32
      %get3A_1265 = arith.constant 3 : i32
      %get3A_1266 = arith.index_cast %get3A_1264 : i32 to index
      %get3A_1267 = arith.index_cast %get3A_1265 : i32 to index
      %get3A_1268 = arith.constant 0 : index
      %get3A_1269 = tpu.vector_load %arg9[%get3A_1266, %get3A_1267, %get3A_1268] {strides = array<i32>} : memref<7x8x16xi32, #tpu.memory_space<vmem>>, vector<1x1x16xi32>,
      %get3A_1270 = vector.shape_cast %get3A_1269 : vector<1x1x16xi32> to vector<16xi32>
      %min3A_1271 = arith.minsi %min3A_1215, %get3A_1270 : vector<16xi32>
      %get3A_1272 = arith.constant 5 : i32
      %get3A_1273 = arith.constant 4 : i32
      %get3A_1274 = arith.index_cast %get3A_1272 : i32 to index
      %get3A_1275 = arith.index_cast %get3A_1273 : i32 to index
      %get3A_1276 = arith.constant 0 : index
      %get3A_1277 = tpu.vector_load %arg9[%get3A_1274, %get3A_1275, %get3A_1276] {strides = array<i32>} : memref<7x8x16xi32, #tpu.memory_space<vmem>>, vector<1x1x16xi32>,
      %get3A_1278 = vector.shape_cast %get3A_1277 : vector<1x1x16xi32> to vector<16xi32>
      %max3A_1279 = arith.maxsi %max3A_1223, %get3A_1278 : vector<16xi32>
      %get3A_1280 = arith.constant 5 : i32
      %get3A_1281 = arith.constant 5 : i32
      %get3A_1282 = arith.index_cast %get3A_1280 : i32 to index
      %get3A_1283 = arith.index_cast %get3A_1281 : i32 to index
      %get3A_1284 = arith.constant 0 : index
      %get3A_1285 = tpu.vector_load %arg9[%get3A_1282, %get3A_1283, %get3A_1284] {strides = array<i32>} : memref<7x8x16xi32, #tpu.memory_space<vmem>>, vector<1x1x16xi32>,
      %get3A_1286 = vector.shape_cast %get3A_1285 : vector<1x1x16xi32> to vector<16xi32>
      %min3A_1287 = arith.minsi %min3A_1231, %get3A_1286 : vector<16xi32>
      %get3A_1288 = arith.constant 5 : i32
      %get3A_1289 = arith.constant 6 : i32
      %get3A_1290 = arith.index_cast %get3A_1288 : i32 to index
      %get3A_1291 = arith.index_cast %get3A_1289 : i32 to index
      %get3A_1292 = arith.constant 0 : index
      %get3A_1293 = tpu.vector_load %arg9[%get3A_1290, %get3A_1291, %get3A_1292] {strides = array<i32>} : memref<7x8x16xi32, #tpu.memory_space<vmem>>, vector<1x1x16xi32>,
      %get3A_1294 = vector.shape_cast %get3A_1293 : vector<1x1x16xi32> to vector<16xi32>
      %max3A_1295 = arith.maxsi %max3A_1239, %get3A_1294 : vector<16xi32>
      %get3A_1296 = arith.constant 6 : i32
      %get3A_1297 = arith.constant 0 : i32
      %get3A_1298 = arith.index_cast %get3A_1296 : i32 to index
      %get3A_1299 = arith.index_cast %get3A_1297 : i32 to index
      %get3A_1300 = arith.constant 0 : index
      %get3A_1301 = tpu.vector_load %arg9[%get3A_1298, %get3A_1299, %get3A_1300] {strides = array<i32>} : memref<7x8x16xi32, #tpu.memory_space<vmem>>, vector<1x1x16xi32>,
      %get3A_1302 = vector.shape_cast %get3A_1301 : vector<1x1x16xi32> to vector<16xi32>
      %add3A_1303 = arith.addi %add3A_1247, %get3A_1302 : vector<16xi32>
      %get3A_1304 = arith.constant 6 : i32
      %get3A_1305 = arith.constant 1 : i32
      %get3A_1306 = arith.index_cast %get3A_1304 : i32 to index
      %get3A_1307 = arith.index_cast %get3A_1305 : i32 to index
      %get3A_1308 = arith.constant 0 : index
      %get3A_1309 = tpu.vector_load %arg9[%get3A_1306, %get3A_1307, %get3A_1308] {strides = array<i32>} : memref<7x8x16xi32, #tpu.memory_space<vmem>>, vector<1x1x16xi32>,
      %get3A_1310 = vector.shape_cast %get3A_1309 : vector<1x1x16xi32> to vector<16xi32>
      %add3A_1311 = arith.addi %add3A_1255, %get3A_1310 : vector<16xi32>
      %get3A_1312 = arith.constant 6 : i32
      %get3A_1313 = arith.constant 2 : i32
      %get3A_1314 = arith.index_cast %get3A_1312 : i32 to index
      %get3A_1315 = arith.index_cast %get3A_1313 : i32 to index
      %get3A_1316 = arith.constant 0 : index
      %get3A_1317 = tpu.vector_load %arg9[%get3A_1314, %get3A_1315, %get3A_1316] {strides = array<i32>} : memref<7x8x16xi32, #tpu.memory_space<vmem>>, vector<1x1x16xi32>,
      %get3A_1318 = vector.shape_cast %get3A_1317 : vector<1x1x16xi32> to vector<16xi32>
      %add3A_1319 = arith.addi %add3A_1263, %get3A_1318 : vector<16xi32>
      %get3A_1320 = arith.constant 6 : i32
      %get3A_1321 = arith.constant 3 : i32
      %get3A_1322 = arith.index_cast %get3A_1320 : i32 to index
      %get3A_1323 = arith.index_cast %get3A_1321 : i32 to index
      %get3A_1324 = arith.constant 0 : index
      %get3A_1325 = tpu.vector_load %arg9[%get3A_1322, %get3A_1323, %get3A_1324] {strides = array<i32>} : memref<7x8x16xi32, #tpu.memory_space<vmem>>, vector<1x1x16xi32>,
      %get3A_1326 = vector.shape_cast %get3A_1325 : vector<1x1x16xi32> to vector<16xi32>
      %min3A_1327 = arith.minsi %min3A_1271, %get3A_1326 : vector<16xi32>
      %get3A_1328 = arith.constant 6 : i32
      %get3A_1329 = arith.constant 4 : i32
      %get3A_1330 = arith.index_cast %get3A_1328 : i32 to index
      %get3A_1331 = arith.index_cast %get3A_1329 : i32 to index
      %get3A_1332 = arith.constant 0 : index
      %get3A_1333 = tpu.vector_load %arg9[%get3A_1330, %get3A_1331, %get3A_1332] {strides = array<i32>} : memref<7x8x16xi32, #tpu.memory_space<vmem>>, vector<1x1x16xi32>,
      %get3A_1334 = vector.shape_cast %get3A_1333 : vector<1x1x16xi32> to vector<16xi32>
      %max3A_1335 = arith.maxsi %max3A_1279, %get3A_1334 : vector<16xi32>
      %get3A_1336 = arith.constant 6 : i32
      %get3A_1337 = arith.constant 5 : i32
      %get3A_1338 = arith.index_cast %get3A_1336 : i32 to index
      %get3A_1339 = arith.index_cast %get3A_1337 : i32 to index
      %get3A_1340 = arith.constant 0 : index
      %get3A_1341 = tpu.vector_load %arg9[%get3A_1338, %get3A_1339, %get3A_1340] {strides = array<i32>} : memref<7x8x16xi32, #tpu.memory_space<vmem>>, vector<1x1x16xi32>,
      %get3A_1342 = vector.shape_cast %get3A_1341 : vector<1x1x16xi32> to vector<16xi32>
      %min3A_1343 = arith.minsi %min3A_1287, %get3A_1342 : vector<16xi32>
      %get3A_1344 = arith.constant 6 : i32
      %get3A_1345 = arith.constant 6 : i32
      %get3A_1346 = arith.index_cast %get3A_1344 : i32 to index
      %get3A_1347 = arith.index_cast %get3A_1345 : i32 to index
      %get3A_1348 = arith.constant 0 : index
      %get3A_1349 = tpu.vector_load %arg9[%get3A_1346, %get3A_1347, %get3A_1348] {strides = array<i32>} : memref<7x8x16xi32, #tpu.memory_space<vmem>>, vector<1x1x16xi32>,
      %get3A_1350 = vector.shape_cast %get3A_1349 : vector<1x1x16xi32> to vector<16xi32>
      %max3A_1351 = arith.maxsi %max3A_1295, %get3A_1350 : vector<16xi32>
      %sub3A_1352 = arith.subi %max3A_1335, %min3A_1327 : vector<16xi32>
      %add3A_1353 = arith.constant 1 : i32
      %add3A_1354 = vector.broadcast %add3A_1353 : i32 to vector<16xi32>
      %add3A_1355 = arith.addi %sub3A_1352, %add3A_1354 : vector<16xi32>
      %sub3A_1356 = arith.subi %max3A_1351, %min3A_1343 : vector<16xi32>
      %add3A_1357 = arith.constant 1 : i32
      %add3A_1358 = vector.broadcast %add3A_1357 : i32 to vector<16xi32>
      %add3A_1359 = arith.addi %sub3A_1356, %add3A_1358 : vector<16xi32>
      %max3A_1360 = arith.maxsi %add3A_1355, %add3A_1359 : vector<16xi32>
      %add3A_1361 = arith.addi %min3A_1327, %max3A_1335 : vector<16xi32>
      %shift_right_arithmetic3A = arith.constant 1 : i32
      %shift_right_arithmetic3A_1362 = vector.broadcast %shift_right_arithmetic3A : i32 to vector<16xi32>
      %shift_right_arithmetic3A_1363 = arith.shrsi %add3A_1361, %shift_right_arithmetic3A_1362 : vector<16xi32>
      %add3A_1364 = arith.addi %min3A_1343, %max3A_1351 : vector<16xi32>
      %shift_right_arithmetic3A_1365 = arith.constant 1 : i32
      %shift_right_arithmetic3A_1366 = vector.broadcast %shift_right_arithmetic3A_1365 : i32 to vector<16xi32>
      %shift_right_arithmetic3A_1367 = arith.shrsi %add3A_1364, %shift_right_arithmetic3A_1366 : vector<16xi32>
      %shift_right_arithmetic3A_1368 = arith.constant 1 : i32
      %shift_right_arithmetic3A_1369 = vector.broadcast %shift_right_arithmetic3A_1368 : i32 to vector<16xi32>
      %shift_right_arithmetic3A_1370 = arith.shrsi %max3A_1360, %shift_right_arithmetic3A_1369 : vector<16xi32>
      %sub3A_1371 = arith.subi %shift_right_arithmetic3A_1363, %shift_right_arithmetic3A_1370 : vector<16xi32>
      %max3A_1372 = arith.constant 0 : i32
      %max3A_1373 = vector.broadcast %max3A_1372 : i32 to vector<16xi32>
      %max3A_1374 = arith.maxsi %max3A_1373, %sub3A_1371 : vector<16xi32>
      %sub3A_1375 = arith.subi %shift_right_arithmetic3A_1367, %shift_right_arithmetic3A_1370 : vector<16xi32>
      %max3A_1376 = arith.constant 0 : i32
      %max3A_1377 = vector.broadcast %max3A_1376 : i32 to vector<16xi32>
      %max3A_1378 = arith.maxsi %max3A_1377, %sub3A_1375 : vector<16xi32>
      %add3A_1379 = arith.addi %shift_right_arithmetic3A_1363, %shift_right_arithmetic3A_1370 : vector<16xi32>
      %min3A_1380 = arith.constant 512 : i32
      %min3A_1381 = vector.broadcast %min3A_1380 : i32 to vector<16xi32>
      %min3A_1382 = arith.minsi %min3A_1381, %add3A_1379 : vector<16xi32>
      %add3A_1383 = arith.addi %shift_right_arithmetic3A_1367, %shift_right_arithmetic3A_1370 : vector<16xi32>
      %min3A_1384 = arith.constant 512 : i32
      %min3A_1385 = vector.broadcast %min3A_1384 : i32 to vector<16xi32>
      %min3A_1386 = arith.minsi %min3A_1385, %add3A_1383 : vector<16xi32>
      %eq3A_1387 = arith.constant 0 : i32
      %eq3A_1388 = vector.broadcast %eq3A_1387 : i32 to vector<16xi32>
      %eq3A_1389 = arith.cmpi eq, %add3A_1303, %eq3A_1388 : vector<16xi32>
      %convert_element_type3A_1390 = arith.sitofp %add3A_1303 : vector<16xi32> to vector<16xf32>
      %max3A_1391 = arith.constant 1.000000e+00 : f32
      %max3A_1392 = vector.broadcast %max3A_1391 : f32 to vector<16xf32>
      %max3A_1393 = arith.maximumf %convert_element_type3A_1390, %max3A_1392 : vector<16xf32>
      %convert_element_type3A_1394 = arith.sitofp %add3A_1311 : vector<16xi32> to vector<16xf32>
      %div3A_1395 = arith.divf %convert_element_type3A_1394, %max3A_1393 : vector<16xf32>
      %convert_element_type3A_1396 = arith.sitofp %add3A_1319 : vector<16xi32> to vector<16xf32>
      %div3A_1397 = arith.divf %convert_element_type3A_1396, %max3A_1393 : vector<16xf32>
      %jit3A_1398 = arith.constant 2.560000e+02 : f32
      %broadcast_in_dim3A_1399 = vector.broadcast %jit3A_1398 : f32 to vector<16xf32>
      %select_n3A_1400 = arith.select %eq3A_1389, %broadcast_in_dim3A_1399, %div3A_1395 : vector<16xi1>, vector<16xf32>
      %jit3A_1401 = arith.constant 2.560000e+02 : f32
      %broadcast_in_dim3A_1402 = vector.broadcast %jit3A_1401 : f32 to vector<16xf32>
      %select_n3A_1403 = arith.select %eq3A_1389, %broadcast_in_dim3A_1402, %div3A_1397 : vector<16xi1>, vector<16xf32>
      %jit3A_1404 = arith.constant 256 : i32
      %broadcast_in_dim3A_1405 = vector.broadcast %jit3A_1404 : i32 to vector<16xi32>
      %select_n3A_1406 = arith.select %eq3A_1389, %broadcast_in_dim3A_1405, %max3A_1360 : vector<16xi1>, vector<16xi32>
      %convert_element_type3A_1407 = arith.sitofp %select_n3A_1406 : vector<16xi32> to vector<16xf32>
      %jit3A_1408 = arith.constant 128 : i32
      %broadcast_in_dim3A_1409 = vector.broadcast %jit3A_1408 : i32 to vector<16xi32>
      %select_n3A_1410 = arith.select %eq3A_1389, %broadcast_in_dim3A_1409, %max3A_1374 : vector<16xi1>, vector<16xi32>
      %convert_element_type3A_1411 = arith.sitofp %select_n3A_1410 : vector<16xi32> to vector<16xf32>
      %jit3A_1412 = arith.constant 128 : i32
      %broadcast_in_dim3A_1413 = vector.broadcast %jit3A_1412 : i32 to vector<16xi32>
      %select_n3A_1414 = arith.select %eq3A_1389, %broadcast_in_dim3A_1413, %max3A_1378 : vector<16xi1>, vector<16xi32>
      %convert_element_type3A_1415 = arith.sitofp %select_n3A_1414 : vector<16xi32> to vector<16xf32>
      %jit3A_1416 = arith.constant 384 : i32
      %broadcast_in_dim3A_1417 = vector.broadcast %jit3A_1416 : i32 to vector<16xi32>
      %select_n3A_1418 = arith.select %eq3A_1389, %broadcast_in_dim3A_1417, %min3A_1382 : vector<16xi1>, vector<16xi32>
      %convert_element_type3A_1419 = arith.sitofp %select_n3A_1418 : vector<16xi32> to vector<16xf32>
      %jit3A_1420 = arith.constant 384 : i32
      %broadcast_in_dim3A_1421 = vector.broadcast %jit3A_1420 : i32 to vector<16xi32>
      %select_n3A_1422 = arith.select %eq3A_1389, %broadcast_in_dim3A_1421, %min3A_1386 : vector<16xi1>, vector<16xi32>
      %convert_element_type3A_1423 = arith.sitofp %select_n3A_1422 : vector<16xi32> to vector<16xf32>
      %broadcast_in_dim3A_1424 = arith.constant 0.000000e+00 : f32
      %broadcast_in_dim3A_1425 = vector.broadcast %broadcast_in_dim3A_1424 : f32 to vector<16xf32>
      %eq3A_1426 = arith.constant 0 : i32
      %eq3A_1427 = vector.broadcast %eq3A_1426 : i32 to vector<16xi32>
      %eq3A_1428 = arith.cmpi eq, %iota3A, %eq3A_1427 : vector<16xi32>
      %select_n3A_1429 = arith.select %eq3A_1428, %select_n3A_1400, %broadcast_in_dim3A_1425 : vector<16xi1>, vector<16xf32>
      %eq3A_1430 = arith.constant 1 : i32
      %eq3A_1431 = vector.broadcast %eq3A_1430 : i32 to vector<16xi32>
      %eq3A_1432 = arith.cmpi eq, %iota3A, %eq3A_1431 : vector<16xi32>
      %select_n3A_1433 = arith.select %eq3A_1432, %select_n3A_1403, %select_n3A_1429 : vector<16xi1>, vector<16xf32>
      %eq3A_1434 = arith.constant 2 : i32
      %eq3A_1435 = vector.broadcast %eq3A_1434 : i32 to vector<16xi32>
      %eq3A_1436 = arith.cmpi eq, %iota3A, %eq3A_1435 : vector<16xi32>
      %select_n3A_1437 = arith.select %eq3A_1436, %convert_element_type3A_1407, %select_n3A_1433 : vector<16xi1>, vector<16xf32>
      %eq3A_1438 = arith.constant 3 : i32
      %eq3A_1439 = vector.broadcast %eq3A_1438 : i32 to vector<16xi32>
      %eq3A_1440 = arith.cmpi eq, %iota3A, %eq3A_1439 : vector<16xi32>
      %select_n3A_1441 = arith.select %eq3A_1440, %convert_element_type3A_1411, %select_n3A_1437 : vector<16xi1>, vector<16xf32>
      %eq3A_1442 = arith.constant 4 : i32
      %eq3A_1443 = vector.broadcast %eq3A_1442 : i32 to vector<16xi32>
      %eq3A_1444 = arith.cmpi eq, %iota3A, %eq3A_1443 : vector<16xi32>
      %select_n3A_1445 = arith.select %eq3A_1444, %convert_element_type3A_1415, %select_n3A_1441 : vector<16xi1>, vector<16xf32>
      %eq3A_1446 = arith.constant 5 : i32
      %eq3A_1447 = vector.broadcast %eq3A_1446 : i32 to vector<16xi32>
      %eq3A_1448 = arith.cmpi eq, %iota3A, %eq3A_1447 : vector<16xi32>
      %select_n3A_1449 = arith.select %eq3A_1448, %convert_element_type3A_1419, %select_n3A_1445 : vector<16xi1>, vector<16xf32>
      %eq3A_1450 = arith.constant 6 : i32
      %eq3A_1451 = vector.broadcast %eq3A_1450 : i32 to vector<16xi32>
      %eq3A_1452 = arith.cmpi eq, %iota3A, %eq3A_1451 : vector<16xi32>
      %select_n3A_1453 = arith.select %eq3A_1452, %convert_element_type3A_1423, %select_n3A_1449 : vector<16xi1>, vector<16xf32>
      %swap3A_1454 = arith.constant 0 : index
      %swap3A_1455 = tpu.vector_load %arg10[%swap3A_1454] {strides = array<i32>} : memref<16xf32, #tpu.memory_space<vmem>>, vector<16xf32>,
      %swap3A_1456 = vector.shape_cast %swap3A_1455 : vector<16xf32> to vector<16xf32>
      %swap3A_1457 = vector.shape_cast %select_n3A_1453 : vector<16xf32> to vector<16xf32>
      tpu.vector_store %arg10[%swap3A_1454], %swap3A_1457 {strides = array<i32>} : memref<16xf32, #tpu.memory_space<vmem>>, vector<16xf32>,
      "tpu.region"() ({
        %run_scoped3A = tpu.sem_alloc : memref<!tpu.dma_semaphore, #tpu.memory_space<semaphore_mem>>
        %dma_start3A_1458 = arith.constant 0 : i32
        %dma_start3A_1459 = tpu.memref_slice %arg3[%select_n3A, %dma_start3A_1458] : memref<4x16xf32, #tpu.memory_space<hbm>> -> memref<1x16xf32, #tpu.memory_space<hbm>>
        %dma_start3A_1460 = tpu.memref_squeeze %dma_start3A_1459 : memref<1x16xf32, #tpu.memory_space<hbm>> -> memref<16xf32, #tpu.memory_space<hbm>>
        %dma_start3A_1461 = arith.constant 0 : i32
        %dma_start3A_1462 = tpu.memref_slice %arg3[%select_n3A, %dma_start3A_1461] : memref<4x16xf32, #tpu.memory_space<hbm>> -> memref<1x16xf32, #tpu.memory_space<hbm>>
        %dma_start3A_1463 = tpu.memref_squeeze %dma_start3A_1462 : memref<1x16xf32, #tpu.memory_space<hbm>> -> memref<16xf32, #tpu.memory_space<hbm>>
        tpu.enqueue_dma source(%arg10 : memref<16xf32, #tpu.memory_space<vmem>>) target(%dma_start3A_1463 : memref<16xf32, #tpu.memory_space<hbm>>) target_semaphore(%run_scoped3A : memref<!tpu.dma_semaphore, #tpu.memory_space<semaphore_mem>>)
        %dma_wait3A_1464 = arith.constant 0 : i32
        %dma_wait3A_1465 = tpu.memref_slice %arg3[%select_n3A, %dma_wait3A_1464] : memref<4x16xf32, #tpu.memory_space<hbm>> -> memref<1x16xf32, #tpu.memory_space<hbm>>
        %dma_wait3A_1466 = tpu.memref_squeeze %dma_wait3A_1465 : memref<1x16xf32, #tpu.memory_space<hbm>> -> memref<16xf32, #tpu.memory_space<hbm>>
        %dma_wait3A_1467 = arith.constant 0 : i32
        %dma_wait3A_1468 = tpu.memref_slice %arg3[%select_n3A, %dma_wait3A_1467] : memref<4x16xf32, #tpu.memory_space<hbm>> -> memref<1x16xf32, #tpu.memory_space<hbm>>
        %dma_wait3A_1469 = tpu.memref_squeeze %dma_wait3A_1468 : memref<1x16xf32, #tpu.memory_space<hbm>> -> memref<16xf32, #tpu.memory_space<hbm>>
        tpu.wait_dma2 semaphore(%run_scoped3A : memref<!tpu.dma_semaphore, #tpu.memory_space<semaphore_mem>>) src(%arg10 : memref<16xf32, #tpu.memory_space<vmem>>) dst(%dma_wait3A_1469 : memref<16xf32, #tpu.memory_space<hbm>>)
        tpu.yield
      }) : () -> ()
    } else {
    }
    return
  }
}

module attributes {stable_mosaic.version = 14 : i64} {
  func.func @_tc_body(%arg0: i32, %arg1: memref<1x512x512xf32, #tpu.memory_space<vmem>>, %arg2: memref<1x1x16xf32, #tpu.memory_space<smem>>) attributes {dimension_semantics = [#tpu.dimension_semantics<arbitrary>], iteration_bounds = array<i64: 12>, scalar_prefetch = 0 : i64, scratch_operands = 0 : i64, tpu.core_type = #tpu.core_type<tc>, window_params = [{transform_indices = @transform_0, window_bounds = array<i64: 1, 512, 512>}, {transform_indices = @transform_1, window_bounds = array<i64: 1, 1, 16>}]} {
    %get3A = arith.constant 0 : index
    %get3A_0 = arith.constant 0 : index
    %get3A_1 = arith.constant 0 : index
    %get3A_2 = vector.load %arg1[%get3A, %get3A_0, %get3A_1] : memref<1x512x512xf32, #tpu.memory_space<vmem>>, vector<1x512x512xf32>
    %get3A_3 = vector.shape_cast %get3A_2 : vector<1x512x512xf32> to vector<512x512xf32>
    %gt3A = arith.constant 5.000000e-01 : f32
    %gt3A_4 = vector.broadcast %gt3A : f32 to vector<512x512xf32>
    %gt3A_5 = arith.cmpf ogt, %get3A_3, %gt3A_4 : vector<512x512xf32>
    %convert_element_type3A = arith.extui %gt3A_5 : vector<512x512xi1> to vector<512x512xi32>
    %convert_element_type3A_6 = arith.sitofp %convert_element_type3A : vector<512x512xi32> to vector<512x512xf32>
    %convert_element_type3A_7 = arith.truncf %convert_element_type3A_6 : vector<512x512xf32> to vector<512x512xbf16>
    %broadcast_in_dim3A = arith.constant 1.000000e+00 : bf16
    %broadcast_in_dim3A_8 = vector.broadcast %broadcast_in_dim3A : bf16 to vector<512x1xbf16>
    %dot_general3A = arith.constant dense<0.000000e+00> : vector<512x1xf32>
    %dot_general3A_9 = tpu.matmul %convert_element_type3A_7, %broadcast_in_dim3A_8, %dot_general3A {dimension_numbers = #tpu.dot_dimension_numbers<[1], [0], [0], [1], [0, 0, 1, 1], [], []>, transpose_lhs_hint = false} : vector<512x512xbf16>, vector<512x1xbf16>, vector<512x1xf32> -> vector<512x1xf32>
    %squeeze3A = vector.shape_cast %dot_general3A_9 : vector<512x1xf32> to vector<512xf32>
    %convert_element_type3A_10 = arith.extf %convert_element_type3A_7 : vector<512x512xbf16> to vector<512x512xf32>
    %reduce_sum3A = arith.constant dense<0.000000e+00> : vector<512xf32>
    %reduce_sum3A_11 = vector.multi_reduction <add>, %convert_element_type3A_10, %reduce_sum3A [0] : vector<512x512xf32> to vector<512xf32>
    %iota3A = tpu.iota {dimensions = array<i32: 1>} : vector<1x512xi32>
    %iota3A_12 = vector.shape_cast %iota3A : vector<1x512xi32> to vector<512xi32>
    %convert_element_type3A_13 = arith.sitofp %iota3A_12 : vector<512xi32> to vector<512xf32>
    %iota3A_14 = tpu.iota {dimensions = array<i32: 1>} : vector<1x512xi32>
    %iota3A_15 = vector.shape_cast %iota3A_14 : vector<1x512xi32> to vector<512xi32>
    %convert_element_type3A_16 = arith.sitofp %iota3A_15 : vector<512xi32> to vector<512xf32>
    %reduce_sum3A_17 = vector.shape_cast %squeeze3A : vector<512xf32> to vector<1x512xf32>
    %reduce_sum3A_18 = arith.constant dense<0.000000e+00> : vector<1xf32>
    %reduce_sum3A_19 = vector.multi_reduction <add>, %reduce_sum3A_17, %reduce_sum3A_18 [1] : vector<1x512xf32> to vector<1xf32>
    %reduce_sum3A_20 = vector.shape_cast %reduce_sum3A_19 : vector<1xf32> to vector<1x1xf32>
    %reduce_sum3A_21 = vector.extract %reduce_sum3A_20[0, 0] : f32 from vector<1x1xf32>
    %mul3A = arith.mulf %convert_element_type3A_13, %squeeze3A : vector<512xf32>
    %reduce_sum3A_22 = vector.shape_cast %mul3A : vector<512xf32> to vector<1x512xf32>
    %reduce_sum3A_23 = arith.constant dense<0.000000e+00> : vector<1xf32>
    %reduce_sum3A_24 = vector.multi_reduction <add>, %reduce_sum3A_22, %reduce_sum3A_23 [1] : vector<1x512xf32> to vector<1xf32>
    %reduce_sum3A_25 = vector.shape_cast %reduce_sum3A_24 : vector<1xf32> to vector<1x1xf32>
    %reduce_sum3A_26 = vector.extract %reduce_sum3A_25[0, 0] : f32 from vector<1x1xf32>
    %mul3A_27 = arith.mulf %convert_element_type3A_16, %reduce_sum3A_11 : vector<512xf32>
    %reduce_sum3A_28 = vector.shape_cast %mul3A_27 : vector<512xf32> to vector<1x512xf32>
    %reduce_sum3A_29 = arith.constant dense<0.000000e+00> : vector<1xf32>
    %reduce_sum3A_30 = vector.multi_reduction <add>, %reduce_sum3A_28, %reduce_sum3A_29 [1] : vector<1x512xf32> to vector<1xf32>
    %reduce_sum3A_31 = vector.shape_cast %reduce_sum3A_30 : vector<1xf32> to vector<1x1xf32>
    %reduce_sum3A_32 = vector.extract %reduce_sum3A_31[0, 0] : f32 from vector<1x1xf32>
    %gt3A_33 = arith.constant 0.000000e+00 : f32
    %gt3A_34 = vector.broadcast %gt3A_33 : f32 to vector<512xf32>
    %gt3A_35 = arith.cmpf ogt, %squeeze3A, %gt3A_34 : vector<512xf32>
    %jit3A = arith.constant 1.024000e+03 : f32
    %broadcast_in_dim3A_36 = vector.broadcast %jit3A : f32 to vector<512xf32>
    %select_n3A = arith.select %gt3A_35, %convert_element_type3A_13, %broadcast_in_dim3A_36 : vector<512xi1>, vector<512xf32>
    %reduce_min3A = vector.shape_cast %select_n3A : vector<512xf32> to vector<1x512xf32>
    %reduce_min3A_37 = arith.constant dense<0x7F800000> : vector<1xf32>
    %reduce_min3A_38 = vector.multi_reduction <minimumf>, %reduce_min3A, %reduce_min3A_37 [1] : vector<1x512xf32> to vector<1xf32>
    %reduce_min3A_39 = vector.shape_cast %reduce_min3A_38 : vector<1xf32> to vector<1x1xf32>
    %reduce_min3A_40 = vector.extract %reduce_min3A_39[0, 0] : f32 from vector<1x1xf32>
    %convert_element_type3A_41 = arith.fptosi %reduce_min3A_40 : f32 to i32
    %gt3A_42 = arith.constant 0.000000e+00 : f32
    %gt3A_43 = vector.broadcast %gt3A_42 : f32 to vector<512xf32>
    %gt3A_44 = arith.cmpf ogt, %squeeze3A, %gt3A_43 : vector<512xf32>
    %jit3A_45 = arith.constant -1.000000e+00 : f32
    %broadcast_in_dim3A_46 = vector.broadcast %jit3A_45 : f32 to vector<512xf32>
    %select_n3A_47 = arith.select %gt3A_44, %convert_element_type3A_13, %broadcast_in_dim3A_46 : vector<512xi1>, vector<512xf32>
    %reduce_max3A = vector.shape_cast %select_n3A_47 : vector<512xf32> to vector<1x512xf32>
    %reduce_max3A_48 = arith.constant dense<0xFF800000> : vector<1xf32>
    %reduce_max3A_49 = vector.multi_reduction <maximumf>, %reduce_max3A, %reduce_max3A_48 [1] : vector<1x512xf32> to vector<1xf32>
    %reduce_max3A_50 = vector.shape_cast %reduce_max3A_49 : vector<1xf32> to vector<1x1xf32>
    %reduce_max3A_51 = vector.extract %reduce_max3A_50[0, 0] : f32 from vector<1x1xf32>
    %convert_element_type3A_52 = arith.fptosi %reduce_max3A_51 : f32 to i32
    %gt3A_53 = arith.constant 0.000000e+00 : f32
    %gt3A_54 = vector.broadcast %gt3A_53 : f32 to vector<512xf32>
    %gt3A_55 = arith.cmpf ogt, %reduce_sum3A_11, %gt3A_54 : vector<512xf32>
    %jit3A_56 = arith.constant 1.024000e+03 : f32
    %broadcast_in_dim3A_57 = vector.broadcast %jit3A_56 : f32 to vector<512xf32>
    %select_n3A_58 = arith.select %gt3A_55, %convert_element_type3A_16, %broadcast_in_dim3A_57 : vector<512xi1>, vector<512xf32>
    %reduce_min3A_59 = vector.shape_cast %select_n3A_58 : vector<512xf32> to vector<1x512xf32>
    %reduce_min3A_60 = arith.constant dense<0x7F800000> : vector<1xf32>
    %reduce_min3A_61 = vector.multi_reduction <minimumf>, %reduce_min3A_59, %reduce_min3A_60 [1] : vector<1x512xf32> to vector<1xf32>
    %reduce_min3A_62 = vector.shape_cast %reduce_min3A_61 : vector<1xf32> to vector<1x1xf32>
    %reduce_min3A_63 = vector.extract %reduce_min3A_62[0, 0] : f32 from vector<1x1xf32>
    %convert_element_type3A_64 = arith.fptosi %reduce_min3A_63 : f32 to i32
    %gt3A_65 = arith.constant 0.000000e+00 : f32
    %gt3A_66 = vector.broadcast %gt3A_65 : f32 to vector<512xf32>
    %gt3A_67 = arith.cmpf ogt, %reduce_sum3A_11, %gt3A_66 : vector<512xf32>
    %jit3A_68 = arith.constant -1.000000e+00 : f32
    %broadcast_in_dim3A_69 = vector.broadcast %jit3A_68 : f32 to vector<512xf32>
    %select_n3A_70 = arith.select %gt3A_67, %convert_element_type3A_16, %broadcast_in_dim3A_69 : vector<512xi1>, vector<512xf32>
    %reduce_max3A_71 = vector.shape_cast %select_n3A_70 : vector<512xf32> to vector<1x512xf32>
    %reduce_max3A_72 = arith.constant dense<0xFF800000> : vector<1xf32>
    %reduce_max3A_73 = vector.multi_reduction <maximumf>, %reduce_max3A_71, %reduce_max3A_72 [1] : vector<1x512xf32> to vector<1xf32>
    %reduce_max3A_74 = vector.shape_cast %reduce_max3A_73 : vector<1xf32> to vector<1x1xf32>
    %reduce_max3A_75 = vector.extract %reduce_max3A_74[0, 0] : f32 from vector<1x1xf32>
    %convert_element_type3A_76 = arith.fptosi %reduce_max3A_75 : f32 to i32
    %max3A = arith.constant 1.000000e+00 : f32
    %max3A_77 = arith.maximumf %reduce_sum3A_21, %max3A : f32
    %div3A = arith.divf %reduce_sum3A_26, %max3A_77 : f32
    %div3A_78 = arith.divf %reduce_sum3A_32, %max3A_77 : f32
    %sub3A = arith.subi %convert_element_type3A_52, %convert_element_type3A_41 : i32
    %add3A = arith.constant 1 : i32
    %add3A_79 = arith.addi %sub3A, %add3A : i32
    %sub3A_80 = arith.subi %convert_element_type3A_76, %convert_element_type3A_64 : i32
    %add3A_81 = arith.constant 1 : i32
    %add3A_82 = arith.addi %sub3A_80, %add3A_81 : i32
    %max3A_83 = arith.maxsi %add3A_79, %add3A_82 : i32
    %add3A_84 = arith.addi %convert_element_type3A_41, %convert_element_type3A_52 : i32
    %jit3A_85 = arith.constant 2 : i32
    %div3A_86 = arith.divsi %add3A_84, %jit3A_85 : i32
    %sign3A = arith.constant 0 : i32
    %sign3A_87 = arith.cmpi sgt, %add3A_84, %sign3A : i32
    %sign3A_88 = arith.extui %sign3A_87 : i1 to i32
    %sign3A_89 = arith.constant 0 : i32
    %sign3A_90 = arith.cmpi slt, %add3A_84, %sign3A_89 : i32
    %sign3A_91 = arith.extui %sign3A_90 : i1 to i32
    %sign3A_92 = arith.subi %sign3A_88, %sign3A_91 : i32
    %sign3A_93 = arith.constant 0 : i32
    %sign3A_94 = arith.cmpi sgt, %jit3A_85, %sign3A_93 : i32
    %sign3A_95 = arith.extui %sign3A_94 : i1 to i32
    %sign3A_96 = arith.constant 0 : i32
    %sign3A_97 = arith.cmpi slt, %jit3A_85, %sign3A_96 : i32
    %sign3A_98 = arith.extui %sign3A_97 : i1 to i32
    %sign3A_99 = arith.subi %sign3A_95, %sign3A_98 : i32
    %ne3A = arith.cmpi ne, %sign3A_92, %sign3A_99 : i32
    %rem3A = arith.remsi %add3A_84, %jit3A_85 : i32
    %ne3A_100 = arith.constant 0 : i32
    %ne3A_101 = arith.cmpi ne, %rem3A, %ne3A_100 : i32
    %and3A = arith.andi %ne3A, %ne3A_101 : i1
    %sub3A_102 = arith.constant 1 : i32
    %sub3A_103 = arith.subi %div3A_86, %sub3A_102 : i32
    %select_n3A_104 = arith.select %and3A, %sub3A_103, %div3A_86 : i32
    %add3A_105 = arith.addi %convert_element_type3A_64, %convert_element_type3A_76 : i32
    %jit3A_106 = arith.constant 2 : i32
    %div3A_107 = arith.divsi %add3A_105, %jit3A_106 : i32
    %sign3A_108 = arith.constant 0 : i32
    %sign3A_109 = arith.cmpi sgt, %add3A_105, %sign3A_108 : i32
    %sign3A_110 = arith.extui %sign3A_109 : i1 to i32
    %sign3A_111 = arith.constant 0 : i32
    %sign3A_112 = arith.cmpi slt, %add3A_105, %sign3A_111 : i32
    %sign3A_113 = arith.extui %sign3A_112 : i1 to i32
    %sign3A_114 = arith.subi %sign3A_110, %sign3A_113 : i32
    %sign3A_115 = arith.constant 0 : i32
    %sign3A_116 = arith.cmpi sgt, %jit3A_106, %sign3A_115 : i32
    %sign3A_117 = arith.extui %sign3A_116 : i1 to i32
    %sign3A_118 = arith.constant 0 : i32
    %sign3A_119 = arith.cmpi slt, %jit3A_106, %sign3A_118 : i32
    %sign3A_120 = arith.extui %sign3A_119 : i1 to i32
    %sign3A_121 = arith.subi %sign3A_117, %sign3A_120 : i32
    %ne3A_122 = arith.cmpi ne, %sign3A_114, %sign3A_121 : i32
    %rem3A_123 = arith.remsi %add3A_105, %jit3A_106 : i32
    %ne3A_124 = arith.constant 0 : i32
    %ne3A_125 = arith.cmpi ne, %rem3A_123, %ne3A_124 : i32
    %and3A_126 = arith.andi %ne3A_122, %ne3A_125 : i1
    %sub3A_127 = arith.constant 1 : i32
    %sub3A_128 = arith.subi %div3A_107, %sub3A_127 : i32
    %select_n3A_129 = arith.select %and3A_126, %sub3A_128, %div3A_107 : i32
    %jit3A_130 = arith.constant 2 : i32
    %div3A_131 = arith.divsi %max3A_83, %jit3A_130 : i32
    %sign3A_132 = arith.constant 0 : i32
    %sign3A_133 = arith.cmpi sgt, %max3A_83, %sign3A_132 : i32
    %sign3A_134 = arith.extui %sign3A_133 : i1 to i32
    %sign3A_135 = arith.constant 0 : i32
    %sign3A_136 = arith.cmpi slt, %max3A_83, %sign3A_135 : i32
    %sign3A_137 = arith.extui %sign3A_136 : i1 to i32
    %sign3A_138 = arith.subi %sign3A_134, %sign3A_137 : i32
    %sign3A_139 = arith.constant 0 : i32
    %sign3A_140 = arith.cmpi sgt, %jit3A_130, %sign3A_139 : i32
    %sign3A_141 = arith.extui %sign3A_140 : i1 to i32
    %sign3A_142 = arith.constant 0 : i32
    %sign3A_143 = arith.cmpi slt, %jit3A_130, %sign3A_142 : i32
    %sign3A_144 = arith.extui %sign3A_143 : i1 to i32
    %sign3A_145 = arith.subi %sign3A_141, %sign3A_144 : i32
    %ne3A_146 = arith.cmpi ne, %sign3A_138, %sign3A_145 : i32
    %rem3A_147 = arith.remsi %max3A_83, %jit3A_130 : i32
    %ne3A_148 = arith.constant 0 : i32
    %ne3A_149 = arith.cmpi ne, %rem3A_147, %ne3A_148 : i32
    %and3A_150 = arith.andi %ne3A_146, %ne3A_149 : i1
    %sub3A_151 = arith.constant 1 : i32
    %sub3A_152 = arith.subi %div3A_131, %sub3A_151 : i32
    %select_n3A_153 = arith.select %and3A_150, %sub3A_152, %div3A_131 : i32
    %sub3A_154 = arith.subi %select_n3A_104, %select_n3A_153 : i32
    %max3A_155 = arith.constant 0 : i32
    %max3A_156 = arith.maxsi %max3A_155, %sub3A_154 : i32
    %sub3A_157 = arith.subi %select_n3A_129, %select_n3A_153 : i32
    %max3A_158 = arith.constant 0 : i32
    %max3A_159 = arith.maxsi %max3A_158, %sub3A_157 : i32
    %add3A_160 = arith.addi %select_n3A_104, %select_n3A_153 : i32
    %min3A = arith.constant 512 : i32
    %min3A_161 = arith.minsi %min3A, %add3A_160 : i32
    %add3A_162 = arith.addi %select_n3A_129, %select_n3A_153 : i32
    %min3A_163 = arith.constant 512 : i32
    %min3A_164 = arith.minsi %min3A_163, %add3A_162 : i32
    %eq3A = arith.constant 0.000000e+00 : f32
    %eq3A_165 = arith.cmpf oeq, %reduce_sum3A_21, %eq3A : f32
    %jit3A_166 = arith.constant 2.560000e+02 : f32
    %select_n3A_167 = arith.select %eq3A_165, %jit3A_166, %div3A : f32
    %jit3A_168 = arith.constant 2.560000e+02 : f32
    %select_n3A_169 = arith.select %eq3A_165, %jit3A_168, %div3A_78 : f32
    %jit3A_170 = arith.constant 256 : i32
    %select_n3A_171 = arith.select %eq3A_165, %jit3A_170, %max3A_83 : i32
    %jit3A_172 = arith.constant 128 : i32
    %select_n3A_173 = arith.select %eq3A_165, %jit3A_172, %max3A_156 : i32
    %jit3A_174 = arith.constant 128 : i32
    %select_n3A_175 = arith.select %eq3A_165, %jit3A_174, %max3A_159 : i32
    %jit3A_176 = arith.constant 384 : i32
    %select_n3A_177 = arith.select %eq3A_165, %jit3A_176, %min3A_161 : i32
    %jit3A_178 = arith.constant 384 : i32
    %select_n3A_179 = arith.select %eq3A_165, %jit3A_178, %min3A_164 : i32
    %swap3A = arith.constant 0 : index
    %swap3A_180 = arith.constant 0 : index
    %swap3A_181 = arith.constant 0 : index
    %swap3A_182 = memref.load %arg2[%swap3A, %swap3A_180, %swap3A_181] : memref<1x1x16xf32, #tpu.memory_space<smem>>
    memref.store %select_n3A_167, %arg2[%swap3A, %swap3A_180, %swap3A_181] : memref<1x1x16xf32, #tpu.memory_space<smem>>
    %swap3A_183 = arith.constant 0 : index
    %swap3A_184 = arith.constant 0 : index
    %swap3A_185 = arith.constant 1 : index
    %swap3A_186 = memref.load %arg2[%swap3A_183, %swap3A_184, %swap3A_185] : memref<1x1x16xf32, #tpu.memory_space<smem>>
    memref.store %select_n3A_169, %arg2[%swap3A_183, %swap3A_184, %swap3A_185] : memref<1x1x16xf32, #tpu.memory_space<smem>>
    %convert_element_type3A_187 = arith.sitofp %select_n3A_171 : i32 to f32
    %swap3A_188 = arith.constant 0 : index
    %swap3A_189 = arith.constant 0 : index
    %swap3A_190 = arith.constant 2 : index
    %swap3A_191 = memref.load %arg2[%swap3A_188, %swap3A_189, %swap3A_190] : memref<1x1x16xf32, #tpu.memory_space<smem>>
    memref.store %convert_element_type3A_187, %arg2[%swap3A_188, %swap3A_189, %swap3A_190] : memref<1x1x16xf32, #tpu.memory_space<smem>>
    %convert_element_type3A_192 = arith.sitofp %select_n3A_173 : i32 to f32
    %swap3A_193 = arith.constant 0 : index
    %swap3A_194 = arith.constant 0 : index
    %swap3A_195 = arith.constant 3 : index
    %swap3A_196 = memref.load %arg2[%swap3A_193, %swap3A_194, %swap3A_195] : memref<1x1x16xf32, #tpu.memory_space<smem>>
    memref.store %convert_element_type3A_192, %arg2[%swap3A_193, %swap3A_194, %swap3A_195] : memref<1x1x16xf32, #tpu.memory_space<smem>>
    %convert_element_type3A_197 = arith.sitofp %select_n3A_175 : i32 to f32
    %swap3A_198 = arith.constant 0 : index
    %swap3A_199 = arith.constant 0 : index
    %swap3A_200 = arith.constant 4 : index
    %swap3A_201 = memref.load %arg2[%swap3A_198, %swap3A_199, %swap3A_200] : memref<1x1x16xf32, #tpu.memory_space<smem>>
    memref.store %convert_element_type3A_197, %arg2[%swap3A_198, %swap3A_199, %swap3A_200] : memref<1x1x16xf32, #tpu.memory_space<smem>>
    %convert_element_type3A_202 = arith.sitofp %select_n3A_177 : i32 to f32
    %swap3A_203 = arith.constant 0 : index
    %swap3A_204 = arith.constant 0 : index
    %swap3A_205 = arith.constant 5 : index
    %swap3A_206 = memref.load %arg2[%swap3A_203, %swap3A_204, %swap3A_205] : memref<1x1x16xf32, #tpu.memory_space<smem>>
    memref.store %convert_element_type3A_202, %arg2[%swap3A_203, %swap3A_204, %swap3A_205] : memref<1x1x16xf32, #tpu.memory_space<smem>>
    %convert_element_type3A_207 = arith.sitofp %select_n3A_179 : i32 to f32
    %swap3A_208 = arith.constant 0 : index
    %swap3A_209 = arith.constant 0 : index
    %swap3A_210 = arith.constant 6 : index
    %swap3A_211 = memref.load %arg2[%swap3A_208, %swap3A_209, %swap3A_210] : memref<1x1x16xf32, #tpu.memory_space<smem>>
    memref.store %convert_element_type3A_207, %arg2[%swap3A_208, %swap3A_209, %swap3A_210] : memref<1x1x16xf32, #tpu.memory_space<smem>>
    %swap3A_212 = arith.constant 0.000000e+00 : f32
    %swap3A_213 = arith.constant 0 : index
    %swap3A_214 = arith.constant 0 : index
    %swap3A_215 = arith.constant 7 : index
    %swap3A_216 = memref.load %arg2[%swap3A_213, %swap3A_214, %swap3A_215] : memref<1x1x16xf32, #tpu.memory_space<smem>>
    memref.store %swap3A_212, %arg2[%swap3A_213, %swap3A_214, %swap3A_215] : memref<1x1x16xf32, #tpu.memory_space<smem>>
    %swap3A_217 = arith.constant 0.000000e+00 : f32
    %swap3A_218 = arith.constant 0 : index
    %swap3A_219 = arith.constant 0 : index
    %swap3A_220 = arith.constant 8 : index
    %swap3A_221 = memref.load %arg2[%swap3A_218, %swap3A_219, %swap3A_220] : memref<1x1x16xf32, #tpu.memory_space<smem>>
    memref.store %swap3A_217, %arg2[%swap3A_218, %swap3A_219, %swap3A_220] : memref<1x1x16xf32, #tpu.memory_space<smem>>
    %swap3A_222 = arith.constant 0.000000e+00 : f32
    %swap3A_223 = arith.constant 0 : index
    %swap3A_224 = arith.constant 0 : index
    %swap3A_225 = arith.constant 9 : index
    %swap3A_226 = memref.load %arg2[%swap3A_223, %swap3A_224, %swap3A_225] : memref<1x1x16xf32, #tpu.memory_space<smem>>
    memref.store %swap3A_222, %arg2[%swap3A_223, %swap3A_224, %swap3A_225] : memref<1x1x16xf32, #tpu.memory_space<smem>>
    %swap3A_227 = arith.constant 0.000000e+00 : f32
    %swap3A_228 = arith.constant 0 : index
    %swap3A_229 = arith.constant 0 : index
    %swap3A_230 = arith.constant 10 : index
    %swap3A_231 = memref.load %arg2[%swap3A_228, %swap3A_229, %swap3A_230] : memref<1x1x16xf32, #tpu.memory_space<smem>>
    memref.store %swap3A_227, %arg2[%swap3A_228, %swap3A_229, %swap3A_230] : memref<1x1x16xf32, #tpu.memory_space<smem>>
    %swap3A_232 = arith.constant 0.000000e+00 : f32
    %swap3A_233 = arith.constant 0 : index
    %swap3A_234 = arith.constant 0 : index
    %swap3A_235 = arith.constant 11 : index
    %swap3A_236 = memref.load %arg2[%swap3A_233, %swap3A_234, %swap3A_235] : memref<1x1x16xf32, #tpu.memory_space<smem>>
    memref.store %swap3A_232, %arg2[%swap3A_233, %swap3A_234, %swap3A_235] : memref<1x1x16xf32, #tpu.memory_space<smem>>
    %swap3A_237 = arith.constant 0.000000e+00 : f32
    %swap3A_238 = arith.constant 0 : index
    %swap3A_239 = arith.constant 0 : index
    %swap3A_240 = arith.constant 12 : index
    %swap3A_241 = memref.load %arg2[%swap3A_238, %swap3A_239, %swap3A_240] : memref<1x1x16xf32, #tpu.memory_space<smem>>
    memref.store %swap3A_237, %arg2[%swap3A_238, %swap3A_239, %swap3A_240] : memref<1x1x16xf32, #tpu.memory_space<smem>>
    %swap3A_242 = arith.constant 0.000000e+00 : f32
    %swap3A_243 = arith.constant 0 : index
    %swap3A_244 = arith.constant 0 : index
    %swap3A_245 = arith.constant 13 : index
    %swap3A_246 = memref.load %arg2[%swap3A_243, %swap3A_244, %swap3A_245] : memref<1x1x16xf32, #tpu.memory_space<smem>>
    memref.store %swap3A_242, %arg2[%swap3A_243, %swap3A_244, %swap3A_245] : memref<1x1x16xf32, #tpu.memory_space<smem>>
    %swap3A_247 = arith.constant 0.000000e+00 : f32
    %swap3A_248 = arith.constant 0 : index
    %swap3A_249 = arith.constant 0 : index
    %swap3A_250 = arith.constant 14 : index
    %swap3A_251 = memref.load %arg2[%swap3A_248, %swap3A_249, %swap3A_250] : memref<1x1x16xf32, #tpu.memory_space<smem>>
    memref.store %swap3A_247, %arg2[%swap3A_248, %swap3A_249, %swap3A_250] : memref<1x1x16xf32, #tpu.memory_space<smem>>
    %swap3A_252 = arith.constant 0.000000e+00 : f32
    %swap3A_253 = arith.constant 0 : index
    %swap3A_254 = arith.constant 0 : index
    %swap3A_255 = arith.constant 15 : index
    %swap3A_256 = memref.load %arg2[%swap3A_253, %swap3A_254, %swap3A_255] : memref<1x1x16xf32, #tpu.memory_space<smem>>
    memref.store %swap3A_252, %arg2[%swap3A_253, %swap3A_254, %swap3A_255] : memref<1x1x16xf32, #tpu.memory_space<smem>>
    return
  }
  func.func @transform_0(%arg0: i32) -> (i32, i32, i32) {
    %add3A = arith.constant 4 : i32
    %add3A_0 = arith.addi %arg0, %add3A : i32
    %c0_i32 = arith.constant 0 : i32
    %c0_i32_1 = arith.constant 0 : i32
    %c0_i32_2 = arith.constant 0 : i32
    return %add3A_0, %c0_i32, %c0_i32_1 : i32, i32, i32
  }
  func.func @transform_1(%arg0: i32) -> (i32, i32, i32) {
    %c0_i32 = arith.constant 0 : i32
    %c0_i32_0 = arith.constant 0 : i32
    %c0_i32_1 = arith.constant 0 : i32
    return %arg0, %c0_i32, %c0_i32_0 : i32, i32, i32
  }
}

</mosaic_0001>

<sc_bundles>
// kernel: kernel.4.cloned.1.call-start
scs
__scs_entry_jumppad:
0x0: {  	(pc) =	sbr.rel $0x88, $3  }
0x1: {  	(tag) =	ssettag $0x0;
	lr =	simm.s32 $0x1  }
0x2: {  	[smem:$0x3FA0] =	sst lr;
	_ =	strace $0xD0000000  }
0x3: {  	_ = 	snop  }
0x4: {  	_ = 	snop  }
0x5: {  	_ = 	snop  }
0x6: {  	_ = 	snop  }
0x7: {  	_ = 	snop  }
__scs_overlays_trampoline_lowered:
0x8: {  	[smem:$0x3FAF] =	sst s0  }
0x9: {  	[smem:$0x3FB0] =	sst s1  }
0xa: {  	[smem:$0x3FB1] =	sst s2  }
0xb: {  	[smem:$0x3FB2] =	sst s3  }
0xc: {  	[smem:$0x3FB3] =	sst s4  }
0xd: {  	[smem:$0x3FB4] =	sst s5  }
0xe: {  	[smem:$0x3FB5] =	sst s6  }
0xf: {  	[smem:$0x3FB6] =	sst s7  }
0x10: {  	[smem:$0x3FB7] =	sst s8  }
0x11: {  	[smem:$0x3FB8] =	sst s9;
	s0 =	simm.s32 @!p0 $0x0  }
0x12: {  	s1 =	sld [smem:$0x3F9E];
	s0 =	simm.s32 @p0 $0x1  }
0x13: {  	[smem:$0x3FB9] =	sst s0;
	s0 =	simm.s32 @!p1 $0x0  }
0x14: {  	s2 =	sld [smem:$0x3F9D];
	s0 =	simm.s32 @p1 $0x1  }
0x15: {  	[smem:$0x3FBA] =	sst s0;
	s0 =	simm.s32 @!p2 $0x0  }
0x16: {  	s3 =	sld [smem:$0x3FDB];
	s0 =	simm.s32 @p2 $0x1  }
0x17: {  	s4 =	simm.s32 $0x1BF5;
	[smem:$0x3FBC] =	sst s0  }
0x18: {  	s0 =	sld [smem:$0x3F9F];
	_ =	swait.ge [sflag:s4], $0x0  }
0x19: {  	s7 =	sld [smem:$0x3FA0]  }
0x1a: {  	s8 =	sadd.s32 $0xFFFFE003, lr  }
0x1b: {  	s9 =	sadd.s32 $0xFFFFFEF7, lr;
	s5 =	simm.s32 $0xFFFFFFFF;
	p2 =	slt.u32 s8, $0xFFFFF086  }
0x1c: {  	p1 =	slt.u32 s9, $0xF7A;
	s5 =	simm.s32 @!p2 $0x0  }
0x1d: {  	s5 =	simm.s32 @p1 $0x1;
	p0 =	seq.s32 s7, s2  }
0x1e: {  	s7 =	smul.u32 @!p0 $0xF7A, s2;
	p2 =	seq.s32 @!p0 s5, $0x0  }
0x1f: {  	s9 =	smul.u32 $0xF7A, s1;
	s8 =	simm.s32 @!p0 $0x1BF5;
	p2 =	por !p2, p0  }
0x20: {  	[sflag:s8] =	ssyncset.s32 @!p0 $0xFFFFF086;
	s6 =	sadd.s32 @!p0 s3, s7;
	s7 =	simm.s32 @!p0 $0x108  }
0x21: {  	s3 =	sadd.s32 s3, s9;
	s6 =	sadd.s32 @!p0 $0x88, s6;
	s7 =	simm.s32 @p2 $0x1082  }
0x22: {  	[simem:s7], [sflag:s8] =	dma.local @!p0 [hbm:s6], $0xF7A  }
0x23: {  	s9 =	sor.u32 $0xD0000000, s2;
	s6 =	simm.s32 $0x108;
	_ =	swait.ge @!p0 [sflag:s8], $0x0  }
0x24: {  	s3 =	sadd.s32 $0x88, s3;
	s6 =	simm.s32 @!p1 $0x1082;
	[sflag:s4] =	ssyncset.s32 $0xFFFFF086  }
0x25: {  	[simem:s6], [sflag:s4] =	dma.local [hbm:s3], $0xF7A  }
0x26: {  	[smem:$0x3FA0] =	sst s1;
	(tag) =	ssettag s2;
	_ =	strace s9  }
0x27: {  	s1 =	sld [smem:$0x3FB0]  }
0x28: {  	s2 =	sld [smem:$0x3FB1]  }
0x29: {  	s4 =	sld [smem:$0x3FB3]  }
0x2a: {  	p0 =	seq.s32 s5, $0x0;
	s5 =	sld [smem:$0x3FB4]  }
0x2b: {  	s6 =	sld [smem:$0x3FB5]  }
0x2c: {  	s7 =	sld [smem:$0x3FB6]  }
0x2d: {  	s3 =	simm.s32 $0x108;
	s8 =	sld [smem:$0x3FB7]  }
0x2e: {  	s3 =	simm.s32 @!p0 $0x1082;
	s9 =	sld [smem:$0x3FB8]  }
0x2f: {  	lr =	sadd.s32 s0, s3;
	s0 =	sld [smem:$0x3FAF]  }
0x30: {  	s3 =	sld [smem:$0x3FB2]  }
0x31: {  	[smem:$0x3FBB] =	sst s10  }
0x32: {  	s10 =	sld [smem:$0x3FB9];
	_ =	sdelay $0x3  }
0x33: {  	p0 =	seq.s32 s10, $0x1;
	s10 =	sld [smem:$0x3FBB];
	_ =	sdelay $0x3  }
0x34: {  	[smem:$0x3FBB] =	sst s10  }
0x35: {  	s10 =	sld [smem:$0x3FBA];
	_ =	sdelay $0x3  }
0x36: {  	p1 =	seq.s32 s10, $0x1;
	s10 =	sld [smem:$0x3FBB];
	_ =	sdelay $0x3  }
0x37: {  	[smem:$0x3FBB] =	sst s10  }
0x38: {  	s10 =	sld [smem:$0x3FBC]  }
0x39: {  	_ = 	snop;
	(pc) =	sbr.ind lr, $3  }
0x3a: {  	_ = 	snop  }
0x3b: {  	_ = 	snop  }
0x3c: {  	p2 =	seq.s32 s10, $0x1;
	s10 =	sld [smem:$0x3FBB]  }
0x3d: {  	_ =	shalt  }
0x3e: {  	_ =	shalt  }
0x3f: {  	_ =	shalt  }
0x40: {  	_ =	shalt  }
0x41: {  	_ =	shalt  }
0x42: {  	_ =	shalt  }
0x43: {  	_ =	shalt  }
0x44: {  	_ =	shalt  }
0x45: {  	_ =	shalt  }
0x46: {  	_ =	shalt  }
0x47: {  	_ =	shalt  }
0x48: {  	_ =	shalt  }
0x49: {  	_ =	shalt  }
0x4a: {  	_ =	shalt  }
0x4b: {  	_ =	shalt  }
0x4c: {  	_ =	shalt  }
0x4d: {  	_ =	shalt  }
0x4e: {  	_ =	shalt  }
0x4f: {  	_ =	shalt  }
0x50: {  	_ =	shalt  }
0x51: {  	_ =	shalt  }
0x52: {  	_ =	shalt  }
0x53: {  	_ =	shalt  }
0x54: {  	_ =	shalt  }
0x55: {  	_ =	shalt  }
0x56: {  	_ =	shalt  }
0x57: {  	_ =	shalt  }
0x58: {  	_ =	shalt  }
0x59: {  	_ =	shalt  }
0x5a: {  	_ =	shalt  }
0x5b: {  	_ =	shalt  }
0x5c: {  	_ =	shalt  }
0x5d: {  	_ =	shalt  }
0x5e: {  	_ =	shalt  }
0x5f: {  	_ =	shalt  }
0x60: {  	_ =	shalt  }
0x61: {  	_ =	shalt  }
0x62: {  	_ =	shalt  }
0x63: {  	_ =	shalt  }
0x64: {  	_ =	shalt  }
0x65: {  	_ =	shalt  }
0x66: {  	_ =	shalt  }
0x67: {  	_ =	shalt  }
0x68: {  	_ =	shalt  }
0x69: {  	_ =	shalt  }
0x6a: {  	_ =	shalt  }
0x6b: {  	_ =	shalt  }
0x6c: {  	_ =	shalt  }
0x6d: {  	_ =	shalt  }
0x6e: {  	_ =	shalt  }
0x6f: {  	_ =	shalt  }
0x70: {  	_ =	shalt  }
0x71: {  	_ =	shalt  }
0x72: {  	_ =	shalt  }
0x73: {  	_ =	shalt  }
0x74: {  	_ =	shalt  }
0x75: {  	_ =	shalt  }
0x76: {  	_ =	shalt  }
0x77: {  	_ =	shalt  }
0x78: {  	_ =	shalt  }
0x79: {  	_ =	shalt  }
0x7a: {  	_ =	shalt  }
0x7b: {  	_ =	shalt  }
0x7c: {  	_ =	shalt  }
0x7d: {  	_ =	shalt  }
0x7e: {  	_ =	shalt  }
0x7f: {  	_ =	shalt  }
0x80: {  	_ =	shalt  }
0x81: {  	_ =	shalt  }
0x82: {  	_ =	shalt  }
0x83: {  	_ =	shalt  }
0x84: {  	_ =	shalt  }
0x85: {  	_ =	shalt  }
0x86: {  	_ =	shalt  }
0x87: {  	_ =	shalt  }
.Lfunc_end0:
.L_simem_size_0:
called_computation_lowered:
.L_overlay_start_0:
0x88: {  	s2 =	sld [smem:$0x3FD9]  }
0x89: {  	s3 =	sld [smem:$0x3FFE];
	_ =	sdelay $0x1  }
0x8a: {  	s1 =	srdreg.scid  }
0x8b: {  	s0 =	sand.u32 $0x1, s1  }
0x8c: {  	s14 =	sshll.u32 s0, $0xA;
	s2 =	sadd.s32 s3, s2  }
0x8d: {  	s2 =	sadd.s32 s2, s14  }
0x8e: {  	[smem:$0x3FC7] =	sst s2  }
0x8f: {  	_ = 	snop  }
0x90: {  	s2 =	sld [smem:$0x3FD0];
	_ =	sdelay $0x2  }
0x91: {  	s4 =	simm.s32 $0xA;
	s5 =	simm.s32 $0x10;
	s15 =	sld [smem:$0x3FC9]  }
0x92: {  	[smem:s5], [sflag:s4] =	dma.local [hbm:s2], $0x1  }
0x93: {  	_ =	swait.eq [sflag:s4], $0x1  }
0x94: {  	[sflag:s4] =	ssyncset.done $0x0  }
0x95: {  	[sflag:s4] =	ssyncadd.s32 $0xFFFFFFFF  }
0x96: {  	s16 =	sld [smem:$0x12];
	(tm) =	ssettm $0x1  }
0x97: {  	s17 =	sld [smem:$0x3FFB];
	_ =	sdelay $0x3  }
0x98: {  	_ =	strace s17  }
0x99: {  	s4 =	sld [smem:$0x3FFC];
	_ =	sdelay $0x3  }
0x9a: {  	_ =	strace s4  }
0x9b: {  	s4 =	sld [smem:$0x3FFD];
	_ =	sdelay $0x3  }
0x9c: {  	_ =	strace s4  }
0x9d: {  	_ =	strace $0x8FFFFFFF  }
0x9e: {  	s18 =	sld [smem:$0x3FDB];
	_ =	sdelay $0x1  }
0x9f: {  	s19 =	simm.s32 $_scs_section_size  }
0xa0: {  	s6 =	simm.s32 $_size__tile_overlayer_lowered;
	s7 =	simm.s32 $_tile_overlayer_lowered  }
0xa1: {  	s22 =	simm.s32 $0x1BFF;
	s21 =	sshll.u32 s7, $0x1;
	s4 =	sadd.s32 s19, s18  }
0xa2: {  	s8 =	simm.s32 $0x0;
	s20 =	sshll.u32 s6, $0x1;
	s6 =	sadd.s32 s21, s4  }
0xa3: {  	[timem:s8], [sflag:s22] =	dma.local [hbm:s6], s20  }
0xa4: {  	_ =	swait.ge [sflag:s22], s20  }
0xa5: {  	s5 =	ssub.s32 $0x0, s20;
	[sflag:s22] =	ssyncset.done $0x0  }
0xa6: {  	[sflag:s22] =	ssyncadd.s32 s5;
	_ =	sdelay $0x1  }
0xa7: {  	s23 =	simm.s32 $0x1B8B  }
0xa8: {  	_ =	swait.ge [sflag:s23], $0x1  }
0xa9: {  	[sflag:s23] =	ssyncset.done $0x0  }
0xaa: {  	s25 =	simm.s32 $0x1B8E;
	s24 =	sld [smem:$0x3FFE];
	[sflag:s23] =	ssyncadd.s32 $0xFFFFFFFF  }
0xab: {  	s26 =	simm.s32 $execute0_lowered;
	[smem:$0x3FD2] =	sst s25  }
0xac: {  	s6 =	sshll.u32 s26, $0x1;
	_ =	strace $0x80000046;
	[dreg:$0x1] =	wrdreg $0xFFFFFFFF  }
0xad: {  	s28 =	simm.s32 $_size_execute0_lowered;
	s4 =	sadd.s32 s4, s6;
	[dreg:$0x0] =	wrdreg $0x0  }
0xae: {  	s6 =	sshll.u32 s28, $0x1;
	[dreg:$0x2] =	wrdreg s4  }
0xaf: {  	[dreg:$0x3] =	wrdreg s6  }
0xb0: {  	[dreg:$0x4] =	wrdreg $0xC0  }
0xb1: {  	_ =	task [dreg:s8], $0x5FFFF  }
0xb2: {  	[dreg:$0x1] =	wrdreg $0xFFFFFFFF  }
0xb3: {  	[dreg:$0x0] =	wrdreg $0x60  }
0xb4: {  	[dreg:$0x2] =	wrdreg s15  }
0xb5: {  	[dreg:$0x3] =	wrdreg s16  }
0xb6: {  	[dreg:$0x4] =	wrdreg s24  }
0xb7: {  	[dreg:$0x5] =	wrdreg $0x9  }
0xb8: {  	_ =	task.clear_ibuf [dreg:s8], $0x6FFFF;
	_ =	strace $0x90000046  }
0xb9: {  	s29 =	simm.s32 $0x9;
	_ =	strace $0x80000048  }
0xba: {  	_ =	swait.ge [sflag:s29], $0x1  }
0xbb: {  	[sflag:s29] =	ssyncadd.s32 $0xFFFFFFFF  }
0xbc: {  	_ =	strace $0x90000048  }
0xbd: {  	_ =	sfence  }
0xbe: {  	s30 =	sld [smem:$0x0];
	_ =	sdelay $0x2  }
0xbf: {  	s31 =	sshll.u32 s1, $0xD;
	s1 =	sshrl.u32 s1, $0x2  }
0xc0: {  	s3 =	sand.u32 $0x4000, s31;
	s1 =	sadd.s32 s1, s30  }
0xc1: {  	s0 =	sor.u32 s3, s0;
	s1 =	sshll.u32 s1, $0x11  }
0xc2: {  	s0 =	sor.u32 s1, s0  }
0xc3: {  	s0 =	sadd.s32 $0x8F2B, s0  }
0xc4: {  	[sflag:s0] =	ssyncadd.remote.s32 $0x1  }
0xc5: {  	_ =	sfence.sel $0xFFFF  }
0xc6: {  	[dreg:$0x0] =	wrdreg $0xFFFFFFFF;
	(pc) =	sbr.abs _section_cstart, $3  }
0xc7: {  	[dreg:$0x1] =	wrdreg $0xFFFFFFFF  }
0xc8: {  	_ =	task.clear_ibuf [dreg:s8], $0x2FFFF;
	_ =	strace $0x9FFFFFFF  }
0xc9: {  	(tm) =	ssettm $0x7FFFFFFF  }
tec
execute0_lowered:
.L_overlay_start_1:
0x0: {  	(tag) =	ssettag $0x1  }
0x1: {  	v8 =	vlaneseq.u32  }
0x2: {  	v1 =	vor.u32 $0x10, v8  }
0x3: {  	v2 =	vor.u32 $0x180, v8;
	[tilespmem:$0x1FDD0] =	vst v1  }
0x4: {  	v3 =	vor.u32 $0x1C0, v8;
	[tilespmem:$0x1FF40] =	vst v2  }
0x5: {  	v1 =	vor.u32 $0x20, v8;
	[tilespmem:$0x1FF80] =	vst v3  }
0x6: {  	v2 =	vor.u32 $0x190, v8;
	[tilespmem:$0x1FDE0] =	vst v1  }
0x7: {  	v1 =	vor.u32 $0x30, v8;
	[tilespmem:$0x1FF50] =	vst v2  }
0x8: {  	v2 =	vor.u32 $0x1A0, v8;
	[tilespmem:$0x1FDF0] =	vst v1  }
0x9: {  	v1 =	vor.u32 $0x40, v8;
	[tilespmem:$0x1FF60] =	vst v2  }
0xa: {  	[tilespmem:$0x1FE00] =	vst v1;
	v1 =	vor.u32 $0x50, v8  }
0xb: {  	[tilespmem:$0x1FE10] =	vst v1;
	v1 =	vor.u32 $0x60, v8  }
0xc: {  	[tilespmem:$0x1FE20] =	vst v1;
	v1 =	vor.u32 $0x70, v8  }
0xd: {  	[tilespmem:$0x1FE30] =	vst v1;
	v1 =	vor.u32 $0x80, v8  }
0xe: {  	[tilespmem:$0x1FE40] =	vst v1;
	v1 =	vor.u32 $0x90, v8  }
0xf: {  	[tilespmem:$0x1FE50] =	vst v1;
	v1 =	vor.u32 $0xA0, v8  }
0x10: {  	[tilespmem:$0x1FE60] =	vst v1;
	v1 =	vor.u32 $0xB0, v8  }
0x11: {  	[tilespmem:$0x1FE70] =	vst v1;
	v1 =	vor.u32 $0xC0, v8  }
0x12: {  	[tilespmem:$0x1FE80] =	vst v1;
	v1 =	vor.u32 $0xD0, v8  }
0x13: {  	[tilespmem:$0x1FE90] =	vst v1;
	v1 =	vor.u32 $0xE0, v8  }
0x14: {  	[tilespmem:$0x1FEA0] =	vst v1;
	v1 =	vor.u32 $0xF0, v8  }
0x15: {  	[tilespmem:$0x1FEB0] =	vst v1;
	v1 =	vor.u32 $0x100, v8  }
0x16: {  	s5 =	rddreg [dreg:$0x0];
	[tilespmem:$0x1FEC0] =	vst v1;
	v1 =	vor.u32 $0x110, v8  }
0x17: {  	s9 =	rddreg [dreg:$0x1];
	[tilespmem:$0x1FED0] =	vst v1;
	v1 =	vor.u32 $0x120, v8  }
0x18: {  	s4 =	rddreg [dreg:$0x2];
	v4 =	vimm.s32 $0x32107654;
	v5 =	vimm.s32 $0xDCFE98BA;
	[tilespmem:$0x1FEE0] =	vst v1;
	v1 =	vor.u32 $0x130, v8  }
0x19: {  	s0 =	srdreg.scid;
	s2 =	rddreg [dreg:$0x3];
	v6 =	vimm.s32 $0x54761032;
	v7 =	vimm.s32 $0xEFCDAB89;
	[tilespmem:$0x1FEF0] =	vst v1;
	v1 =	vor.u32 $0x140, v8  }
0x1a: {  	s8 =	simm.s32 $0x1;
	v30 =	vimm.s32 $0x67452301;
	s13 =	simm.s32 $0x2;
	s14 =	simm.s32 $0x8200;
	v4 =	vunpack.c.l.s4.s8 v4;
	[tilespmem:$0x1FF00] =	vst v1;
	v1 =	vor.u32 $0x150, v8  }
0x1b: {  	s15 =	simm.s32 $0x3;
	s16 =	simm.s32 $0x8600;
	s17 =	simm.s32 $0xA200;
	v5 =	vunpack.c.l.s4.s8 v5;
	v6 =	vunpack.c.l.s4.s8 v6;
	[tilespmem:$0x1FF10] =	vst v1;
	v1 =	vor.u32 $0x160, v8  }
0x1c: {  	s18 =	simm.s32 $0x0;
	s3 =	sand.u32 $0x1, s0;
	s0 =	stileid.u32;
	v7 =	vunpack.c.l.s4.s8 v7;
	v30 =	vunpack.c.l.s4.s8 v30;
	[tilespmem:$0x1FF20] =	vst v1;
	v1 =	vor.u32 $0x170, v8  }
0x1d: {  	v59 =	vor.u32 $0x1D0, v8;
	s1 =	sshll.u32 s3, $0x4;
	s7 =	sand.u32 $0x7, s0;
	s3 =	ssub.s32 $0x2, s3;
	v2 =	vor.u32 $0x1B0, v8;
	[tilespmem:$0x1FF30] =	vst v1;
	v1 =	vimm.s32 $0xFEDCBA98  }
0x1e: {  	v3 =	vimm.s32 $0xBA98FEDC;
	s6 =	sor.u32 s0, s1;
	s1 =	simm.s32 $0x0;
	p0 =	sne.s32 s7, $0x0;
	[tilespmem:$0x1FF70] =	vst v2;
	v2 =	vimm.s32 $0x76543210;
	v1 =	vunpack.c.l.s4.s8 v1  }
0x1f: {  	v62 =	vor.u32 $0x1E0, v8;
	v3 =	vunpack.c.l.s4.s8 v3;
	s11 =	sshll.u32 s7, $0xC;
	s26 =	sshrl.u32 s3, $0x1;
	p1 =	seq.s32 s6, $0x0;
	v2 =	vunpack.c.l.s4.s8 v2  }
0x20: {  	v63 =	vor.u32 $0x1F0, v8;
	v4 =	vunpack.c.0.s8.s32 v4;
	[smem:$0x7FF] =	sst s1;
	s10 =	sshrl.u32 s6, $0x3;
	p1 =	por !p0, !p1;
	v1 =	vunpack.c.0.s8.s32 v1  }
0x21: {  	v5 =	vunpack.c.0.s8.s32 v5;
	s6 =	sshll.u32 s6, $0x7;
	s29 =	ssub.s32 s3, s26;
	v3 =	vunpack.c.0.s8.s32 v3;
	p1 =	por !p1, !p1;
	v2 =	vunpack.c.0.s8.s32 v2  }
0x22: {  	v6 =	vunpack.c.0.s8.s32 v6;
	v7 =	vunpack.c.0.s8.s32 v7;
	s3 =	simm.s32 $0x1;
	s8 =	simm.s32 @!p1 $0x0;
	_ =	strace $0x80000047;
	[tilespmem:$0x1FF90] =	vst v59;
	v1 =	vand.u32 $0xF, v1  }
0x23: {  	v31 =	vunpack.c.0.s8.s32 v30;
	s12 =	sadd.s32 s6, s4;
	s4 =	sshll.u32 s7, $0x6;
	v3 =	vcombine.low v4, v3;
	s8 =	ssub.s32 s10, s8;
	[tilespmem:$0x1FFA0] =	vst v62;
	v1 =	vcombine.low v1, v2  }
.Ltmp0:
0x24: {  	v60 =	vcombine.low v6, v5;
	s10 =	sshll.u32 s8, $0xF;
	s8 =	sshll.u32 s8, $0x4;
	[tilespmem:$0x1FFB0] =	vst v63;
	(pc) =	sbr.rel .LBB2_1-.Ltmp0, $4  }
0x25: {  	v61 =	vcombine.low v31, v7;
	s7 =	sadd.s32 $0x600, s12;
	s28 =	sor.u32 s11, s10;
	s31 =	sand.u32 $0x1FFFFFF0, s8;
	[tilespmem:$0x1FFC0] =	vst v1;
	v1 =	vand.u32 $0xF, v3  }
0x26: {  	s8 =	sadd.s32 $0x680, s12;
	s10 =	smax.u32 s29, $0x1;
	s11 =	sand.u32 $0x1FFFF000, s28;
	[tilespmem:$0x1FFD0] =	vst v1;
	v1 =	vand.u32 $0xF, v60  }
0x27: {  	s12 =	simm.s32 $0x4000;
	s9 =	sadd.s32 s9, s31;
	s30 =	sadd.s32 s11, s5;
	[tilespmem:$0x1FFE0] =	vst v1;
	v1 =	vand.u32 $0xF, v61  }
0x28: {  	v0 =	vimm.s32 $0x0;
	s5 =	sadd.s32 s5, s28;
	s11 =	sor.u32 $0x20, s4;
	s6 =	sadd.s32 $0x800, s30;
	[tilespmem:$0x1FFF0] =	vst v1  }
.LBB2_11:
0x29: {  	s18 =	sadd.s32 $0x1, s18  }
0x2a: {  	p1 =	sne.s32 s18, s10  }
.Ltmp1:
0x2b: {  	_ = 	snop;
	(pc) =	sbr.rel @!p1 .LBB2_12-.Ltmp1, $1  }
0x2c: {  	_ =	sdelay $0x3  }
.LBB2_1:
0x2d: {  	[tilespmem:$0x8000] =	vst v0  }
0x2e: {  	[tilespmem:$0x8010] =	vst v0  }
0x2f: {  	[tilespmem:$0x8020] =	vst v0  }
0x30: {  	[tilespmem:$0x8030] =	vst v0  }
0x31: {  	[tilespmem:$0x8040] =	vst v0  }
0x32: {  	[tilespmem:$0x8050] =	vst v0  }
0x33: {  	[tilespmem:$0x8060] =	vst v0  }
0x34: {  	[tilespmem:$0x8070] =	vst v0  }
0x35: {  	[tilespmem:$0x8080] =	vst v0  }
0x36: {  	[tilespmem:$0x8090] =	vst v0  }
0x37: {  	[tilespmem:$0x80A0] =	vst v0  }
0x38: {  	[tilespmem:$0x80B0] =	vst v0  }
0x39: {  	[tilespmem:$0x80C0] =	vst v0  }
0x3a: {  	[tilespmem:$0x80D0] =	vst v0  }
0x3b: {  	[tilespmem:$0x80E0] =	vst v0  }
0x3c: {  	[tilespmem:$0x80F0] =	vst v0  }
0x3d: {  	[tilespmem:$0x8100] =	vst v0  }
0x3e: {  	[tilespmem:$0x8110] =	vst v0  }
0x3f: {  	[tilespmem:$0x8120] =	vst v0  }
0x40: {  	[tilespmem:$0x8130] =	vst v0  }
0x41: {  	[tilespmem:$0x8140] =	vst v0  }
0x42: {  	[tilespmem:$0x8150] =	vst v0  }
0x43: {  	[tilespmem:$0x8160] =	vst v0  }
0x44: {  	[tilespmem:$0x8170] =	vst v0  }
0x45: {  	[tilespmem:$0x8180] =	vst v0  }
0x46: {  	[tilespmem:$0x8190] =	vst v0  }
0x47: {  	[tilespmem:$0x81A0] =	vst v0  }
0x48: {  	[tilespmem:$0x81B0] =	vst v0  }
0x49: {  	[tilespmem:$0x81C0] =	vst v0  }
0x4a: {  	[tilespmem:$0x81D0] =	vst v0  }
0x4b: {  	[tilespmem:$0x81E0] =	vst v0  }
0x4c: {  	[tilespmem:$0x81F0] =	vst v0  }
0x4d: {  	[tilespmem:s1], [sflag:$0x1] =	stream.linear.gather [hbm4b:s5+s1], $0x4000, $0x38;
	[tilespmem:$0xA280] =	vst v63  }
0x4e: {  	_ = 	snop  }
0x4f: {  	[tilespmem:s12], [sflag:$0x2] =	stream.linear.gather [hbm4b:s6+s1], $0x4000, $0x38;
	[tilespmem:$0xA280] =	vst v63  }
0x50: {  	_ =	swait.ge [sflag:s3], $0x4000  }
0x51: {  	[sflag:s3] =	ssyncset.done $0x0  }
0x52: {  	v38 =	vimm.s32 $0x400;
	v37 =	vimm.s32 $0xFFFFFFFF;
	v39 =	vimm.s32 $0x0;
	s19 =	simm.s32 $0x0;
	[sflag:s3] =	ssyncadd.s32 $0xFFFFC000  }
.LBB2_2:
0x53: {  	s20 =	sshll.u32 s19, $0x9;
	s21 =	sshll.u32 s19, $0x7;
	s22 =	simm.s32 $0x0  }
0x54: {  	s20 =	sand.u32 $0x3000, s20;
	s21 =	sand.u32 $0x380, s21;
	s22 =	sand.u32 $0x3000, s22  }
0x55: {  	s30 =	simm.s32 $0x0;
	s21 =	sor.u32 s21, s20;
	s22 =	sshrl.u32 s22, $0x2  }
0x56: {  	s20 =	sand.u32 $0x70, s30;
	s22 =	sadd.s32 s22, s21  }
0x57: {  	s20 =	sadd.s32 s20, s22  }
0x58: {  	v1 =	vld [tilespmem:s20+$0x0];
	_ =	sdelay $0x2  }
0x59: {  	s22 =	simm.s32 $0x200  }
0x5a: {  	s31 =	sand.u32 $0x3000, s22  }
0x5b: {  	s23 =	simm.s32 $0x10;
	s25 =	sshrl.u32 s31, $0x2;
	vm0 =	vgt.f32 v1, $5.000000000e-01  }
0x5c: {  	s24 =	sand.u32 $0x70, s23;
	s20 =	simm.s32 $0x8000;
	s25 =	sadd.s32 s25, s21;
	v1 =	vimm.s32 $0x0;
	v2 =	vsel vm0, $0x1, v0  }
.LBB2_3:
0x5d: {  	s23 =	sadd.s32 $0x10, s23;
	s24 =	sadd.s32 s24, s25;
	[tilespmem:s20+$0x0] =	vst.add.s32.msk $0xffff, v2;
	v1 =	vadd.s32 v2, v1;
	s20 =	sadd.s32 $0x10, s20  }
0x5e: {  	p1 =	slt.u32 s23, $0x1F0;
	v2 =	vld [tilespmem:s24+$0x0];
	_ =	sdelay $0x1  }
.Ltmp2:
0x5f: {  	(pc) =	sbr.rel @p1 .LBB2_3-.Ltmp2, $4  }
0x60: {  	s22 =	sadd.s32 $0x200, s22  }
0x61: {  	s24 =	sand.u32 $0x3000, s22  }
0x62: {  	s25 =	sshrl.u32 s24, $0x2;
	vm0 =	vgt.f32 v2, $5.000000000e-01  }
0x63: {  	s24 =	sand.u32 $0x70, s23;
	s25 =	sadd.s32 s25, s21;
	v2 =	vsel vm0, $0x1, v0  }
0x64: {  	s21 =	sadd.s32 s24, s25;
	[tilespmem:s20+$0x0] =	vst.add.s32.msk $0xffff, v2  }
0x65: {  	v3 =	vld [tilespmem:s21+$0x0];
	_ =	sdelay $0x4  }
0x66: {  	s30 =	sor.u32 s4, s19;
	s19 =	sadd.s32 $0x1, s19;
	vm0 =	vgt.f32 v3, $5.000000000e-01  }
0x67: {  	v1 =	vadd.s32 v2, v1;
	p1 =	sne.s32 s19, $0x20;
	v2 =	vsel vm0, $0x1, v0  }
.Ltmp3:
0x68: {  	v1 =	vadd.s32 v2, v1;
	(pc) =	sbr.rel @p1 .LBB2_2-.Ltmp3, $4  }
0x69: {  	v3 =	vmov s30;
	vm15 =	vgt.s32 v1, $0x0  }
0x6a: {  	v1 =	vmul.u32 s30, v1;
	v3 =	vnsel vm15, $0x400, v3  }
0x6b: {  	s31 =	sadd.s32 $0x10, s20;
	vm1 =	vlt.s32 v38, v3  }
0x6c: {  	[tilespmem:s31+$0x0] =	vst.add.s32.msk $0xffff, v2;
	v37 =	vsel vm15, s30, v37;
	v39 =	vadd.s32 v39, v1;
	v38 =	vsel vm1, v38, v3  }
0x6d: {  	_ =	swait.ge [sflag:s13], $0x4000  }
0x6e: {  	[sflag:s13] =	ssyncset.done $0x0  }
0x6f: {  	s19 =	simm.s32 $0x0;
	s20 =	simm.s32 $0x0;
	[sflag:s13] =	ssyncadd.s32 $0xFFFFC000  }
.LBB2_6:
0x70: {  	s21 =	sshll.u32 s20, $0x9;
	s22 =	sshll.u32 s20, $0x7  }
0x71: {  	s21 =	sand.u32 $0x3000, s21;
	s22 =	sand.u32 $0x380, s22  }
0x72: {  	s23 =	sand.u32 $0x3000, s19;
	s21 =	sor.u32 s22, s21  }
0x73: {  	s30 =	simm.s32 $0x0;
	s23 =	sshrl.u32 s23, $0x2;
	s22 =	sor.u32 $0x4000, s21  }
0x74: {  	s21 =	sand.u32 $0x70, s30;
	s23 =	sadd.s32 s23, s22  }
0x75: {  	s21 =	sadd.s32 s21, s23  }
0x76: {  	v1 =	vld [tilespmem:s21+$0x0];
	_ =	sdelay $0x2  }
0x77: {  	s23 =	simm.s32 $0x200  }
0x78: {  	s31 =	sand.u32 $0x3000, s23  }
0x79: {  	s24 =	simm.s32 $0x10;
	s26 =	sshrl.u32 s31, $0x2;
	vm0 =	vgt.f32 v1, $5.000000000e-01  }
0x7a: {  	s25 =	sand.u32 $0x70, s24;
	s21 =	simm.s32 $0x8000;
	s26 =	sadd.s32 s26, s22;
	v1 =	vimm.s32 $0x0;
	v2 =	vsel vm0, $0x1, v0  }
.LBB2_7:
0x7b: {  	s24 =	sadd.s32 $0x10, s24;
	s25 =	sadd.s32 s25, s26;
	[tilespmem:s21+$0x0] =	vst.add.s32.msk $0xffff, v2;
	v1 =	vadd.s32 v2, v1;
	s21 =	sadd.s32 $0x10, s21  }
0x7c: {  	p1 =	slt.u32 s24, $0x1F0;
	v2 =	vld [tilespmem:s25+$0x0];
	_ =	sdelay $0x1  }
.Ltmp4:
0x7d: {  	(pc) =	sbr.rel @p1 .LBB2_7-.Ltmp4, $4  }
0x7e: {  	s23 =	sadd.s32 $0x200, s23  }
0x7f: {  	s25 =	sand.u32 $0x3000, s23  }
0x80: {  	s26 =	sshrl.u32 s25, $0x2;
	vm0 =	vgt.f32 v2, $5.000000000e-01  }
0x81: {  	s25 =	sand.u32 $0x70, s24;
	s26 =	sadd.s32 s26, s22;
	v2 =	vsel vm0, $0x1, v0  }
0x82: {  	s22 =	sadd.s32 s25, s26;
	[tilespmem:s21+$0x0] =	vst.add.s32.msk $0xffff, v2  }
0x83: {  	v3 =	vld [tilespmem:s22+$0x0];
	_ =	sdelay $0x4  }
0x84: {  	s30 =	sor.u32 s11, s20;
	s20 =	sadd.s32 $0x1, s20;
	vm0 =	vgt.f32 v3, $5.000000000e-01  }
0x85: {  	v1 =	vadd.s32 v2, v1;
	p1 =	sne.s32 s20, $0x20;
	v2 =	vsel vm0, $0x1, v0  }
.Ltmp5:
0x86: {  	v1 =	vadd.s32 v2, v1;
	(pc) =	sbr.rel @p1 .LBB2_6-.Ltmp5, $4  }
0x87: {  	v3 =	vmov s30;
	vm15 =	vgt.s32 v1, $0x0  }
0x88: {  	v1 =	vmul.u32 s30, v1;
	v3 =	vnsel vm15, $0x400, v3  }
0x89: {  	s31 =	sadd.s32 $0x10, s21;
	vm1 =	vlt.s32 v38, v3  }
0x8a: {  	[tilespmem:s31+$0x0] =	vst.add.s32.msk $0xffff, v2;
	v37 =	vsel vm15, s30, v37;
	v39 =	vadd.s32 v39, v1;
	v38 =	vsel vm1, v38, v3  }
0x8b: {  	v43 =	vld [tilespmem:$0x8010];
	_ =	sdelay $0x1  }
0x8c: {  	v20 =	vld [tilespmem:$0x1FDD0];
	_ =	sdelay $0x1  }
0x8d: {  	v45 =	vld [tilespmem:$0x8000]  }
0x8e: {  	v1 =	vimm.s32 $0x0;
	vm0 =	vgt.s32 v43, $0x0  }
0x8f: {  	v1 =	vsel vm0, $0xFFFFFFFF, v1  }
0x90: {  	v2 =	vlaneseq.u32;
	[tilespmem:$0x1FDA0] =	vst v1;
	v1 =	vnsel vm0, $0xFFFFFFFF, v20  }
0x91: {  	vm0 =	vgt.s32 v1, v2  }
0x92: {  	v42 =	vld [tilespmem:$0x8020];
	vm1 =	vgt.s32 v45, $0x0;
	v2 =	vsel vm0, v1, v2  }
0x93: {  	v1 =	vsel vm1, v2, v1;
	v2 =	vld [tilespmem:$0x1FDE0];
	_ =	sdelay $0x3  }
0x94: {  	vm9 =	vgt.s32 v42, $0x0  }
0x95: {  	v2 =	vnsel vm9, $0xFFFFFFFF, v2  }
0x96: {  	v40 =	vld [tilespmem:$0x8030];
	vm0 =	vgt.s32 v1, v2  }
0x97: {  	v1 =	vsel vm0, v1, v2;
	v2 =	vld [tilespmem:$0x1FDF0];
	_ =	sdelay $0x3  }
0x98: {  	vm10 =	vgt.s32 v40, $0x0  }
0x99: {  	v2 =	vnsel vm10, $0xFFFFFFFF, v2  }
0x9a: {  	v41 =	vld [tilespmem:$0x8040];
	vm0 =	vgt.s32 v1, v2  }
0x9b: {  	v1 =	vsel vm0, v1, v2;
	v2 =	vld [tilespmem:$0x1FE00];
	_ =	sdelay $0x1  }
0x9c: {  	v3 =	vimm.s32 $0x0  }
0x9d: {  	v3 =	vsel vm1, $0xFFFFFFFF, v3  }
0x9e: {  	vm11 =	vgt.s32 v41, $0x0;
	[tilespmem:$0x1FDC0] =	vst v3;
	v3 =	vimm.s32 $0x0  }
0x9f: {  	v3 =	vsel vm9, $0xFFFFFFFF, v3;
	v2 =	vnsel vm11, $0xFFFFFFFF, v2  }
0xa0: {  	[tilespmem:$0x1FD90] =	vst v3;
	v3 =	vld [tilespmem:$0x8050];
	vm0 =	vgt.s32 v1, v2  }
0xa1: {  	v1 =	vsel vm0, v1, v2;
	v2 =	vld [tilespmem:$0x1FE10];
	_ =	sdelay $0x3  }
0xa2: {  	v4 =	vimm.s32 $0x0;
	vm12 =	vgt.s32 v3, $0x0  }
0xa3: {  	v4 =	vsel vm10, $0xFFFFFFFF, v4;
	v2 =	vnsel vm12, $0xFFFFFFFF, v2  }
0xa4: {  	[tilespmem:$0x1FD80] =	vst v4;
	v4 =	vld [tilespmem:$0x8060];
	vm0 =	vgt.s32 v1, v2  }
0xa5: {  	v1 =	vsel vm0, v1, v2;
	v2 =	vld [tilespmem:$0x1FE20];
	_ =	sdelay $0x1  }
0xa6: {  	v47 =	vld [tilespmem:$0x8070]  }
0xa7: {  	v48 =	vld [tilespmem:$0x8080]  }
0xa8: {  	v49 =	vld [tilespmem:$0x8090];
	vm13 =	vgt.s32 v4, $0x0  }
0xa9: {  	v51 =	vld [tilespmem:$0x80A0];
	v2 =	vnsel vm13, $0xFFFFFFFF, v2  }
0xaa: {  	v52 =	vld [tilespmem:$0x80B0];
	vm0 =	vgt.s32 v1, v2  }
0xab: {  	v1 =	vsel vm0, v1, v2;
	v2 =	vld [tilespmem:$0x1FE30]  }
0xac: {  	v21 =	vld [tilespmem:$0x1FE50]  }
0xad: {  	v53 =	vld [tilespmem:$0x80C0]  }
0xae: {  	v22 =	vld [tilespmem:$0x1FE60]  }
0xaf: {  	v54 =	vld [tilespmem:$0x80D0];
	vm14 =	vgt.s32 v47, $0x0  }
0xb0: {  	v23 =	vld [tilespmem:$0x1FE70];
	v2 =	vnsel vm14, $0xFFFFFFFF, v2  }
0xb1: {  	v56 =	vld [tilespmem:$0x80E0];
	vm0 =	vgt.s32 v1, v2  }
0xb2: {  	v1 =	vsel vm0, v1, v2;
	v2 =	vld [tilespmem:$0x1FE40]  }
0xb3: {  	v24 =	vld [tilespmem:$0x1FE80];
	[tilespmem:$0x1FD00] =	vst v3;
	v3 =	vimm.s32 $0x0  }
0xb4: {  	v57 =	vld [tilespmem:$0x80F0];
	v3 =	vsel vm12, $0xFFFFFFFF, v3  }
0xb5: {  	v25 =	vld [tilespmem:$0x1FE90];
	[tilespmem:$0x1FD60] =	vst v3;
	v3 =	vimm.s32 $0x0  }
0xb6: {  	v59 =	vld [tilespmem:$0x8100];
	vm15 =	vgt.s32 v48, $0x0;
	v3 =	vsel vm13, $0xFFFFFFFF, v3  }
0xb7: {  	v5 =	vimm.s32 $0x0;
	v26 =	vld [tilespmem:$0x1FEA0];
	[tilespmem:$0x1FD50] =	vst v3;
	v3 =	vimm.s32 $0x0;
	v2 =	vnsel vm15, $0xFFFFFFFF, v2  }
0xb8: {  	v60 =	vld [tilespmem:$0x8110];
	vm4 =	vgt.s32 v49, $0x0;
	v3 =	vsel vm14, $0xFFFFFFFF, v3;
	vm0 =	vgt.s32 v1, v2  }
0xb9: {  	v27 =	vld [tilespmem:$0x1FEB0];
	[tilespmem:$0x1FD40] =	vst v3;
	v3 =	vimm.s32 $0x0;
	v1 =	vsel vm0, v1, v2;
	v2 =	vnsel vm4, $0xFFFFFFFF, v21  }
0xba: {  	v61 =	vld [tilespmem:$0x8120];
	vm5 =	vgt.s32 v51, $0x0;
	v3 =	vsel vm15, $0xFFFFFFFF, v3;
	vm0 =	vgt.s32 v1, v2  }
0xbb: {  	v28 =	vld [tilespmem:$0x1FEC0];
	[tilespmem:$0x1FD20] =	vst v3;
	v3 =	vimm.s32 $0x0;
	v1 =	vsel vm0, v1, v2;
	v2 =	vnsel vm5, $0xFFFFFFFF, v22  }
0xbc: {  	v62 =	vld [tilespmem:$0x8130];
	vm6 =	vgt.s32 v52, $0x0;
	v3 =	vsel vm4, $0xFFFFFFFF, v3;
	vm0 =	vgt.s32 v1, v2  }
0xbd: {  	v29 =	vld [tilespmem:$0x1FED0];
	[tilespmem:$0x1FCF0] =	vst v3;
	v3 =	vimm.s32 $0x0;
	v1 =	vsel vm0, v1, v2;
	v2 =	vnsel vm6, $0xFFFFFFFF, v23  }
0xbe: {  	v30 =	vld [tilespmem:$0x1FEE0];
	vm7 =	vgt.s32 v53, $0x0;
	v3 =	vsel vm5, $0xFFFFFFFF, v3;
	vm0 =	vgt.s32 v1, v2  }
0xbf: {  	v31 =	vld [tilespmem:$0x1FEF0];
	[tilespmem:$0x1FCE0] =	vst v3;
	v3 =	vimm.s32 $0x0;
	v1 =	vsel vm0, v1, v2;
	v2 =	vnsel vm7, $0xFFFFFFFF, v24  }
0xc0: {  	v50 =	vld [tilespmem:$0x81F0];
	vm8 =	vgt.s32 v54, $0x0;
	v3 =	vsel vm6, $0xFFFFFFFF, v3;
	vm0 =	vgt.s32 v1, v2  }
0xc1: {  	v32 =	vld [tilespmem:$0x1FF00];
	[tilespmem:$0x1FCD0] =	vst v3;
	v3 =	vimm.s32 $0x0;
	v1 =	vsel vm0, v1, v2;
	v2 =	vnsel vm8, $0xFFFFFFFF, v25  }
0xc2: {  	v55 =	vld [tilespmem:$0x81E0];
	vm9 =	vgt.s32 v56, $0x0;
	v3 =	vsel vm7, $0xFFFFFFFF, v3;
	vm0 =	vgt.s32 v1, v2  }
0xc3: {  	v58 =	vld [tilespmem:$0x81D0];
	[tilespmem:$0x1FCC0] =	vst v3;
	v3 =	vimm.s32 $0x0;
	v1 =	vsel vm0, v1, v2;
	v2 =	vnsel vm9, $0xFFFFFFFF, v26  }
0xc4: {  	v33 =	vld [tilespmem:$0x1FF10];
	vm10 =	vgt.s32 v57, $0x0;
	v3 =	vsel vm8, $0xFFFFFFFF, v3;
	vm0 =	vgt.s32 v1, v2  }
0xc5: {  	v63 =	vld [tilespmem:$0x81C0];
	[tilespmem:$0x1FCB0] =	vst v3;
	v3 =	vimm.s32 $0x0;
	v1 =	vsel vm0, v1, v2;
	v2 =	vnsel vm10, $0xFFFFFFFF, v27  }
0xc6: {  	v19 =	vld [tilespmem:$0x81B0];
	v3 =	vsel vm9, $0xFFFFFFFF, v3;
	vm15 =	vgt.s32 v59, $0x0;
	vm0 =	vgt.s32 v1, v2  }
0xc7: {  	v17 =	vld [tilespmem:$0x81A0];
	[tilespmem:$0x1FCA0] =	vst v3;
	v3 =	vimm.s32 $0x0;
	v1 =	vsel vm0, v1, v2;
	v2 =	vnsel vm15, $0xFFFFFFFF, v28  }
0xc8: {  	v15 =	vld [tilespmem:$0x8190];
	v3 =	vsel vm10, $0xFFFFFFFF, v3;
	vm14 =	vgt.s32 v60, $0x0;
	vm0 =	vgt.s32 v1, v2  }
0xc9: {  	v5 =	vsel vm11, $0xFFFFFFFF, v5;
	[tilespmem:$0x1FC90] =	vst v3;
	v3 =	vnsel vm14, $0xFFFFFFFF, v29;
	v2 =	vsel vm0, v1, v2;
	v1 =	vld [tilespmem:$0x8140]  }
0xca: {  	v44 =	vld [tilespmem:$0x1FFB0];
	[tilespmem:$0x1FD70] =	vst v5;
	vm13 =	vgt.s32 v61, $0x0;
	vm0 =	vgt.s32 v2, v3  }
0xcb: {  	[tilespmem:$0x1FD10] =	vst v4;
	v5 =	vnsel vm13, $0xFFFFFFFF, v30;
	v4 =	vsel vm0, v2, v3;
	v3 =	vld [tilespmem:$0x8150]  }
0xcc: {  	v12 =	vld [tilespmem:$0x1FF20];
	vm12 =	vgt.s32 v62, $0x0;
	vm0 =	vgt.s32 v4, v5  }
0xcd: {  	v6 =	vnsel vm12, $0xFFFFFFFF, v31;
	v2 =	vld [tilespmem:$0x8160];
	v5 =	vsel vm0, v4, v5  }
0xce: {  	v13 =	vld [tilespmem:$0x8180];
	vm0 =	vgt.s32 v5, v6;
	vm10 =	vgt.s32 v1, $0x0  }
0xcf: {  	v4 =	vld [tilespmem:$0x8170];
	v5 =	vsel vm0, v5, v6;
	v6 =	vnsel vm10, $0xFFFFFFFF, v32  }
0xd0: {  	v34 =	vld [tilespmem:$0x1FF30];
	vm0 =	vgt.s32 v5, v6;
	vm8 =	vgt.s32 v3, $0x0  }
0xd1: {  	v18 =	vld [tilespmem:$0x1FFA0];
	v6 =	vsel vm0, v5, v6;
	v7 =	vnsel vm8, $0xFFFFFFFF, v33  }
0xd2: {  	v16 =	vld [tilespmem:$0x1FF90];
	vm5 =	vgt.s32 v2, $0x0;
	vm0 =	vgt.s32 v6, v7  }
0xd3: {  	v14 =	vld [tilespmem:$0x1FF80];
	vm11 =	vgt.s32 v50, $0x0;
	v10 =	vnsel vm5, $0xFFFFFFFF, v12;
	v8 =	vsel vm0, v6, v7  }
0xd4: {  	v11 =	vld [tilespmem:$0x1FF70];
	v5 =	vimm.s32 $0x0;
	vm2 =	vgt.s32 v4, $0x0;
	vm0 =	vgt.s32 v8, v10  }
0xd5: {  	v36 =	vld [tilespmem:$0x1FF50];
	v5 =	vsel vm11, $0xFFFFFFFF, v5;
	v35 =	vnsel vm2, $0xFFFFFFFF, v34;
	v8 =	vsel vm0, v8, v10  }
0xd6: {  	v9 =	vnsel vm11, $0x400, v44;
	vm11 =	vgt.s32 v55, $0x0;
	[tilespmem:$0x1FDB0] =	vst v5;
	v5 =	vld [tilespmem:$0x1FF60];
	vm3 =	vgt.s32 v8, v35  }
0xd7: {  	vm9 =	vgt.s32 v58, $0x0;
	v9 =	vsel vm11, v18, v9;
	v8 =	vsel vm3, v8, v35;
	v35 =	vld [tilespmem:$0x1FF40]  }
0xd8: {  	vm7 =	vgt.s32 v63, $0x0;
	v9 =	vsel vm9, v16, v9  }
0xd9: {  	vm6 =	vgt.s32 v19, $0x0;
	v9 =	vsel vm7, v14, v9  }
0xda: {  	vm4 =	vgt.s32 v17, $0x0;
	v9 =	vsel vm6, v11, v9  }
0xdb: {  	vm1 =	vgt.s32 v15, $0x0;
	v6 =	vld [tilespmem:$0x1FC90];
	vm0 =	vgt.s32 v13, $0x0;
	v9 =	vsel vm4, v5, v9  }
0xdc: {  	v9 =	vsel vm1, v36, v9;
	v46 =	vnsel vm0, $0xFFFFFFFF, v35  }
0xdd: {  	v9 =	vsel vm0, v35, v9;
	vm0 =	vgt.s32 v8, v46  }
0xde: {  	v8 =	vsel vm0, v8, v46;
	v46 =	vnsel vm1, $0xFFFFFFFF, v36  }
0xdf: {  	vm0 =	vgt.s32 v8, v46  }
0xe0: {  	v8 =	vsel vm0, v8, v46;
	v46 =	vnsel vm4, $0xFFFFFFFF, v5;
	vm4 =	vnez.u8 v6;
	v6 =	vld [tilespmem:$0x1FCA0];
	_ =	sdelay $0x3  }
0xe1: {  	vm0 =	vgt.s32 v8, v46  }
0xe2: {  	v8 =	vsel vm0, v8, v46;
	v46 =	vnsel vm6, $0xFFFFFFFF, v11;
	vm6 =	vnez.u8 v6;
	v6 =	vld [tilespmem:$0x1FCB0];
	_ =	sdelay $0x3  }
0xe3: {  	vm0 =	vgt.s32 v8, v46  }
0xe4: {  	v8 =	vsel vm0, v8, v46;
	v46 =	vnsel vm7, $0xFFFFFFFF, v14;
	vm7 =	vnez.u8 v6;
	v6 =	vld [tilespmem:$0x1FCC0];
	_ =	sdelay $0x2  }
0xe5: {  	v9 =	vsel vm2, v34, v9  }
0xe6: {  	v9 =	vsel vm5, v12, v9;
	vm5 =	vgt.s32 v8, v46  }
0xe7: {  	v8 =	vsel vm5, v8, v46;
	v46 =	vnsel vm9, $0xFFFFFFFF, v16;
	vm9 =	vnez.u8 v6;
	v6 =	vld [tilespmem:$0x1FCD0];
	_ =	sdelay $0x3  }
0xe8: {  	v9 =	vsel vm8, v33, v9  }
0xe9: {  	v9 =	vsel vm10, v32, v9;
	vm10 =	vnez.u8 v6;
	v6 =	vld [tilespmem:$0x1FCE0]  }
0xea: {  	v9 =	vsel vm12, v31, v9  }
0xeb: {  	v9 =	vsel vm13, v30, v9  }
0xec: {  	v9 =	vsel vm14, v29, v9  }
0xed: {  	v9 =	vsel vm15, v28, v9  }
0xee: {  	v9 =	vsel vm4, v27, v9;
	vm12 =	vnez.u8 v6;
	v6 =	vld [tilespmem:$0x1FCF0]  }
0xef: {  	v9 =	vsel vm6, v26, v9  }
0xf0: {  	v9 =	vsel vm7, v25, v9  }
0xf1: {  	v10 =	vlaneseq.u32;
	v9 =	vsel vm9, v24, v9  }
0xf2: {  	v10 =	vmul.u32 v10, v45;
	v9 =	vsel vm10, v23, v9  }
0xf3: {  	v45 =	vadd.s32 v45, v43;
	v9 =	vsel vm12, v22, v9;
	vm13 =	vnez.u8 v6  }
0xf4: {  	v43 =	vmul.u32 v20, v43;
	vm8 =	vgt.s32 v8, v46;
	v6 =	vsel vm13, v21, v9;
	v9 =	vld [tilespmem:$0x1FDE0]  }
0xf5: {  	v45 =	vadd.s32 v42, v45;
	v8 =	vsel vm8, v8, v46;
	v46 =	vnsel vm11, $0xFFFFFFFF, v18  }
0xf6: {  	v10 =	vadd.s32 v10, v43;
	v43 =	vadd.s32 v40, v45;
	v45 =	vld [tilespmem:$0x1FDF0];
	vm11 =	vgt.s32 v8, v46  }
0xf7: {  	v46 =	vsel vm11, v8, v46;
	v8 =	vld [tilespmem:$0x1FE10]  }
0xf8: {  	[tilespmem:$0x1FD30] =	vst v6;
	v6 =	vld [tilespmem:$0x1FD00]  }
0xf9: {  	v42 =	vmul.u32 v9, v42;
	_ =	sdelay $0x1  }
0xfa: {  	v40 =	vmul.u32 v45, v40;
	v10 =	vadd.s32 v42, v10;
	v42 =	vadd.s32 v41, v43;
	v43 =	vld [tilespmem:$0x1FE00]  }
0xfb: {  	v7 =	vld [tilespmem:$0x1FE20]  }
0xfc: {  	v10 =	vadd.s32 v40, v10;
	v40 =	vadd.s32 v6, v42;
	v42 =	vmul.u32 v8, v6;
	v6 =	vld [tilespmem:$0x1FD10];
	_ =	sdelay $0x2  }
0xfd: {  	v41 =	vmul.u32 v43, v41;
	_ =	sdelay $0x1  }
0xfe: {  	v40 =	vadd.s32 v6, v40;
	v10 =	vadd.s32 v41, v10;
	v41 =	vmul.u32 v7, v6;
	v6 =	vld [tilespmem:$0x1FE30];
	_ =	sdelay $0x4  }
0xff: {  	v40 =	vadd.s32 v47, v40;
	v10 =	vadd.s32 v42, v10;
	v42 =	vmul.u32 v6, v47;
	v47 =	vld [tilespmem:$0x1FE40];
	_ =	sdelay $0x4  }
0x100: {  	v40 =	vadd.s32 v48, v40;
	v10 =	vadd.s32 v41, v10;
	v48 =	vmul.u32 v47, v48  }
0x101: {  	v21 =	vmul.u32 v21, v49;
	v40 =	vadd.s32 v49, v40;
	v10 =	vadd.s32 v42, v10  }
0x102: {  	v22 =	vmul.u32 v22, v51;
	v40 =	vadd.s32 v51, v40;
	v10 =	vadd.s32 v48, v10  }
0x103: {  	v23 =	vmul.u32 v23, v52;
	v40 =	vadd.s32 v52, v40;
	v10 =	vadd.s32 v21, v10  }
0x104: {  	v24 =	vmul.u32 v24, v53;
	v40 =	vadd.s32 v53, v40;
	v10 =	vadd.s32 v22, v10  }
0x105: {  	v25 =	vmul.u32 v25, v54;
	v40 =	vadd.s32 v54, v40;
	v10 =	vadd.s32 v23, v10  }
0x106: {  	v26 =	vmul.u32 v26, v56;
	v40 =	vadd.s32 v56, v40;
	v10 =	vadd.s32 v24, v10  }
0x107: {  	v27 =	vmul.u32 v27, v57;
	v40 =	vadd.s32 v57, v40;
	v10 =	vadd.s32 v25, v10  }
0x108: {  	v28 =	vmul.u32 v28, v59;
	v40 =	vadd.s32 v59, v40;
	v10 =	vadd.s32 v26, v10  }
0x109: {  	v29 =	vmul.u32 v29, v60;
	v40 =	vadd.s32 v60, v40;
	v10 =	vadd.s32 v27, v10  }
0x10a: {  	v30 =	vmul.u32 v30, v61;
	v40 =	vadd.s32 v61, v40;
	v10 =	vadd.s32 v28, v10  }
0x10b: {  	v40 =	vadd.s32 v62, v40;
	v48 =	vmul.u32 v31, v62;
	v10 =	vadd.s32 v29, v10  }
0x10c: {  	v40 =	vadd.s32 v1, v40;
	v1 =	vmul.u32 v32, v1;
	v10 =	vadd.s32 v30, v10  }
0x10d: {  	v40 =	vadd.s32 v3, v40;
	v3 =	vmul.u32 v33, v3;
	v10 =	vadd.s32 v48, v10  }
0x10e: {  	v49 =	vadd.s32 v2, v40;
	v2 =	vmul.u32 v12, v2;
	v1 =	vadd.s32 v1, v10  }
0x10f: {  	v1 =	vadd.s32 v3, v1;
	v3 =	vadd.s32 v4, v49;
	v4 =	vmul.u32 v34, v4  }
0x110: {  	v1 =	vadd.s32 v2, v1;
	v2 =	vadd.s32 v13, v3;
	v3 =	vmul.u32 v35, v13  }
0x111: {  	v1 =	vadd.s32 v4, v1  }
0x112: {  	v1 =	vadd.s32 v3, v1;
	v3 =	vmul.u32 v5, v17;
	v5 =	vld [tilespmem:$0x1FD20];
	_ =	sdelay $0x1  }
0x113: {  	v4 =	vmul.u32 v36, v15  }
0x114: {  	v2 =	vadd.s32 v15, v2  }
0x115: {  	v51 =	vld [tilespmem:$0x1FD40];
	v2 =	vadd.s32 v17, v2;
	v1 =	vadd.s32 v4, v1  }
0x116: {  	v2 =	vadd.s32 v19, v2;
	v4 =	vmul.u32 v11, v19;
	vm14 =	vnez.u8 v5;
	v5 =	vld [tilespmem:$0x1FD30]  }
0x117: {  	v1 =	vadd.s32 v3, v1;
	v2 =	vadd.s32 v63, v2;
	v3 =	vmul.u32 v14, v63  }
0x118: {  	v1 =	vadd.s32 v4, v1;
	v2 =	vadd.s32 v58, v2;
	v4 =	vmul.u32 v16, v58  }
0x119: {  	v1 =	vadd.s32 v3, v1;
	v2 =	vadd.s32 v55, v2  }
0x11a: {  	v1 =	vadd.s32 v4, v1;
	v2 =	vadd.s32 v50, v2;
	v4 =	vmul.u32 v44, v50;
	v50 =	vld [tilespmem:$0x1FFC0]  }
0x11b: {  	vm15 =	vnez.u8 v51;
	v5 =	vsel vm14, v47, v5  }
0x11c: {  	v5 =	vsel vm15, v6, v5;
	v6 =	vld [tilespmem:$0x1FD50]  }
0x11d: {  	v3 =	vmul.u32 v18, v55;
	_ =	sdelay $0x1  }
0x11e: {  	v1 =	vadd.s32 v3, v1;
	v3 =	vperm.xlane v2, v50  }
0x11f: {  	v52 =	vld [tilespmem:$0x1FFD0];
	v1 =	vadd.s32 v4, v1  }
0x120: {  	v2 =	vadd.s32 v3, v2;
	v3 =	vperm.xlane v1, v50;
	vm4 =	vnez.u8 v6;
	v6 =	vld [tilespmem:$0x1FD60]  }
0x121: {  	v5 =	vsel vm4, v7, v5;
	v7 =	vld [tilespmem:$0x1FD70]  }
0x122: {  	v1 =	vadd.s32 v1, v3;
	v3 =	vld [tilespmem:$0x1FD80]  }
0x123: {  	v4 =	vperm.xlane v39, v50;
	_ =	sdelay $0x1  }
0x124: {  	v53 =	vld [tilespmem:$0x1FFE0];
	v4 =	vadd.s32 v39, v4;
	vm5 =	vnez.u8 v6;
	v6 =	vperm.xlane v2, v52  }
0x125: {  	v56 =	vld [tilespmem:$0x1FDC0];
	v5 =	vsel vm5, v8, v5;
	vm6 =	vnez.u8 v7;
	v7 =	vperm.xlane v4, v52  }
0x126: {  	vm7 =	vnez.u8 v3;
	v5 =	vsel vm6, v43, v5;
	v2 =	vadd.s32 v6, v2;
	v6 =	vld [tilespmem:$0x1FD90]  }
0x127: {  	v3 =	vsel vm7, v45, v5;
	v5 =	vperm.xlane v1, v52;
	v4 =	vadd.s32 v7, v4;
	v7 =	vld [tilespmem:$0x1FDA0];
	_ =	sdelay $0x1  }
0x128: {  	v1 =	vadd.s32 v5, v1;
	v5 =	vld [tilespmem:$0x1FDB0]  }
0x129: {  	v54 =	vld [tilespmem:$0x1FFF0]  }
0x12a: {  	vm11 =	vnez.u8 v56;
	v55 =	vperm.xlane v38, v50;
	vm8 =	vnez.u8 v6  }
0x12b: {  	v6 =	vperm.xlane v2, v53;
	v3 =	vsel vm8, v9, v3;
	vm9 =	vnez.u8 v7  }
0x12c: {  	vm12 =	vlt.s32 v38, v55;
	v7 =	vperm.xlane v4, v53;
	v3 =	vsel vm9, v20, v3  }
0x12d: {  	v2 =	vadd.s32 v6, v2;
	v6 =	vperm.xlane v1, v53;
	vm10 =	vnez.u8 v5  }
0x12e: {  	v4 =	vadd.s32 v7, v4;
	v7 =	vperm.xlane v2, v54;
	v5 =	vnsel vm10, $0xFFFFFFFF, v44  }
0x12f: {  	v8 =	vperm.xlane v4, v54;
	v6 =	vadd.s32 v6, v1;
	vm0 =	vgt.s32 v46, v5  }
0x130: {  	v1 =	vadd.s32 v7, v2;
	v7 =	vperm.xlane v6, v54;
	v2 =	vlaneseq.u32  }
0x131: {  	v10 =	vsel vm11, v2, v3;
	v2 =	vadd.s32 v8, v4;
	v4 =	vperm.xlane v37, v50  }
0x132: {  	v5 =	vsel vm0, v46, v5;
	v3 =	vadd.s32 v7, v6;
	v6 =	vperm.xlane v10, v50  }
0x133: {  	v7 =	vsel vm12, v38, v55;
	v8 =	vperm.xlane v5, v50;
	vm13 =	vgt.s32 v37, v4  }
0x134: {  	v9 =	vperm.xlane v7, v52;
	v4 =	vsel vm13, v37, v4;
	vm14 =	vlt.s32 v10, v6  }
0x135: {  	vm15 =	vgt.s32 v5, v8;
	v6 =	vsel vm14, v10, v6;
	v57 =	vperm.xlane v4, v52  }
0x136: {  	v5 =	vsel vm15, v5, v8;
	vm4 =	vlt.s32 v7, v9;
	v8 =	vperm.xlane v6, v52  }
0x137: {  	v7 =	vsel vm4, v7, v9;
	v58 =	vperm.xlane v5, v52;
	vm5 =	vgt.s32 v4, v57  }
0x138: {  	v59 =	vperm.xlane v7, v53;
	v4 =	vsel vm5, v4, v57;
	vm6 =	vlt.s32 v6, v8  }
0x139: {  	vm7 =	vgt.s32 v5, v58;
	v6 =	vsel vm6, v6, v8;
	v8 =	vperm.xlane v4, v53  }
0x13a: {  	v5 =	vsel vm7, v5, v58;
	vm8 =	vlt.s32 v7, v59;
	v60 =	vperm.xlane v6, v53  }
0x13b: {  	v7 =	vsel vm8, v7, v59;
	v61 =	vperm.xlane v5, v53;
	vm9 =	vgt.s32 v4, v8  }
0x13c: {  	[tilespmem:$0x8580] =	vst v0;
	v8 =	vsel vm9, v4, v8;
	v4 =	vperm.xlane v7, v54;
	vm10 =	vlt.s32 v6, v60  }
0x13d: {  	[tilespmem:$0x8200] =	vst v1;
	vm11 =	vgt.s32 v5, v61;
	v6 =	vsel vm10, v6, v60;
	v62 =	vperm.xlane v8, v54  }
0x13e: {  	[tilespmem:$0x8280] =	vst v2;
	v10 =	vsel vm11, v5, v61;
	vm12 =	vlt.s32 v7, v4;
	v63 =	vperm.xlane v6, v54  }
0x13f: {  	[tilespmem:$0x8300] =	vst v3;
	v4 =	vsel vm12, v7, v4;
	vm13 =	vgt.s32 v8, v62;
	v7 =	vperm.xlane v10, v54  }
0x140: {  	v5 =	vsel vm13, v8, v62;
	vm14 =	vlt.s32 v6, v63;
	[tilespmem:$0x8380] =	vst v4  }
0x141: {  	v6 =	vsel vm14, v6, v63;
	vm15 =	vgt.s32 v10, v7;
	[tilespmem:$0x8400] =	vst v5  }
0x142: {  	v7 =	vsel vm15, v10, v7;
	[tilespmem:$0x8480] =	vst v6  }
0x143: {  	[tilespmem:$0x8500] =	vst v7  }
0x144: {  	[hbm4b:s7+s1] =	stream.linear.scatter [tilespmem:s14], [sflag:$0x3], $0x400, $0x38;
	[tilespmem:$0xA280] =	vst v63  }
.Ltmp6:
0x145: {  	_ =	swait.ge [sflag:s15], $0x400;
	(pc) =	sbr.rel @p0 .LBB2_11-.Ltmp6, $3  }
0x146: {  	[sflag:s15] =	ssyncset.done $0x0  }
0x147: {  	[sflag:s15] =	ssyncadd.s32 $0xFFFFFC00  }
0x148: {  	[bflag:$0x0] =	sbarrier.arrive $0xFFFF;
	_ =	sdelay $0x1  }
0x149: {  	[tilespmem:s16], [sflag:$0x3] =	stream.linear.gather [hbm4b:s8+s1], $0x1C00, $0x38;
	[tilespmem:$0xA280] =	vst v63  }
0x14a: {  	_ =	swait.ge [sflag:s15], $0x1C00  }
0x14b: {  	[sflag:s15] =	ssyncset.done $0x0  }
0x14c: {  	[sflag:s15] =	ssyncadd.s32 $0xFFFFE400  }
0x14d: {  	v8 =	vld [tilespmem:$0x8600]  }
0x14e: {  	v9 =	vld [tilespmem:$0x8680]  }
0x14f: {  	v10 =	vld [tilespmem:$0x8700]  }
0x150: {  	v11 =	vld [tilespmem:$0x8780]  }
0x151: {  	v37 =	vld [tilespmem:$0x8800]  }
0x152: {  	v38 =	vld [tilespmem:$0x8880]  }
0x153: {  	v39 =	vld [tilespmem:$0x8900]  }
0x154: {  	v40 =	vld [tilespmem:$0x8A00]  }
0x155: {  	v41 =	vld [tilespmem:$0x8A80]  }
0x156: {  	v42 =	vld [tilespmem:$0x8B00]  }
0x157: {  	v43 =	vld [tilespmem:$0x8B80]  }
0x158: {  	v44 =	vld [tilespmem:$0x8C00]  }
0x159: {  	v45 =	vld [tilespmem:$0x8C80]  }
0x15a: {  	v46 =	vld [tilespmem:$0x8D00]  }
0x15b: {  	v47 =	vld [tilespmem:$0x8E00]  }
0x15c: {  	v48 =	vld [tilespmem:$0x8E80]  }
0x15d: {  	v49 =	vld [tilespmem:$0x8F00]  }
0x15e: {  	v50 =	vld [tilespmem:$0x8F80]  }
0x15f: {  	v51 =	vld [tilespmem:$0x9000]  }
0x160: {  	v52 =	vld [tilespmem:$0x9080]  }
0x161: {  	v53 =	vld [tilespmem:$0x9100]  }
0x162: {  	v54 =	vld [tilespmem:$0x9200]  }
0x163: {  	v55 =	vld [tilespmem:$0x9280]  }
0x164: {  	v19 =	vld [tilespmem:$0x9380]  }
0x165: {  	v20 =	vld [tilespmem:$0x9400]  }
0x166: {  	v21 =	vld [tilespmem:$0x9480]  }
0x167: {  	v22 =	vld [tilespmem:$0x9500]  }
0x168: {  	vm2 =	vmmov $0x1;
	v23 =	vld [tilespmem:$0x9600];
	v1 =	vadd.s32 v1, v8  }
0x169: {  	v24 =	vld [tilespmem:$0x9780];
	v2 =	vadd.s32 v2, v9;
	v3 =	vadd.s32 v3, v10;
	vm0 =	vlt.s32 v4, v11  }
0x16a: {  	v25 =	vld [tilespmem:$0x9800];
	vm6 =	vgt.s32 v5, v37;
	vm1 =	vlt.s32 v6, v38;
	vm7 =	vgt.s32 v7, v39  }
0x16b: {  	v26 =	vld [tilespmem:$0x9880];
	v4 =	vsel vm0, v4, v11;
	v5 =	vsel vm6, v5, v37;
	v6 =	vsel vm1, v6, v38  }
0x16c: {  	v27 =	vld [tilespmem:$0x9900];
	v7 =	vsel vm7, v7, v39;
	v1 =	vadd.s32 v40, v1;
	v2 =	vadd.s32 v41, v2  }
0x16d: {  	v28 =	vld [tilespmem:$0x9A00];
	v3 =	vadd.s32 v42, v3;
	vm8 =	vlt.s32 v4, v43;
	vm9 =	vgt.s32 v5, v44  }
0x16e: {  	v29 =	vld [tilespmem:$0x9B80];
	vm10 =	vlt.s32 v6, v45;
	vm11 =	vgt.s32 v7, v46;
	v1 =	vadd.s32 v47, v1  }
0x16f: {  	v30 =	vld [tilespmem:$0x9C00];
	v2 =	vadd.s32 v48, v2;
	v3 =	vadd.s32 v49, v3;
	v4 =	vsel vm8, v4, v43  }
0x170: {  	v31 =	vld [tilespmem:$0x9C80];
	v5 =	vsel vm9, v5, v44;
	v6 =	vsel vm10, v6, v45;
	v7 =	vsel vm11, v7, v46  }
0x171: {  	v33 =	vld [tilespmem:$0x9E00];
	v1 =	vadd.s32 v54, v1;
	v2 =	vadd.s32 v55, v2;
	vm12 =	vlt.s32 v4, v50  }
0x172: {  	v47 =	vld [tilespmem:$0x9300];
	vm13 =	vgt.s32 v5, v51;
	vm14 =	vlt.s32 v6, v52;
	vm1 =	vgt.s32 v7, v53  }
0x173: {  	v48 =	vld [tilespmem:$0x9680];
	v1 =	vadd.s32 v23, v1;
	v4 =	vsel vm12, v4, v50;
	v5 =	vsel vm13, v5, v51  }
0x174: {  	v32 =	vld [tilespmem:$0x9D00];
	v6 =	vsel vm14, v6, v52;
	v7 =	vsel vm1, v7, v53;
	v1 =	vadd.s32 v28, v1  }
0x175: {  	v49 =	vld [tilespmem:$0x9700];
	vm15 =	vlt.s32 v4, v19;
	vm4 =	vgt.s32 v5, v20;
	vm5 =	vlt.s32 v6, v21  }
0x176: {  	v34 =	vld [tilespmem:$0x9F80];
	vm1 =	vgt.s32 v7, v22;
	v1 =	vadd.s32 v33, v1;
	v4 =	vsel vm15, v4, v19  }
0x177: {  	v35 =	vld [tilespmem:$0xA000];
	v5 =	vsel vm4, v5, v20;
	v6 =	vsel vm5, v6, v21;
	v7 =	vsel vm1, v7, v22  }
0x178: {  	v50 =	vld [tilespmem:$0x9A80];
	v10 =	vcvt.s32.f32 v1;
	v3 =	vadd.s32 v47, v3;
	v2 =	vadd.s32 v48, v2  }
0x179: {  	v51 =	vld [tilespmem:$0x9B00];
	vm6 =	vlt.s32 v4, v24;
	vm7 =	vgt.s32 v5, v25;
	vm8 =	vlt.s32 v6, v26  }
0x17a: {  	v54 =	vld [tilespmem:$0x9F00];
	vm1 =	vgt.s32 v7, v27;
	v3 =	vadd.s32 v49, v3;
	v4 =	vsel vm6, v4, v24  }
0x17b: {  	v52 =	vld [tilespmem:$0x9E80];
	v5 =	vsel vm7, v5, v25;
	v6 =	vsel vm8, v6, v26;
	v7 =	vsel vm1, v7, v27  }
0x17c: {  	v45 =	vld [tilespmem:$0xA080];
	v10 =	vmax.f32 v10, $1.000000000e+00;
	vm9 =	vlt.s32 v4, v29;
	vm10 =	vgt.s32 v5, v30  }
0x17d: {  	v46 =	vld [tilespmem:$0xA100];
	vm11 =	vlt.s32 v6, v31;
	vm1 =	vgt.s32 v7, v32;
	(erf) = vrcp.f32 v10  }
0x17e: {  	v2 =	vadd.s32 v50, v2;
	v3 =	vadd.s32 v51, v3;
	v4 =	vsel vm9, v4, v29  }
0x17f: {  	v5 =	vsel vm10, v5, v30;
	v6 =	vsel vm11, v6, v31;
	v7 =	vsel vm1, v7, v32  }
0x180: {  	v2 =	vadd.s32 v52, v2;
	v3 =	vadd.s32 v54, v3;
	vm9 =	veq.s32 v1, $0x0  }
0x181: {  	vm10 =	vcmask $0x31C;
	vm12 =	vlt.s32 v4, v34;
	vm13 =	vgt.s32 v5, v35  }
0x182: {  	vm14 =	vlt.s32 v6, v45;
	vm15 =	vgt.s32 v7, v46;
	v4 =	vsel vm12, v4, v34  }
0x183: {  	v5 =	vsel vm13, v5, v35;
	v6 =	vsel vm14, v6, v45;
	v7 =	vsel vm15, v7, v46  }
0x184: {  	vm11 =	vcmask $0x71C;
	v53 =	vsub.s32 v5, v4;
	v39 =	vsub.s32 v7, v6  }
0x185: {  	v2 =	vcvt.s32.f32 v2;
	v38 =	vadd.s32 $0x1, v53;
	v39 =	vadd.s32 $0x1, v39  }
0x186: {  	v3 =	vcvt.s32.f32 v3;
	vm12 =	vcmask $0xB1C;
	vm4 =	vgt.s32 v38, v39  }
0x187: {  	vm13 =	vcmask $0xF1C;
	v4 =	vadd.s32 v4, v5;
	v55 =	vsel vm4, v38, v39  }
0x188: {  	v56 =	vadd.s32 v6, v7;
	v4 =	vshra.s32 v4, $0x1;
	v57 =	vshra.s32 v55, $0x1  }
0x189: {  	v5 =	vshra.s32 v56, $0x1;
	v61 =	vsel vm9, $0x100, v55;
	v58 =	vsub.s32 v4, v57  }
0x18a: {  	v59 =	vsub.s32 v5, v57;
	v4 =	vadd.s32 v4, v57;
	v5 =	vadd.s32 v5, v57  }
0x18b: {  	v60 =	vpop (erf);
	vm5 =	vgt.s32 v58, $0x0;
	vm6 =	vgt.s32 v59, $0x0;
	vm7 =	vlt.s32 v4, $0x200  }
0x18c: {  	v2 =	vmul.f32 v2, v60;
	vm8 =	vlt.s32 v5, $0x200;
	v1 =	vmul.f32 v3, v60  }
0x18d: {  	v7 =	vnsel vm5, $0x0, v58;
	v8 =	vnsel vm6, $0x0, v59;
	v4 =	vnsel vm7, $0x200, v4  }
0x18e: {  	v3 =	vnsel vm8, $0x200, v5;
	v5 =	vcvt.s32.f32 v61;
	v2 =	vsel vm9, $0x43800000, v2  }
0x18f: {  	v1 =	vsel vm9, $0x43800000, v1;
	v62 =	vsel vm9, $0x80, v7;
	v2 =	vnsel vm2, $0x0, v2  }
0x190: {  	v63 =	vsel vm9, $0x80, v8;
	v6 =	vcvt.s32.f32 v62;
	v1 =	vsel vm10, v2, v1  }
0x191: {  	v4 =	vsel vm9, $0x180, v4;
	v2 =	vcvt.s32.f32 v63;
	v1 =	vsel vm11, v1, v5  }
0x192: {  	v3 =	vsel vm9, $0x180, v3;
	v4 =	vcvt.s32.f32 v4;
	v1 =	vsel vm12, v1, v6  }
0x193: {  	vm14 =	vcmask $0x131C;
	v3 =	vcvt.s32.f32 v3;
	v1 =	vsel vm13, v1, v2  }
0x194: {  	vm15 =	vcmask $0x171C;
	v1 =	vsel vm14, v1, v4  }
0x195: {  	v1 =	vsel vm15, v1, v3  }
.Ltmp7:
0x196: {  	[tilespmem:$0xA200] =	vst v1;
	(pc) =	sbr.rel .LBB2_11-.Ltmp7, $4  }
0x197: {  	[hbm4b:s9+s1] =	stream.linear.scatter [tilespmem:s17], [sflag:$0x3], $0x80, $0x38;
	[tilespmem:$0xA280] =	vst v63  }
0x198: {  	_ =	swait.ge [sflag:s15], $0x80  }
0x199: {  	[sflag:s15] =	ssyncset.done $0x0  }
0x19a: {  	[sflag:s15] =	ssyncadd.s32 $0xFFFFFF80  }
.LBB2_12:
0x19b: {  	_ =	sfence.sel $0x180000  }
0x19c: {  	[bflag:$0x0] =	sbarrier.arrive $0xFFFF  }
0x19d: {  	p0 =	sne.s32 s0, $0x0;
	_ =	strace $0x90000047  }
0x19e: {  	s0 =	sadd.s32 @!p0 $0x100000, s2;
	[bflag:$0x2] =	sbarrier.arrive $0xFFFF  }
0x19f: {  	[sflag:s0] =	ssyncadd.tile.s32 @!p0 $0x1;
	_ =	shalt  }
.Lfunc_end2:
_tile_overlayer_lowered:
.L_overlay_start_2:
0x1a0: {  	(tag) =	ssettag $0x2  }
0x1a1: {  	s0 =	rddreg [dreg:$0x0];
	s2 =	stileid.u32  }
0x1a2: {  	s1 =	rddreg [dreg:$0x1];
	p0 =	sne.s32 s2, $0x0  }
0x1a3: {  	s3 =	rddreg [dreg:$0x2];
	[bflag:$0x3] =	sbarrier.arrive $0xFFFF;
	s2 =	simm.s32 @!p0 $0x1C03  }
0x1a4: {  	[timem:s3], [sflag:s2] =	dma.local @!p0 [hbm:s0], s1  }
0x1a5: {  	s0 =	simm.s32 @!p0 $0x3  }
0x1a6: {  	_ =	swait.ge @!p0 [sflag:s0], s1  }
0x1a7: {  	s1 =	ssub.s32 @!p0 $0x0, s1;
	[sflag:s0] =	ssyncset.done @!p0 $0x0  }
0x1a8: {  	[sflag:s0] =	ssyncadd.s32 @!p0 s1  }
0x1a9: {  	[bflag:$0x3] =	sbarrier.arrive $0xFFFF  }
0x1aa: {  	_ =	shalt  }

</sc_bundles>
